<compile_context>
chip_gen: v7x
topology: tpu7x:2x2x1
jax: 0.10.2.dev20260603
libtpu: 0.0.44.dev20260713+nightly
codegen_flags: <defaults>
</compile_context>

<pallas_src>
import jax
import jax.numpy as jnp
from jax import lax
from jax.experimental import pallas as pl
from jax.experimental.pallas import tpu as pltpu
from jax.experimental.pallas import tpu_sc as plsc

N_NODES = 10000
N_EDGES = 320000
D = 128
N_GRAPHS = 64

NC = 2
NS = 16
NW = NC * NS
EPT = N_EDGES // NW
K = 80
NCHUNK = EPT // K
NPAD = 10240
RPT = NPAD // NS
LANES = 16
NR = 3
NI = 6
UNROLL = 6
NITER = (NCHUNK + NR) // UNROLL + 1

ZB = 40

def _sc_agg_body(x_hbm, src_hbm, dst_hbm, parts_hbm, acc, *scratch):
  srcb = list(scratch[0:NI])
  dstb = list(scratch[NI:2 * NI])
  rows = list(scratch[2 * NI:2 * NI + NR])
  gsem = list(scratch[2 * NI + NR:2 * NI + 2 * NR])
  ssem = list(scratch[2 * NI + 2 * NR:2 * NI + 3 * NR])
  isem = list(scratch[2 * NI + 3 * NR:3 * NI + 3 * NR])
  zbuf = scratch[3 * NI + 3 * NR]
  zsem = scratch[3 * NI + 3 * NR + 1]

  cid = lax.axis_index("c")
  sid = lax.axis_index("s")
  wid = cid * NS + sid
  base = wid * EPT

  def idx_load(chunk_i, ring):
    off = pl.multiple_of(base + chunk_i * K, 8)
    pltpu.async_copy(src_hbm.at[pl.ds(off, K)], srcb[ring], isem[ring])
    pltpu.async_copy(dst_hbm.at[pl.ds(off, K)], dstb[ring], isem[ring])

  for c in range(NR):
    idx_load(c, c)
  for c in range(NR):
    pltpu.make_async_copy(src_hbm.at[pl.ds(0, K)], srcb[c], isem[c]).wait()
    pltpu.make_async_copy(dst_hbm.at[pl.ds(0, K)], dstb[c], isem[c]).wait()
    pltpu.async_copy(x_hbm.at[srcb[c]], rows[c], gsem[c])

  zeros16 = jnp.zeros((LANES,), jnp.float32)

  def zbody(r, carry):
    for c in range(D // LANES):
      zbuf[r, pl.ds(c * LANES, LANES)] = zeros16
    return carry

  lax.fori_loop(0, ZB, zbody, 0)
  for k in range(RPT // ZB):
    pltpu.async_copy(zbuf, acc.at[pl.ds(sid * RPT + k * ZB, ZB)], zsem)
  for k in range(RPT // ZB):
    pltpu.make_async_copy(zbuf, acc.at[pl.ds(sid * RPT + k * ZB, ZB)],
                          zsem).wait()
  plsc.subcore_barrier()

  def pipeline(g, carry):
    for b in range(UNROLL):
      i = g * UNROLL + b
      rb = b % NR

      @pl.when(jnp.logical_and(i >= NR, i < NCHUNK + NR))
      def _():
        pltpu.make_async_copy(rows[rb], acc.at[dstb[(b - NR) % NI]],
                              ssem[rb]).wait()

      @pl.when(i + NR < NCHUNK)
      def _():
        idx_load(i + NR, (b + NR) % NI)

      @pl.when(jnp.logical_and(i >= NR, i < NCHUNK))
      def _():
        pltpu.make_async_copy(src_hbm.at[pl.ds(0, K)], srcb[b % NI],
                              isem[b % NI]).wait()
        pltpu.make_async_copy(dst_hbm.at[pl.ds(0, K)], dstb[b % NI],
                              isem[b % NI]).wait()
        pltpu.async_copy(x_hbm.at[srcb[b % NI]], rows[rb], gsem[rb])

      @pl.when(jnp.logical_and(i >= 1, i <= NCHUNK))
      def _():
        pltpu.make_async_copy(x_hbm.at[srcb[(b - 1) % NI]],
                              rows[(b - 1) % NR],
                              gsem[(b - 1) % NR]).wait()
        pltpu.async_copy(rows[(b - 1) % NR], acc.at[dstb[(b - 1) % NI]],
                         ssem[(b - 1) % NR], add=True)
    return carry

  lax.fori_loop(0, NITER, pipeline, 0)
  plsc.subcore_barrier()

  pltpu.sync_copy(acc.at[pl.ds(sid * RPT, RPT)],
                  parts_hbm.at[cid, pl.ds(sid * RPT, RPT)])


def _sc_agg(x, src, dst):
  mesh = plsc.VectorSubcoreMesh(
      core_axis_name="c", subcore_axis_name="s", num_cores=NC, num_subcores=NS
  )
  call = pl.kernel(
      _sc_agg_body,
      out_type=jax.ShapeDtypeStruct((NC, NPAD, D), jnp.float32),
      mesh=mesh,
      scratch_types=(
          [pltpu.VMEM_SHARED((NPAD, D), jnp.float32)]
          + [pltpu.VMEM((K,), jnp.int32) for _ in range(2 * NI)]
          + [pltpu.VMEM((K, D), jnp.float32) for _ in range(NR)]
          + [pltpu.SemaphoreType.DMA for _ in range(2 * NR + NI)]
          + [pltpu.VMEM((ZB, D), jnp.float32), pltpu.SemaphoreType.DMA]
      ),
      name="sc_edge_agg",
  )
  return call(x, src, dst)

_BLK = 1000
_NBLK = N_NODES // _BLK


def _pre_body(x_ref, wroot_ref, b_ref, batch_ref, z_ref, cnt_ref, cnt_acc):
  i = pl.program_id(0)

  @pl.when(i == 0)
  def _():
    cnt_acc[...] = jnp.zeros_like(cnt_acc)

  z = lax.dot_general(x_ref[...], wroot_ref[...], (((1,), (1,)), ((), ())),
                      preferred_element_type=jnp.float32)
  z_ref[...] = z + b_ref[...]

  b_ids = batch_ref[0, 0, :]
  onehot = (b_ids[:, None] ==
            lax.broadcasted_iota(jnp.int32, (1, N_GRAPHS), 1)
            ).astype(jnp.float32)
  cnt_acc[...] += jnp.sum(onehot, axis=0, keepdims=True)

  @pl.when(i == _NBLK - 1)
  def _():
    cnt_ref[...] = cnt_acc[...]


def _pre_stage(x, w_root, b_rel, batch3):
  return pl.pallas_call(
      _pre_body,
      grid=(_NBLK,),
      in_specs=[
          pl.BlockSpec((_BLK, D), lambda i: (i, 0)),
          pl.BlockSpec((D, D), lambda i: (0, 0)),
          pl.BlockSpec((1, D), lambda i: (0, 0)),
          pl.BlockSpec((1, 1, _BLK), lambda i: (i, 0, 0)),
      ],
      out_specs=[
          pl.BlockSpec((_BLK, D), lambda i: (i, 0)),
          pl.BlockSpec((1, N_GRAPHS), lambda i: (0, 0)),
      ],
      out_shape=[
          jax.ShapeDtypeStruct((N_NODES, D), jnp.float32),
          jax.ShapeDtypeStruct((1, N_GRAPHS), jnp.float32),
      ],
      scratch_shapes=[pltpu.VMEM((1, N_GRAPHS), jnp.float32)],
  )(x, w_root, b_rel.reshape(1, D), batch3)


def _lin_body(p_ref, z_ref, wrel_ref, o_ref):
  agg = p_ref[0] + p_ref[1]
  h = lax.dot_general(agg, wrel_ref[...], (((1,), (1,)), ((), ())),
                      preferred_element_type=jnp.float32)
  o_ref[...] = jnp.maximum(h + z_ref[...], 0.0)


def _layer_linear(parts, z1, w_rel):
  return pl.pallas_call(
      _lin_body,
      grid=(_NBLK,),
      in_specs=[
          pl.BlockSpec((NC, _BLK, D), lambda i: (0, i, 0)),
          pl.BlockSpec((_BLK, D), lambda i: (i, 0)),
          pl.BlockSpec((D, D), lambda i: (0, 0)),
      ],
      out_specs=pl.BlockSpec((_BLK, D), lambda i: (i, 0)),
      out_shape=jax.ShapeDtypeStruct((N_NODES, D), jnp.float32),
  )(parts, z1, w_rel)


def _final_body(p_ref, h1_ref, batch_ref, wrel_ref, wroot_ref, b_ref,
                wfc_ref, bfc_ref, cnt_ref, o_ref, pooled_acc):
  i = pl.program_id(0)

  @pl.when(i == 0)
  def _():
    pooled_acc[...] = jnp.zeros_like(pooled_acc)

  agg = p_ref[0] + p_ref[1]
  h = lax.dot_general(agg, wrel_ref[...], (((1,), (1,)), ((), ())),
                      preferred_element_type=jnp.float32)
  h += lax.dot_general(h1_ref[...], wroot_ref[...], (((1,), (1,)), ((), ())),
                       preferred_element_type=jnp.float32)
  h += b_ref[...]
  h = jnp.maximum(h, 0.0)

  b_ids = batch_ref[0, 0, :]
  onehot = (b_ids[:, None] ==
            lax.broadcasted_iota(jnp.int32, (1, N_GRAPHS), 1)
            ).astype(jnp.float32)
  pooled_acc[...] += lax.dot_general(
      onehot, h, (((0,), (0,)), ((), ())), preferred_element_type=jnp.float32)

  @pl.when(i == _NBLK - 1)
  def _():
    counts = jnp.clip(cnt_ref[...].reshape(N_GRAPHS, 1), 1.0, None)
    pooled = pooled_acc[...] / counts
    out = lax.dot_general(pooled, wfc_ref[...], (((1,), (1,)), ((), ())),
                          preferred_element_type=jnp.float32)
    o_ref[...] = out + bfc_ref[...]


def _final_stage(parts, h1, batch3, w_rel, b_rel, w_root, w_fc, b_fc, cnt):
  d_out = w_fc.shape[0]
  return pl.pallas_call(
      _final_body,
      grid=(_NBLK,),
      in_specs=[
          pl.BlockSpec((NC, _BLK, D), lambda i: (0, i, 0)),
          pl.BlockSpec((_BLK, D), lambda i: (i, 0)),
          pl.BlockSpec((1, 1, _BLK), lambda i: (i, 0, 0)),
          pl.BlockSpec((D, D), lambda i: (0, 0)),
          pl.BlockSpec((D, D), lambda i: (0, 0)),
          pl.BlockSpec((1, D), lambda i: (0, 0)),
          pl.BlockSpec((d_out, D), lambda i: (0, 0)),
          pl.BlockSpec((1, d_out), lambda i: (0, 0)),
          pl.BlockSpec((1, N_GRAPHS), lambda i: (0, 0)),
      ],
      out_specs=pl.BlockSpec((N_GRAPHS, d_out), lambda i: (0, 0)),
      out_shape=jax.ShapeDtypeStruct((N_GRAPHS, d_out), jnp.float32),
      scratch_shapes=[
          pltpu.VMEM((N_GRAPHS, D), jnp.float32),
      ],
  )(parts, h1, batch3, w_rel, w_root, b_rel.reshape(1, D),
    w_fc, b_fc.reshape(1, d_out), cnt)


@jax.jit
def kernel(x, edge_index, batch, W1_rel, b1_rel, W1_root,
           W2_rel, b2_rel, W2_root, W_fc, b_fc):
  src = edge_index[0]
  dst = edge_index[1]
  batch3 = batch.reshape(_NBLK, 1, _BLK)

  z1, cnt = _pre_stage(x, W1_root, b1_rel, batch3)
  parts1 = _sc_agg(x, src, dst)
  h1 = _layer_linear(parts1, z1, W1_rel)
  parts2 = _sc_agg(h1, src, dst)
  return _final_stage(parts2, h1, batch3, W2_rel, b2_rel, W2_root,
                      W_fc, b_fc, cnt)

# --- scband reference (transcript-rebuilt; emitter-appended) ---
"""Pipeline reference for scband-graph-of-graphs-model-90099823935523 (READ-ONLY COPY).

The authoritative reference and input builder live on the scoring server;
editing this copy changes nothing except your own understanding.
"""

import jax, jax.numpy as jnp
import numpy as np

N_NODES = 10000
N_EDGES = 320000
D_IN = 128
D_HID = 128
D_OUT = 64
N_GRAPHS = 64


def setup_inputs(seed: int = 0) -> dict:
    key = jax.random.key(seed)
    ks = jax.random.split(key, 12)
    x = jax.random.normal(ks[0], (N_NODES, D_IN), dtype=jnp.float32)
    edge_index = jax.random.randint(ks[1], (2, N_EDGES), 0, N_NODES)
    batch = jnp.sort(jax.random.randint(ks[2], (N_NODES,), 0, N_GRAPHS))
    s = 0.05
    W1_rel = jax.random.normal(ks[3], (D_HID, D_IN), dtype=jnp.float32) * s
    b1_rel = jnp.zeros((D_HID,), dtype=jnp.float32)
    W1_root = jax.random.normal(ks[4], (D_HID, D_IN), dtype=jnp.float32) * s
    W2_rel = jax.random.normal(ks[5], (D_HID, D_HID), dtype=jnp.float32) * s
    b2_rel = jnp.zeros((D_HID,), dtype=jnp.float32)
    W2_root = jax.random.normal(ks[6], (D_HID, D_HID), dtype=jnp.float32) * s
    W_fc = jax.random.normal(ks[7], (D_OUT, D_HID), dtype=jnp.float32) * s
    b_fc = jnp.zeros((D_OUT,), dtype=jnp.float32)
    return {"x": x, "edge_index": edge_index, "batch": batch,
            "W1_rel": W1_rel, "b1_rel": b1_rel, "W1_root": W1_root,
            "W2_rel": W2_rel, "b2_rel": b2_rel, "W2_root": W2_root,
            "W_fc": W_fc, "b_fc": b_fc}


def _graph_conv(x, edge_index, W_rel, b_rel, W_root):
    # PyG GraphConv: out = lin_rel(sum_{j in N(i)} x_j) + lin_root(x_i)
    src = edge_index[0]
    dst = edge_index[1]
    msgs = jnp.take(x, src, axis=0)  # gather source-node features
    agg = jax.ops.segment_sum(msgs, dst, num_segments=x.shape[0])  # scatter-add to dst
    return agg @ W_rel.T + b_rel + x @ W_root.T


def reference(x, edge_index, batch, W1_rel, b1_rel, W1_root, W2_rel, b2_rel, W2_root, W_fc, b_fc):
    h = jax.nn.relu(_graph_conv(x, edge_index, W1_rel, b1_rel, W1_root))
    h = jax.nn.relu(_graph_conv(h, edge_index, W2_rel, b2_rel, W2_root))
    # global_mean_pool over graph ids in `batch`
    sums = jax.ops.segment_sum(h, batch, num_segments=N_GRAPHS)
    counts = jax.ops.segment_sum(jnp.ones((h.shape[0], 1), dtype=h.dtype), batch, num_segments=N_GRAPHS)
    pooled = sums / jnp.clip(counts, 1.0, None)
    out = pooled @ W_fc.T + b_fc
    return out

if __name__ == "__main__":
    import jax
    _d = setup_inputs()
    print(jax.jit(kernel)(*tuple(_d.values())))

</pallas_src>

<mosaic_0001>
#map = affine_map<(d0, d1) -> (0, 0)>
#map1 = affine_map<(d0, d1) -> (0)>
#map2 = affine_map<(d0, d1) -> (0, 0, 0)>
module attributes {stable_mosaic.version = 14 : i64} {
  func.func @sc_edge_agg(%arg0: i32, %arg1: i32, %arg2: memref<10000x128xf32, #tpu.memory_space<hbm>>, %arg3: memref<320000xi32, #tpu.memory_space<hbm>>, %arg4: memref<320000xi32, #tpu.memory_space<hbm>>, %arg5: memref<2x10240x128xf32, #tpu.memory_space<hbm>>, %arg6: memref<10240x128xf32, #tpu.memory_space<vmem_shared>>, %arg7: memref<80xi32, #tpu.memory_space<vmem>>, %arg8: memref<80xi32, #tpu.memory_space<vmem>>, %arg9: memref<80xi32, #tpu.memory_space<vmem>>, %arg10: memref<80xi32, #tpu.memory_space<vmem>>, %arg11: memref<80xi32, #tpu.memory_space<vmem>>, %arg12: memref<80xi32, #tpu.memory_space<vmem>>, %arg13: memref<80xi32, #tpu.memory_space<vmem>>, %arg14: memref<80xi32, #tpu.memory_space<vmem>>, %arg15: memref<80xi32, #tpu.memory_space<vmem>>, %arg16: memref<80xi32, #tpu.memory_space<vmem>>, %arg17: memref<80xi32, #tpu.memory_space<vmem>>, %arg18: memref<80xi32, #tpu.memory_space<vmem>>, %arg19: memref<80x128xf32, #tpu.memory_space<vmem>>, %arg20: memref<80x128xf32, #tpu.memory_space<vmem>>, %arg21: memref<80x128xf32, #tpu.memory_space<vmem>>, %arg22: memref<!tpu.dma_semaphore, #tpu.memory_space<semaphore_mem>>, %arg23: memref<!tpu.dma_semaphore, #tpu.memory_space<semaphore_mem>>, %arg24: memref<!tpu.dma_semaphore, #tpu.memory_space<semaphore_mem>>, %arg25: memref<!tpu.dma_semaphore, #tpu.memory_space<semaphore_mem>>, %arg26: memref<!tpu.dma_semaphore, #tpu.memory_space<semaphore_mem>>, %arg27: memref<!tpu.dma_semaphore, #tpu.memory_space<semaphore_mem>>, %arg28: memref<!tpu.dma_semaphore, #tpu.memory_space<semaphore_mem>>, %arg29: memref<!tpu.dma_semaphore, #tpu.memory_space<semaphore_mem>>, %arg30: memref<!tpu.dma_semaphore, #tpu.memory_space<semaphore_mem>>, %arg31: memref<!tpu.dma_semaphore, #tpu.memory_space<semaphore_mem>>, %arg32: memref<!tpu.dma_semaphore, #tpu.memory_space<semaphore_mem>>, %arg33: memref<!tpu.dma_semaphore, #tpu.memory_space<semaphore_mem>>, %arg34: memref<40x128xf32, #tpu.memory_space<vmem>>, %arg35: memref<!tpu.dma_semaphore, #tpu.memory_space<semaphore_mem>>) attributes {dimension_semantics = [#tpu.dimension_semantics<core_parallel>, #tpu.dimension_semantics<subcore_parallel>], iteration_bounds = array<i64: 2, 16>, scalar_prefetch = 0 : i64, scratch_operands = 30 : i64, tpu.core_type = #tpu.core_type<sc_vector_subcore>, window_params = [{transform_indices = #map}, {transform_indices = #map1}, {transform_indices = #map1}, {transform_indices = #map2}]} {
    %mul3A = arith.constant 16 : i32
    %mul3A_0 = arith.muli %arg0, %mul3A : i32
    %add3A = arith.addi %mul3A_0, %arg1 : i32
    %mul3A_1 = arith.constant 10000 : i32
    %mul3A_2 = arith.muli %add3A, %mul3A_1 : i32
    %add3A_3 = arith.constant 0 : i32
    %add3A_4 = arith.addi %mul3A_2, %add3A_3 : i32
    %multiple_of3A = tpu.assume_multiple %add3A_4, 8 : i32
    %dma_start3A = tpu.memref_slice %arg3[%multiple_of3A] : memref<320000xi32, #tpu.memory_space<hbm>> -> memref<80xi32, #tpu.memory_space<hbm>>
    %dma_start3A_5 = tpu.memref_slice %arg3[%multiple_of3A] : memref<320000xi32, #tpu.memory_space<hbm>> -> memref<80xi32, #tpu.memory_space<hbm>>
    tpu.enqueue_dma source(%dma_start3A_5 : memref<80xi32, #tpu.memory_space<hbm>>) target(%arg7 : memref<80xi32, #tpu.memory_space<vmem>>) target_semaphore(%arg28 : memref<!tpu.dma_semaphore, #tpu.memory_space<semaphore_mem>>)
    %dma_start3A_6 = tpu.memref_slice %arg4[%multiple_of3A] : memref<320000xi32, #tpu.memory_space<hbm>> -> memref<80xi32, #tpu.memory_space<hbm>>
    %dma_start3A_7 = tpu.memref_slice %arg4[%multiple_of3A] : memref<320000xi32, #tpu.memory_space<hbm>> -> memref<80xi32, #tpu.memory_space<hbm>>
    tpu.enqueue_dma source(%dma_start3A_7 : memref<80xi32, #tpu.memory_space<hbm>>) target(%arg13 : memref<80xi32, #tpu.memory_space<vmem>>) target_semaphore(%arg28 : memref<!tpu.dma_semaphore, #tpu.memory_space<semaphore_mem>>)
    %add3A_8 = arith.constant 80 : i32
    %add3A_9 = arith.addi %mul3A_2, %add3A_8 : i32
    %multiple_of3A_10 = tpu.assume_multiple %add3A_9, 8 : i32
    %dma_start3A_11 = tpu.memref_slice %arg3[%multiple_of3A_10] : memref<320000xi32, #tpu.memory_space<hbm>> -> memref<80xi32, #tpu.memory_space<hbm>>
    %dma_start3A_12 = tpu.memref_slice %arg3[%multiple_of3A_10] : memref<320000xi32, #tpu.memory_space<hbm>> -> memref<80xi32, #tpu.memory_space<hbm>>
    tpu.enqueue_dma source(%dma_start3A_12 : memref<80xi32, #tpu.memory_space<hbm>>) target(%arg8 : memref<80xi32, #tpu.memory_space<vmem>>) target_semaphore(%arg29 : memref<!tpu.dma_semaphore, #tpu.memory_space<semaphore_mem>>)
    %dma_start3A_13 = tpu.memref_slice %arg4[%multiple_of3A_10] : memref<320000xi32, #tpu.memory_space<hbm>> -> memref<80xi32, #tpu.memory_space<hbm>>
    %dma_start3A_14 = tpu.memref_slice %arg4[%multiple_of3A_10] : memref<320000xi32, #tpu.memory_space<hbm>> -> memref<80xi32, #tpu.memory_space<hbm>>
    tpu.enqueue_dma source(%dma_start3A_14 : memref<80xi32, #tpu.memory_space<hbm>>) target(%arg14 : memref<80xi32, #tpu.memory_space<vmem>>) target_semaphore(%arg29 : memref<!tpu.dma_semaphore, #tpu.memory_space<semaphore_mem>>)
    %add3A_15 = arith.constant 160 : i32
    %add3A_16 = arith.addi %mul3A_2, %add3A_15 : i32
    %multiple_of3A_17 = tpu.assume_multiple %add3A_16, 8 : i32
    %dma_start3A_18 = tpu.memref_slice %arg3[%multiple_of3A_17] : memref<320000xi32, #tpu.memory_space<hbm>> -> memref<80xi32, #tpu.memory_space<hbm>>
    %dma_start3A_19 = tpu.memref_slice %arg3[%multiple_of3A_17] : memref<320000xi32, #tpu.memory_space<hbm>> -> memref<80xi32, #tpu.memory_space<hbm>>
    tpu.enqueue_dma source(%dma_start3A_19 : memref<80xi32, #tpu.memory_space<hbm>>) target(%arg9 : memref<80xi32, #tpu.memory_space<vmem>>) target_semaphore(%arg30 : memref<!tpu.dma_semaphore, #tpu.memory_space<semaphore_mem>>)
    %dma_start3A_20 = tpu.memref_slice %arg4[%multiple_of3A_17] : memref<320000xi32, #tpu.memory_space<hbm>> -> memref<80xi32, #tpu.memory_space<hbm>>
    %dma_start3A_21 = tpu.memref_slice %arg4[%multiple_of3A_17] : memref<320000xi32, #tpu.memory_space<hbm>> -> memref<80xi32, #tpu.memory_space<hbm>>
    tpu.enqueue_dma source(%dma_start3A_21 : memref<80xi32, #tpu.memory_space<hbm>>) target(%arg15 : memref<80xi32, #tpu.memory_space<vmem>>) target_semaphore(%arg30 : memref<!tpu.dma_semaphore, #tpu.memory_space<semaphore_mem>>)
    %dma_wait3A = arith.constant 0 : i32
    %dma_wait3A_22 = tpu.memref_slice %arg3[%dma_wait3A] : memref<320000xi32, #tpu.memory_space<hbm>> -> memref<80xi32, #tpu.memory_space<hbm>>
    %dma_wait3A_23 = arith.constant 0 : i32
    %dma_wait3A_24 = tpu.memref_slice %arg3[%dma_wait3A_23] : memref<320000xi32, #tpu.memory_space<hbm>> -> memref<80xi32, #tpu.memory_space<hbm>>
    tpu.wait_dma2 semaphore(%arg28 : memref<!tpu.dma_semaphore, #tpu.memory_space<semaphore_mem>>) src(%dma_wait3A_24 : memref<80xi32, #tpu.memory_space<hbm>>) dst(%arg7 : memref<80xi32, #tpu.memory_space<vmem>>)
    %dma_wait3A_25 = arith.constant 0 : i32
    %dma_wait3A_26 = tpu.memref_slice %arg4[%dma_wait3A_25] : memref<320000xi32, #tpu.memory_space<hbm>> -> memref<80xi32, #tpu.memory_space<hbm>>
    %dma_wait3A_27 = arith.constant 0 : i32
    %dma_wait3A_28 = tpu.memref_slice %arg4[%dma_wait3A_27] : memref<320000xi32, #tpu.memory_space<hbm>> -> memref<80xi32, #tpu.memory_space<hbm>>
    tpu.wait_dma2 semaphore(%arg28 : memref<!tpu.dma_semaphore, #tpu.memory_space<semaphore_mem>>) src(%dma_wait3A_28 : memref<80xi32, #tpu.memory_space<hbm>>) dst(%arg13 : memref<80xi32, #tpu.memory_space<vmem>>)
    %dma_start3A_29 = arith.constant 0 : i32
    %dma_start3A_30 = arith.constant 0 : i32
    %dma_start3A_31 = tpu.memref_slice %arg2[%dma_start3A_29, %dma_start3A_30] : memref<10000x128xf32, #tpu.memory_space<hbm>> -> memref<10000x128xf32, #tpu.memory_space<hbm>>
    tpu.enqueue_indirect_dma source(%dma_start3A_31 : memref<10000x128xf32, #tpu.memory_space<hbm>>) target(%arg19 : memref<80x128xf32, #tpu.memory_space<vmem>>) offsets(%arg7 : memref<80xi32, #tpu.memory_space<vmem>>) semaphore(%arg22 : memref<!tpu.dma_semaphore, #tpu.memory_space<semaphore_mem>>)
    %dma_wait3A_32 = arith.constant 0 : i32
    %dma_wait3A_33 = tpu.memref_slice %arg3[%dma_wait3A_32] : memref<320000xi32, #tpu.memory_space<hbm>> -> memref<80xi32, #tpu.memory_space<hbm>>
    %dma_wait3A_34 = arith.constant 0 : i32
    %dma_wait3A_35 = tpu.memref_slice %arg3[%dma_wait3A_34] : memref<320000xi32, #tpu.memory_space<hbm>> -> memref<80xi32, #tpu.memory_space<hbm>>
    tpu.wait_dma2 semaphore(%arg29 : memref<!tpu.dma_semaphore, #tpu.memory_space<semaphore_mem>>) src(%dma_wait3A_35 : memref<80xi32, #tpu.memory_space<hbm>>) dst(%arg8 : memref<80xi32, #tpu.memory_space<vmem>>)
    %dma_wait3A_36 = arith.constant 0 : i32
    %dma_wait3A_37 = tpu.memref_slice %arg4[%dma_wait3A_36] : memref<320000xi32, #tpu.memory_space<hbm>> -> memref<80xi32, #tpu.memory_space<hbm>>
    %dma_wait3A_38 = arith.constant 0 : i32
    %dma_wait3A_39 = tpu.memref_slice %arg4[%dma_wait3A_38] : memref<320000xi32, #tpu.memory_space<hbm>> -> memref<80xi32, #tpu.memory_space<hbm>>
    tpu.wait_dma2 semaphore(%arg29 : memref<!tpu.dma_semaphore, #tpu.memory_space<semaphore_mem>>) src(%dma_wait3A_39 : memref<80xi32, #tpu.memory_space<hbm>>) dst(%arg14 : memref<80xi32, #tpu.memory_space<vmem>>)
    %dma_start3A_40 = arith.constant 0 : i32
    %dma_start3A_41 = arith.constant 0 : i32
    %dma_start3A_42 = tpu.memref_slice %arg2[%dma_start3A_40, %dma_start3A_41] : memref<10000x128xf32, #tpu.memory_space<hbm>> -> memref<10000x128xf32, #tpu.memory_space<hbm>>
    tpu.enqueue_indirect_dma source(%dma_start3A_42 : memref<10000x128xf32, #tpu.memory_space<hbm>>) target(%arg20 : memref<80x128xf32, #tpu.memory_space<vmem>>) offsets(%arg8 : memref<80xi32, #tpu.memory_space<vmem>>) semaphore(%arg23 : memref<!tpu.dma_semaphore, #tpu.memory_space<semaphore_mem>>)
    %dma_wait3A_43 = arith.constant 0 : i32
    %dma_wait3A_44 = tpu.memref_slice %arg3[%dma_wait3A_43] : memref<320000xi32, #tpu.memory_space<hbm>> -> memref<80xi32, #tpu.memory_space<hbm>>
    %dma_wait3A_45 = arith.constant 0 : i32
    %dma_wait3A_46 = tpu.memref_slice %arg3[%dma_wait3A_45] : memref<320000xi32, #tpu.memory_space<hbm>> -> memref<80xi32, #tpu.memory_space<hbm>>
    tpu.wait_dma2 semaphore(%arg30 : memref<!tpu.dma_semaphore, #tpu.memory_space<semaphore_mem>>) src(%dma_wait3A_46 : memref<80xi32, #tpu.memory_space<hbm>>) dst(%arg9 : memref<80xi32, #tpu.memory_space<vmem>>)
    %dma_wait3A_47 = arith.constant 0 : i32
    %dma_wait3A_48 = tpu.memref_slice %arg4[%dma_wait3A_47] : memref<320000xi32, #tpu.memory_space<hbm>> -> memref<80xi32, #tpu.memory_space<hbm>>
    %dma_wait3A_49 = arith.constant 0 : i32
    %dma_wait3A_50 = tpu.memref_slice %arg4[%dma_wait3A_49] : memref<320000xi32, #tpu.memory_space<hbm>> -> memref<80xi32, #tpu.memory_space<hbm>>
    tpu.wait_dma2 semaphore(%arg30 : memref<!tpu.dma_semaphore, #tpu.memory_space<semaphore_mem>>) src(%dma_wait3A_50 : memref<80xi32, #tpu.memory_space<hbm>>) dst(%arg15 : memref<80xi32, #tpu.memory_space<vmem>>)
    %dma_start3A_51 = arith.constant 0 : i32
    %dma_start3A_52 = arith.constant 0 : i32
    %dma_start3A_53 = tpu.memref_slice %arg2[%dma_start3A_51, %dma_start3A_52] : memref<10000x128xf32, #tpu.memory_space<hbm>> -> memref<10000x128xf32, #tpu.memory_space<hbm>>
    tpu.enqueue_indirect_dma source(%dma_start3A_53 : memref<10000x128xf32, #tpu.memory_space<hbm>>) target(%arg21 : memref<80x128xf32, #tpu.memory_space<vmem>>) offsets(%arg9 : memref<80xi32, #tpu.memory_space<vmem>>) semaphore(%arg24 : memref<!tpu.dma_semaphore, #tpu.memory_space<semaphore_mem>>)
    %broadcast_in_dim3A = arith.constant 0.000000e+00 : f32
    %broadcast_in_dim3A_54 = vector.broadcast %broadcast_in_dim3A : f32 to vector<16xf32>
    %scan3A = arith.constant 0 : i32
    %scan3A_55 = arith.constant 0 : i32
    %scan3A_56 = arith.constant 40 : i32
    %scan3A_57 = arith.addi %scan3A_55, %scan3A_56 : i32
    %scan3A_58 = arith.constant 1 : i32
    scf.for %scan3A_327 = %scan3A_55 to %scan3A_57 step %scan3A_58  : i32 {
      %swap3A = arith.index_cast %scan3A_327 : i32 to index
      %swap3A_328 = arith.constant 0 : index
      %swap3A_329 = tpu.vector_load %arg34[%swap3A, %swap3A_328] {strides = array<i32>} : memref<40x128xf32, #tpu.memory_space<vmem>>, vector<1x16xf32>,
      %swap3A_330 = vector.shape_cast %swap3A_329 : vector<1x16xf32> to vector<16xf32>
      %swap3A_331 = vector.shape_cast %broadcast_in_dim3A_54 : vector<16xf32> to vector<1x16xf32>
      tpu.vector_store %arg34[%swap3A, %swap3A_328], %swap3A_331 {strides = array<i32>} : memref<40x128xf32, #tpu.memory_space<vmem>>, vector<1x16xf32>,
      %swap3A_332 = arith.index_cast %scan3A_327 : i32 to index
      %swap3A_333 = arith.constant 16 : index
      %swap3A_334 = tpu.vector_load %arg34[%swap3A_332, %swap3A_333] {strides = array<i32>} : memref<40x128xf32, #tpu.memory_space<vmem>>, vector<1x16xf32>,
      %swap3A_335 = vector.shape_cast %swap3A_334 : vector<1x16xf32> to vector<16xf32>
      %swap3A_336 = vector.shape_cast %broadcast_in_dim3A_54 : vector<16xf32> to vector<1x16xf32>
      tpu.vector_store %arg34[%swap3A_332, %swap3A_333], %swap3A_336 {strides = array<i32>} : memref<40x128xf32, #tpu.memory_space<vmem>>, vector<1x16xf32>,
      %swap3A_337 = arith.index_cast %scan3A_327 : i32 to index
      %swap3A_338 = arith.constant 32 : index
      %swap3A_339 = tpu.vector_load %arg34[%swap3A_337, %swap3A_338] {strides = array<i32>} : memref<40x128xf32, #tpu.memory_space<vmem>>, vector<1x16xf32>,
      %swap3A_340 = vector.shape_cast %swap3A_339 : vector<1x16xf32> to vector<16xf32>
      %swap3A_341 = vector.shape_cast %broadcast_in_dim3A_54 : vector<16xf32> to vector<1x16xf32>
      tpu.vector_store %arg34[%swap3A_337, %swap3A_338], %swap3A_341 {strides = array<i32>} : memref<40x128xf32, #tpu.memory_space<vmem>>, vector<1x16xf32>,
      %swap3A_342 = arith.index_cast %scan3A_327 : i32 to index
      %swap3A_343 = arith.constant 48 : index
      %swap3A_344 = tpu.vector_load %arg34[%swap3A_342, %swap3A_343] {strides = array<i32>} : memref<40x128xf32, #tpu.memory_space<vmem>>, vector<1x16xf32>,
      %swap3A_345 = vector.shape_cast %swap3A_344 : vector<1x16xf32> to vector<16xf32>
      %swap3A_346 = vector.shape_cast %broadcast_in_dim3A_54 : vector<16xf32> to vector<1x16xf32>
      tpu.vector_store %arg34[%swap3A_342, %swap3A_343], %swap3A_346 {strides = array<i32>} : memref<40x128xf32, #tpu.memory_space<vmem>>, vector<1x16xf32>,
      %swap3A_347 = arith.index_cast %scan3A_327 : i32 to index
      %swap3A_348 = arith.constant 64 : index
      %swap3A_349 = tpu.vector_load %arg34[%swap3A_347, %swap3A_348] {strides = array<i32>} : memref<40x128xf32, #tpu.memory_space<vmem>>, vector<1x16xf32>,
      %swap3A_350 = vector.shape_cast %swap3A_349 : vector<1x16xf32> to vector<16xf32>
      %swap3A_351 = vector.shape_cast %broadcast_in_dim3A_54 : vector<16xf32> to vector<1x16xf32>
      tpu.vector_store %arg34[%swap3A_347, %swap3A_348], %swap3A_351 {strides = array<i32>} : memref<40x128xf32, #tpu.memory_space<vmem>>, vector<1x16xf32>,
      %swap3A_352 = arith.index_cast %scan3A_327 : i32 to index
      %swap3A_353 = arith.constant 80 : index
      %swap3A_354 = tpu.vector_load %arg34[%swap3A_352, %swap3A_353] {strides = array<i32>} : memref<40x128xf32, #tpu.memory_space<vmem>>, vector<1x16xf32>,
      %swap3A_355 = vector.shape_cast %swap3A_354 : vector<1x16xf32> to vector<16xf32>
      %swap3A_356 = vector.shape_cast %broadcast_in_dim3A_54 : vector<16xf32> to vector<1x16xf32>
      tpu.vector_store %arg34[%swap3A_352, %swap3A_353], %swap3A_356 {strides = array<i32>} : memref<40x128xf32, #tpu.memory_space<vmem>>, vector<1x16xf32>,
      %swap3A_357 = arith.index_cast %scan3A_327 : i32 to index
      %swap3A_358 = arith.constant 96 : index
      %swap3A_359 = tpu.vector_load %arg34[%swap3A_357, %swap3A_358] {strides = array<i32>} : memref<40x128xf32, #tpu.memory_space<vmem>>, vector<1x16xf32>,
      %swap3A_360 = vector.shape_cast %swap3A_359 : vector<1x16xf32> to vector<16xf32>
      %swap3A_361 = vector.shape_cast %broadcast_in_dim3A_54 : vector<16xf32> to vector<1x16xf32>
      tpu.vector_store %arg34[%swap3A_357, %swap3A_358], %swap3A_361 {strides = array<i32>} : memref<40x128xf32, #tpu.memory_space<vmem>>, vector<1x16xf32>,
      %swap3A_362 = arith.index_cast %scan3A_327 : i32 to index
      %swap3A_363 = arith.constant 112 : index
      %swap3A_364 = tpu.vector_load %arg34[%swap3A_362, %swap3A_363] {strides = array<i32>} : memref<40x128xf32, #tpu.memory_space<vmem>>, vector<1x16xf32>,
      %swap3A_365 = vector.shape_cast %swap3A_364 : vector<1x16xf32> to vector<16xf32>
      %swap3A_366 = vector.shape_cast %broadcast_in_dim3A_54 : vector<16xf32> to vector<1x16xf32>
      tpu.vector_store %arg34[%swap3A_362, %swap3A_363], %swap3A_366 {strides = array<i32>} : memref<40x128xf32, #tpu.memory_space<vmem>>, vector<1x16xf32>,
    }
    %scan3A_59 = arith.constant 40 : i32
    %mul3A_60 = arith.constant 640 : i32
    %mul3A_61 = arith.muli %arg1, %mul3A_60 : i32
    %add3A_62 = arith.constant 0 : i32
    %add3A_63 = arith.addi %mul3A_61, %add3A_62 : i32
    %dma_start3A_64 = arith.constant 0 : i32
    %dma_start3A_65 = tpu.memref_slice %arg6[%add3A_63, %dma_start3A_64] : memref<10240x128xf32, #tpu.memory_space<vmem_shared>> -> memref<40x128xf32, #tpu.memory_space<vmem_shared>>
    %dma_start3A_66 = arith.constant 0 : i32
    %dma_start3A_67 = tpu.memref_slice %arg6[%add3A_63, %dma_start3A_66] : memref<10240x128xf32, #tpu.memory_space<vmem_shared>> -> memref<40x128xf32, #tpu.memory_space<vmem_shared>>
    tpu.enqueue_dma source(%arg34 : memref<40x128xf32, #tpu.memory_space<vmem>>) target(%dma_start3A_67 : memref<40x128xf32, #tpu.memory_space<vmem_shared>>) target_semaphore(%arg35 : memref<!tpu.dma_semaphore, #tpu.memory_space<semaphore_mem>>)
    %mul3A_68 = arith.constant 640 : i32
    %mul3A_69 = arith.muli %arg1, %mul3A_68 : i32
    %add3A_70 = arith.constant 40 : i32
    %add3A_71 = arith.addi %mul3A_69, %add3A_70 : i32
    %dma_start3A_72 = arith.constant 0 : i32
    %dma_start3A_73 = tpu.memref_slice %arg6[%add3A_71, %dma_start3A_72] : memref<10240x128xf32, #tpu.memory_space<vmem_shared>> -> memref<40x128xf32, #tpu.memory_space<vmem_shared>>
    %dma_start3A_74 = arith.constant 0 : i32
    %dma_start3A_75 = tpu.memref_slice %arg6[%add3A_71, %dma_start3A_74] : memref<10240x128xf32, #tpu.memory_space<vmem_shared>> -> memref<40x128xf32, #tpu.memory_space<vmem_shared>>
    tpu.enqueue_dma source(%arg34 : memref<40x128xf32, #tpu.memory_space<vmem>>) target(%dma_start3A_75 : memref<40x128xf32, #tpu.memory_space<vmem_shared>>) target_semaphore(%arg35 : memref<!tpu.dma_semaphore, #tpu.memory_space<semaphore_mem>>)
    %mul3A_76 = arith.constant 640 : i32
    %mul3A_77 = arith.muli %arg1, %mul3A_76 : i32
    %add3A_78 = arith.constant 80 : i32
    %add3A_79 = arith.addi %mul3A_77, %add3A_78 : i32
    %dma_start3A_80 = arith.constant 0 : i32
    %dma_start3A_81 = tpu.memref_slice %arg6[%add3A_79, %dma_start3A_80] : memref<10240x128xf32, #tpu.memory_space<vmem_shared>> -> memref<40x128xf32, #tpu.memory_space<vmem_shared>>
    %dma_start3A_82 = arith.constant 0 : i32
    %dma_start3A_83 = tpu.memref_slice %arg6[%add3A_79, %dma_start3A_82] : memref<10240x128xf32, #tpu.memory_space<vmem_shared>> -> memref<40x128xf32, #tpu.memory_space<vmem_shared>>
    tpu.enqueue_dma source(%arg34 : memref<40x128xf32, #tpu.memory_space<vmem>>) target(%dma_start3A_83 : memref<40x128xf32, #tpu.memory_space<vmem_shared>>) target_semaphore(%arg35 : memref<!tpu.dma_semaphore, #tpu.memory_space<semaphore_mem>>)
    %mul3A_84 = arith.constant 640 : i32
    %mul3A_85 = arith.muli %arg1, %mul3A_84 : i32
    %add3A_86 = arith.constant 120 : i32
    %add3A_87 = arith.addi %mul3A_85, %add3A_86 : i32
    %dma_start3A_88 = arith.constant 0 : i32
    %dma_start3A_89 = tpu.memref_slice %arg6[%add3A_87, %dma_start3A_88] : memref<10240x128xf32, #tpu.memory_space<vmem_shared>> -> memref<40x128xf32, #tpu.memory_space<vmem_shared>>
    %dma_start3A_90 = arith.constant 0 : i32
    %dma_start3A_91 = tpu.memref_slice %arg6[%add3A_87, %dma_start3A_90] : memref<10240x128xf32, #tpu.memory_space<vmem_shared>> -> memref<40x128xf32, #tpu.memory_space<vmem_shared>>
    tpu.enqueue_dma source(%arg34 : memref<40x128xf32, #tpu.memory_space<vmem>>) target(%dma_start3A_91 : memref<40x128xf32, #tpu.memory_space<vmem_shared>>) target_semaphore(%arg35 : memref<!tpu.dma_semaphore, #tpu.memory_space<semaphore_mem>>)
    %mul3A_92 = arith.constant 640 : i32
    %mul3A_93 = arith.muli %arg1, %mul3A_92 : i32
    %add3A_94 = arith.constant 160 : i32
    %add3A_95 = arith.addi %mul3A_93, %add3A_94 : i32
    %dma_start3A_96 = arith.constant 0 : i32
    %dma_start3A_97 = tpu.memref_slice %arg6[%add3A_95, %dma_start3A_96] : memref<10240x128xf32, #tpu.memory_space<vmem_shared>> -> memref<40x128xf32, #tpu.memory_space<vmem_shared>>
    %dma_start3A_98 = arith.constant 0 : i32
    %dma_start3A_99 = tpu.memref_slice %arg6[%add3A_95, %dma_start3A_98] : memref<10240x128xf32, #tpu.memory_space<vmem_shared>> -> memref<40x128xf32, #tpu.memory_space<vmem_shared>>
    tpu.enqueue_dma source(%arg34 : memref<40x128xf32, #tpu.memory_space<vmem>>) target(%dma_start3A_99 : memref<40x128xf32, #tpu.memory_space<vmem_shared>>) target_semaphore(%arg35 : memref<!tpu.dma_semaphore, #tpu.memory_space<semaphore_mem>>)
    %mul3A_100 = arith.constant 640 : i32
    %mul3A_101 = arith.muli %arg1, %mul3A_100 : i32
    %add3A_102 = arith.constant 200 : i32
    %add3A_103 = arith.addi %mul3A_101, %add3A_102 : i32
    %dma_start3A_104 = arith.constant 0 : i32
    %dma_start3A_105 = tpu.memref_slice %arg6[%add3A_103, %dma_start3A_104] : memref<10240x128xf32, #tpu.memory_space<vmem_shared>> -> memref<40x128xf32, #tpu.memory_space<vmem_shared>>
    %dma_start3A_106 = arith.constant 0 : i32
    %dma_start3A_107 = tpu.memref_slice %arg6[%add3A_103, %dma_start3A_106] : memref<10240x128xf32, #tpu.memory_space<vmem_shared>> -> memref<40x128xf32, #tpu.memory_space<vmem_shared>>
    tpu.enqueue_dma source(%arg34 : memref<40x128xf32, #tpu.memory_space<vmem>>) target(%dma_start3A_107 : memref<40x128xf32, #tpu.memory_space<vmem_shared>>) target_semaphore(%arg35 : memref<!tpu.dma_semaphore, #tpu.memory_space<semaphore_mem>>)
    %mul3A_108 = arith.constant 640 : i32
    %mul3A_109 = arith.muli %arg1, %mul3A_108 : i32
    %add3A_110 = arith.constant 240 : i32
    %add3A_111 = arith.addi %mul3A_109, %add3A_110 : i32
    %dma_start3A_112 = arith.constant 0 : i32
    %dma_start3A_113 = tpu.memref_slice %arg6[%add3A_111, %dma_start3A_112] : memref<10240x128xf32, #tpu.memory_space<vmem_shared>> -> memref<40x128xf32, #tpu.memory_space<vmem_shared>>
    %dma_start3A_114 = arith.constant 0 : i32
    %dma_start3A_115 = tpu.memref_slice %arg6[%add3A_111, %dma_start3A_114] : memref<10240x128xf32, #tpu.memory_space<vmem_shared>> -> memref<40x128xf32, #tpu.memory_space<vmem_shared>>
    tpu.enqueue_dma source(%arg34 : memref<40x128xf32, #tpu.memory_space<vmem>>) target(%dma_start3A_115 : memref<40x128xf32, #tpu.memory_space<vmem_shared>>) target_semaphore(%arg35 : memref<!tpu.dma_semaphore, #tpu.memory_space<semaphore_mem>>)
    %mul3A_116 = arith.constant 640 : i32
    %mul3A_117 = arith.muli %arg1, %mul3A_116 : i32
    %add3A_118 = arith.constant 280 : i32
    %add3A_119 = arith.addi %mul3A_117, %add3A_118 : i32
    %dma_start3A_120 = arith.constant 0 : i32
    %dma_start3A_121 = tpu.memref_slice %arg6[%add3A_119, %dma_start3A_120] : memref<10240x128xf32, #tpu.memory_space<vmem_shared>> -> memref<40x128xf32, #tpu.memory_space<vmem_shared>>
    %dma_start3A_122 = arith.constant 0 : i32
    %dma_start3A_123 = tpu.memref_slice %arg6[%add3A_119, %dma_start3A_122] : memref<10240x128xf32, #tpu.memory_space<vmem_shared>> -> memref<40x128xf32, #tpu.memory_space<vmem_shared>>
    tpu.enqueue_dma source(%arg34 : memref<40x128xf32, #tpu.memory_space<vmem>>) target(%dma_start3A_123 : memref<40x128xf32, #tpu.memory_space<vmem_shared>>) target_semaphore(%arg35 : memref<!tpu.dma_semaphore, #tpu.memory_space<semaphore_mem>>)
    %mul3A_124 = arith.constant 640 : i32
    %mul3A_125 = arith.muli %arg1, %mul3A_124 : i32
    %add3A_126 = arith.constant 320 : i32
    %add3A_127 = arith.addi %mul3A_125, %add3A_126 : i32
    %dma_start3A_128 = arith.constant 0 : i32
    %dma_start3A_129 = tpu.memref_slice %arg6[%add3A_127, %dma_start3A_128] : memref<10240x128xf32, #tpu.memory_space<vmem_shared>> -> memref<40x128xf32, #tpu.memory_space<vmem_shared>>
    %dma_start3A_130 = arith.constant 0 : i32
    %dma_start3A_131 = tpu.memref_slice %arg6[%add3A_127, %dma_start3A_130] : memref<10240x128xf32, #tpu.memory_space<vmem_shared>> -> memref<40x128xf32, #tpu.memory_space<vmem_shared>>
    tpu.enqueue_dma source(%arg34 : memref<40x128xf32, #tpu.memory_space<vmem>>) target(%dma_start3A_131 : memref<40x128xf32, #tpu.memory_space<vmem_shared>>) target_semaphore(%arg35 : memref<!tpu.dma_semaphore, #tpu.memory_space<semaphore_mem>>)
    %mul3A_132 = arith.constant 640 : i32
    %mul3A_133 = arith.muli %arg1, %mul3A_132 : i32
    %add3A_134 = arith.constant 360 : i32
    %add3A_135 = arith.addi %mul3A_133, %add3A_134 : i32
    %dma_start3A_136 = arith.constant 0 : i32
    %dma_start3A_137 = tpu.memref_slice %arg6[%add3A_135, %dma_start3A_136] : memref<10240x128xf32, #tpu.memory_space<vmem_shared>> -> memref<40x128xf32, #tpu.memory_space<vmem_shared>>
    %dma_start3A_138 = arith.constant 0 : i32
    %dma_start3A_139 = tpu.memref_slice %arg6[%add3A_135, %dma_start3A_138] : memref<10240x128xf32, #tpu.memory_space<vmem_shared>> -> memref<40x128xf32, #tpu.memory_space<vmem_shared>>
    tpu.enqueue_dma source(%arg34 : memref<40x128xf32, #tpu.memory_space<vmem>>) target(%dma_start3A_139 : memref<40x128xf32, #tpu.memory_space<vmem_shared>>) target_semaphore(%arg35 : memref<!tpu.dma_semaphore, #tpu.memory_space<semaphore_mem>>)
    %mul3A_140 = arith.constant 640 : i32
    %mul3A_141 = arith.muli %arg1, %mul3A_140 : i32
    %add3A_142 = arith.constant 400 : i32
    %add3A_143 = arith.addi %mul3A_141, %add3A_142 : i32
    %dma_start3A_144 = arith.constant 0 : i32
    %dma_start3A_145 = tpu.memref_slice %arg6[%add3A_143, %dma_start3A_144] : memref<10240x128xf32, #tpu.memory_space<vmem_shared>> -> memref<40x128xf32, #tpu.memory_space<vmem_shared>>
    %dma_start3A_146 = arith.constant 0 : i32
    %dma_start3A_147 = tpu.memref_slice %arg6[%add3A_143, %dma_start3A_146] : memref<10240x128xf32, #tpu.memory_space<vmem_shared>> -> memref<40x128xf32, #tpu.memory_space<vmem_shared>>
    tpu.enqueue_dma source(%arg34 : memref<40x128xf32, #tpu.memory_space<vmem>>) target(%dma_start3A_147 : memref<40x128xf32, #tpu.memory_space<vmem_shared>>) target_semaphore(%arg35 : memref<!tpu.dma_semaphore, #tpu.memory_space<semaphore_mem>>)
    %mul3A_148 = arith.constant 640 : i32
    %mul3A_149 = arith.muli %arg1, %mul3A_148 : i32
    %add3A_150 = arith.constant 440 : i32
    %add3A_151 = arith.addi %mul3A_149, %add3A_150 : i32
    %dma_start3A_152 = arith.constant 0 : i32
    %dma_start3A_153 = tpu.memref_slice %arg6[%add3A_151, %dma_start3A_152] : memref<10240x128xf32, #tpu.memory_space<vmem_shared>> -> memref<40x128xf32, #tpu.memory_space<vmem_shared>>
    %dma_start3A_154 = arith.constant 0 : i32
    %dma_start3A_155 = tpu.memref_slice %arg6[%add3A_151, %dma_start3A_154] : memref<10240x128xf32, #tpu.memory_space<vmem_shared>> -> memref<40x128xf32, #tpu.memory_space<vmem_shared>>
    tpu.enqueue_dma source(%arg34 : memref<40x128xf32, #tpu.memory_space<vmem>>) target(%dma_start3A_155 : memref<40x128xf32, #tpu.memory_space<vmem_shared>>) target_semaphore(%arg35 : memref<!tpu.dma_semaphore, #tpu.memory_space<semaphore_mem>>)
    %mul3A_156 = arith.constant 640 : i32
    %mul3A_157 = arith.muli %arg1, %mul3A_156 : i32
    %add3A_158 = arith.constant 480 : i32
    %add3A_159 = arith.addi %mul3A_157, %add3A_158 : i32
    %dma_start3A_160 = arith.constant 0 : i32
    %dma_start3A_161 = tpu.memref_slice %arg6[%add3A_159, %dma_start3A_160] : memref<10240x128xf32, #tpu.memory_space<vmem_shared>> -> memref<40x128xf32, #tpu.memory_space<vmem_shared>>
    %dma_start3A_162 = arith.constant 0 : i32
    %dma_start3A_163 = tpu.memref_slice %arg6[%add3A_159, %dma_start3A_162] : memref<10240x128xf32, #tpu.memory_space<vmem_shared>> -> memref<40x128xf32, #tpu.memory_space<vmem_shared>>
    tpu.enqueue_dma source(%arg34 : memref<40x128xf32, #tpu.memory_space<vmem>>) target(%dma_start3A_163 : memref<40x128xf32, #tpu.memory_space<vmem_shared>>) target_semaphore(%arg35 : memref<!tpu.dma_semaphore, #tpu.memory_space<semaphore_mem>>)
    %mul3A_164 = arith.constant 640 : i32
    %mul3A_165 = arith.muli %arg1, %mul3A_164 : i32
    %add3A_166 = arith.constant 520 : i32
    %add3A_167 = arith.addi %mul3A_165, %add3A_166 : i32
    %dma_start3A_168 = arith.constant 0 : i32
    %dma_start3A_169 = tpu.memref_slice %arg6[%add3A_167, %dma_start3A_168] : memref<10240x128xf32, #tpu.memory_space<vmem_shared>> -> memref<40x128xf32, #tpu.memory_space<vmem_shared>>
    %dma_start3A_170 = arith.constant 0 : i32
    %dma_start3A_171 = tpu.memref_slice %arg6[%add3A_167, %dma_start3A_170] : memref<10240x128xf32, #tpu.memory_space<vmem_shared>> -> memref<40x128xf32, #tpu.memory_space<vmem_shared>>
    tpu.enqueue_dma source(%arg34 : memref<40x128xf32, #tpu.memory_space<vmem>>) target(%dma_start3A_171 : memref<40x128xf32, #tpu.memory_space<vmem_shared>>) target_semaphore(%arg35 : memref<!tpu.dma_semaphore, #tpu.memory_space<semaphore_mem>>)
    %mul3A_172 = arith.constant 640 : i32
    %mul3A_173 = arith.muli %arg1, %mul3A_172 : i32
    %add3A_174 = arith.constant 560 : i32
    %add3A_175 = arith.addi %mul3A_173, %add3A_174 : i32
    %dma_start3A_176 = arith.constant 0 : i32
    %dma_start3A_177 = tpu.memref_slice %arg6[%add3A_175, %dma_start3A_176] : memref<10240x128xf32, #tpu.memory_space<vmem_shared>> -> memref<40x128xf32, #tpu.memory_space<vmem_shared>>
    %dma_start3A_178 = arith.constant 0 : i32
    %dma_start3A_179 = tpu.memref_slice %arg6[%add3A_175, %dma_start3A_178] : memref<10240x128xf32, #tpu.memory_space<vmem_shared>> -> memref<40x128xf32, #tpu.memory_space<vmem_shared>>
    tpu.enqueue_dma source(%arg34 : memref<40x128xf32, #tpu.memory_space<vmem>>) target(%dma_start3A_179 : memref<40x128xf32, #tpu.memory_space<vmem_shared>>) target_semaphore(%arg35 : memref<!tpu.dma_semaphore, #tpu.memory_space<semaphore_mem>>)
    %mul3A_180 = arith.constant 640 : i32
    %mul3A_181 = arith.muli %arg1, %mul3A_180 : i32
    %add3A_182 = arith.constant 600 : i32
    %add3A_183 = arith.addi %mul3A_181, %add3A_182 : i32
    %dma_start3A_184 = arith.constant 0 : i32
    %dma_start3A_185 = tpu.memref_slice %arg6[%add3A_183, %dma_start3A_184] : memref<10240x128xf32, #tpu.memory_space<vmem_shared>> -> memref<40x128xf32, #tpu.memory_space<vmem_shared>>
    %dma_start3A_186 = arith.constant 0 : i32
    %dma_start3A_187 = tpu.memref_slice %arg6[%add3A_183, %dma_start3A_186] : memref<10240x128xf32, #tpu.memory_space<vmem_shared>> -> memref<40x128xf32, #tpu.memory_space<vmem_shared>>
    tpu.enqueue_dma source(%arg34 : memref<40x128xf32, #tpu.memory_space<vmem>>) target(%dma_start3A_187 : memref<40x128xf32, #tpu.memory_space<vmem_shared>>) target_semaphore(%arg35 : memref<!tpu.dma_semaphore, #tpu.memory_space<semaphore_mem>>)
    %mul3A_188 = arith.constant 640 : i32
    %mul3A_189 = arith.muli %arg1, %mul3A_188 : i32
    %add3A_190 = arith.constant 0 : i32
    %add3A_191 = arith.addi %mul3A_189, %add3A_190 : i32
    %dma_wait3A_192 = arith.constant 0 : i32
    %dma_wait3A_193 = tpu.memref_slice %arg6[%add3A_191, %dma_wait3A_192] : memref<10240x128xf32, #tpu.memory_space<vmem_shared>> -> memref<40x128xf32, #tpu.memory_space<vmem_shared>>
    %dma_wait3A_194 = arith.constant 0 : i32
    %dma_wait3A_195 = tpu.memref_slice %arg6[%add3A_191, %dma_wait3A_194] : memref<10240x128xf32, #tpu.memory_space<vmem_shared>> -> memref<40x128xf32, #tpu.memory_space<vmem_shared>>
    tpu.wait_dma2 semaphore(%arg35 : memref<!tpu.dma_semaphore, #tpu.memory_space<semaphore_mem>>) src(%arg34 : memref<40x128xf32, #tpu.memory_space<vmem>>) dst(%dma_wait3A_195 : memref<40x128xf32, #tpu.memory_space<vmem_shared>>)
    %mul3A_196 = arith.constant 640 : i32
    %mul3A_197 = arith.muli %arg1, %mul3A_196 : i32
    %add3A_198 = arith.constant 40 : i32
    %add3A_199 = arith.addi %mul3A_197, %add3A_198 : i32
    %dma_wait3A_200 = arith.constant 0 : i32
    %dma_wait3A_201 = tpu.memref_slice %arg6[%add3A_199, %dma_wait3A_200] : memref<10240x128xf32, #tpu.memory_space<vmem_shared>> -> memref<40x128xf32, #tpu.memory_space<vmem_shared>>
    %dma_wait3A_202 = arith.constant 0 : i32
    %dma_wait3A_203 = tpu.memref_slice %arg6[%add3A_199, %dma_wait3A_202] : memref<10240x128xf32, #tpu.memory_space<vmem_shared>> -> memref<40x128xf32, #tpu.memory_space<vmem_shared>>
    tpu.wait_dma2 semaphore(%arg35 : memref<!tpu.dma_semaphore, #tpu.memory_space<semaphore_mem>>) src(%arg34 : memref<40x128xf32, #tpu.memory_space<vmem>>) dst(%dma_wait3A_203 : memref<40x128xf32, #tpu.memory_space<vmem_shared>>)
    %mul3A_204 = arith.constant 640 : i32
    %mul3A_205 = arith.muli %arg1, %mul3A_204 : i32
    %add3A_206 = arith.constant 80 : i32
    %add3A_207 = arith.addi %mul3A_205, %add3A_206 : i32
    %dma_wait3A_208 = arith.constant 0 : i32
    %dma_wait3A_209 = tpu.memref_slice %arg6[%add3A_207, %dma_wait3A_208] : memref<10240x128xf32, #tpu.memory_space<vmem_shared>> -> memref<40x128xf32, #tpu.memory_space<vmem_shared>>
    %dma_wait3A_210 = arith.constant 0 : i32
    %dma_wait3A_211 = tpu.memref_slice %arg6[%add3A_207, %dma_wait3A_210] : memref<10240x128xf32, #tpu.memory_space<vmem_shared>> -> memref<40x128xf32, #tpu.memory_space<vmem_shared>>
    tpu.wait_dma2 semaphore(%arg35 : memref<!tpu.dma_semaphore, #tpu.memory_space<semaphore_mem>>) src(%arg34 : memref<40x128xf32, #tpu.memory_space<vmem>>) dst(%dma_wait3A_211 : memref<40x128xf32, #tpu.memory_space<vmem_shared>>)
    %mul3A_212 = arith.constant 640 : i32
    %mul3A_213 = arith.muli %arg1, %mul3A_212 : i32
    %add3A_214 = arith.constant 120 : i32
    %add3A_215 = arith.addi %mul3A_213, %add3A_214 : i32
    %dma_wait3A_216 = arith.constant 0 : i32
    %dma_wait3A_217 = tpu.memref_slice %arg6[%add3A_215, %dma_wait3A_216] : memref<10240x128xf32, #tpu.memory_space<vmem_shared>> -> memref<40x128xf32, #tpu.memory_space<vmem_shared>>
    %dma_wait3A_218 = arith.constant 0 : i32
    %dma_wait3A_219 = tpu.memref_slice %arg6[%add3A_215, %dma_wait3A_218] : memref<10240x128xf32, #tpu.memory_space<vmem_shared>> -> memref<40x128xf32, #tpu.memory_space<vmem_shared>>
    tpu.wait_dma2 semaphore(%arg35 : memref<!tpu.dma_semaphore, #tpu.memory_space<semaphore_mem>>) src(%arg34 : memref<40x128xf32, #tpu.memory_space<vmem>>) dst(%dma_wait3A_219 : memref<40x128xf32, #tpu.memory_space<vmem_shared>>)
    %mul3A_220 = arith.constant 640 : i32
    %mul3A_221 = arith.muli %arg1, %mul3A_220 : i32
    %add3A_222 = arith.constant 160 : i32
    %add3A_223 = arith.addi %mul3A_221, %add3A_222 : i32
    %dma_wait3A_224 = arith.constant 0 : i32
    %dma_wait3A_225 = tpu.memref_slice %arg6[%add3A_223, %dma_wait3A_224] : memref<10240x128xf32, #tpu.memory_space<vmem_shared>> -> memref<40x128xf32, #tpu.memory_space<vmem_shared>>
    %dma_wait3A_226 = arith.constant 0 : i32
    %dma_wait3A_227 = tpu.memref_slice %arg6[%add3A_223, %dma_wait3A_226] : memref<10240x128xf32, #tpu.memory_space<vmem_shared>> -> memref<40x128xf32, #tpu.memory_space<vmem_shared>>
    tpu.wait_dma2 semaphore(%arg35 : memref<!tpu.dma_semaphore, #tpu.memory_space<semaphore_mem>>) src(%arg34 : memref<40x128xf32, #tpu.memory_space<vmem>>) dst(%dma_wait3A_227 : memref<40x128xf32, #tpu.memory_space<vmem_shared>>)
    %mul3A_228 = arith.constant 640 : i32
    %mul3A_229 = arith.muli %arg1, %mul3A_228 : i32
    %add3A_230 = arith.constant 200 : i32
    %add3A_231 = arith.addi %mul3A_229, %add3A_230 : i32
    %dma_wait3A_232 = arith.constant 0 : i32
    %dma_wait3A_233 = tpu.memref_slice %arg6[%add3A_231, %dma_wait3A_232] : memref<10240x128xf32, #tpu.memory_space<vmem_shared>> -> memref<40x128xf32, #tpu.memory_space<vmem_shared>>
    %dma_wait3A_234 = arith.constant 0 : i32
    %dma_wait3A_235 = tpu.memref_slice %arg6[%add3A_231, %dma_wait3A_234] : memref<10240x128xf32, #tpu.memory_space<vmem_shared>> -> memref<40x128xf32, #tpu.memory_space<vmem_shared>>
    tpu.wait_dma2 semaphore(%arg35 : memref<!tpu.dma_semaphore, #tpu.memory_space<semaphore_mem>>) src(%arg34 : memref<40x128xf32, #tpu.memory_space<vmem>>) dst(%dma_wait3A_235 : memref<40x128xf32, #tpu.memory_space<vmem_shared>>)
    %mul3A_236 = arith.constant 640 : i32
    %mul3A_237 = arith.muli %arg1, %mul3A_236 : i32
    %add3A_238 = arith.constant 240 : i32
    %add3A_239 = arith.addi %mul3A_237, %add3A_238 : i32
    %dma_wait3A_240 = arith.constant 0 : i32
    %dma_wait3A_241 = tpu.memref_slice %arg6[%add3A_239, %dma_wait3A_240] : memref<10240x128xf32, #tpu.memory_space<vmem_shared>> -> memref<40x128xf32, #tpu.memory_space<vmem_shared>>
    %dma_wait3A_242 = arith.constant 0 : i32
    %dma_wait3A_243 = tpu.memref_slice %arg6[%add3A_239, %dma_wait3A_242] : memref<10240x128xf32, #tpu.memory_space<vmem_shared>> -> memref<40x128xf32, #tpu.memory_space<vmem_shared>>
    tpu.wait_dma2 semaphore(%arg35 : memref<!tpu.dma_semaphore, #tpu.memory_space<semaphore_mem>>) src(%arg34 : memref<40x128xf32, #tpu.memory_space<vmem>>) dst(%dma_wait3A_243 : memref<40x128xf32, #tpu.memory_space<vmem_shared>>)
    %mul3A_244 = arith.constant 640 : i32
    %mul3A_245 = arith.muli %arg1, %mul3A_244 : i32
    %add3A_246 = arith.constant 280 : i32
    %add3A_247 = arith.addi %mul3A_245, %add3A_246 : i32
    %dma_wait3A_248 = arith.constant 0 : i32
    %dma_wait3A_249 = tpu.memref_slice %arg6[%add3A_247, %dma_wait3A_248] : memref<10240x128xf32, #tpu.memory_space<vmem_shared>> -> memref<40x128xf32, #tpu.memory_space<vmem_shared>>
    %dma_wait3A_250 = arith.constant 0 : i32
    %dma_wait3A_251 = tpu.memref_slice %arg6[%add3A_247, %dma_wait3A_250] : memref<10240x128xf32, #tpu.memory_space<vmem_shared>> -> memref<40x128xf32, #tpu.memory_space<vmem_shared>>
    tpu.wait_dma2 semaphore(%arg35 : memref<!tpu.dma_semaphore, #tpu.memory_space<semaphore_mem>>) src(%arg34 : memref<40x128xf32, #tpu.memory_space<vmem>>) dst(%dma_wait3A_251 : memref<40x128xf32, #tpu.memory_space<vmem_shared>>)
    %mul3A_252 = arith.constant 640 : i32
    %mul3A_253 = arith.muli %arg1, %mul3A_252 : i32
    %add3A_254 = arith.constant 320 : i32
    %add3A_255 = arith.addi %mul3A_253, %add3A_254 : i32
    %dma_wait3A_256 = arith.constant 0 : i32
    %dma_wait3A_257 = tpu.memref_slice %arg6[%add3A_255, %dma_wait3A_256] : memref<10240x128xf32, #tpu.memory_space<vmem_shared>> -> memref<40x128xf32, #tpu.memory_space<vmem_shared>>
    %dma_wait3A_258 = arith.constant 0 : i32
    %dma_wait3A_259 = tpu.memref_slice %arg6[%add3A_255, %dma_wait3A_258] : memref<10240x128xf32, #tpu.memory_space<vmem_shared>> -> memref<40x128xf32, #tpu.memory_space<vmem_shared>>
    tpu.wait_dma2 semaphore(%arg35 : memref<!tpu.dma_semaphore, #tpu.memory_space<semaphore_mem>>) src(%arg34 : memref<40x128xf32, #tpu.memory_space<vmem>>) dst(%dma_wait3A_259 : memref<40x128xf32, #tpu.memory_space<vmem_shared>>)
    %mul3A_260 = arith.constant 640 : i32
    %mul3A_261 = arith.muli %arg1, %mul3A_260 : i32
    %add3A_262 = arith.constant 360 : i32
    %add3A_263 = arith.addi %mul3A_261, %add3A_262 : i32
    %dma_wait3A_264 = arith.constant 0 : i32
    %dma_wait3A_265 = tpu.memref_slice %arg6[%add3A_263, %dma_wait3A_264] : memref<10240x128xf32, #tpu.memory_space<vmem_shared>> -> memref<40x128xf32, #tpu.memory_space<vmem_shared>>
    %dma_wait3A_266 = arith.constant 0 : i32
    %dma_wait3A_267 = tpu.memref_slice %arg6[%add3A_263, %dma_wait3A_266] : memref<10240x128xf32, #tpu.memory_space<vmem_shared>> -> memref<40x128xf32, #tpu.memory_space<vmem_shared>>
    tpu.wait_dma2 semaphore(%arg35 : memref<!tpu.dma_semaphore, #tpu.memory_space<semaphore_mem>>) src(%arg34 : memref<40x128xf32, #tpu.memory_space<vmem>>) dst(%dma_wait3A_267 : memref<40x128xf32, #tpu.memory_space<vmem_shared>>)
    %mul3A_268 = arith.constant 640 : i32
    %mul3A_269 = arith.muli %arg1, %mul3A_268 : i32
    %add3A_270 = arith.constant 400 : i32
    %add3A_271 = arith.addi %mul3A_269, %add3A_270 : i32
    %dma_wait3A_272 = arith.constant 0 : i32
    %dma_wait3A_273 = tpu.memref_slice %arg6[%add3A_271, %dma_wait3A_272] : memref<10240x128xf32, #tpu.memory_space<vmem_shared>> -> memref<40x128xf32, #tpu.memory_space<vmem_shared>>
    %dma_wait3A_274 = arith.constant 0 : i32
    %dma_wait3A_275 = tpu.memref_slice %arg6[%add3A_271, %dma_wait3A_274] : memref<10240x128xf32, #tpu.memory_space<vmem_shared>> -> memref<40x128xf32, #tpu.memory_space<vmem_shared>>
    tpu.wait_dma2 semaphore(%arg35 : memref<!tpu.dma_semaphore, #tpu.memory_space<semaphore_mem>>) src(%arg34 : memref<40x128xf32, #tpu.memory_space<vmem>>) dst(%dma_wait3A_275 : memref<40x128xf32, #tpu.memory_space<vmem_shared>>)
    %mul3A_276 = arith.constant 640 : i32
    %mul3A_277 = arith.muli %arg1, %mul3A_276 : i32
    %add3A_278 = arith.constant 440 : i32
    %add3A_279 = arith.addi %mul3A_277, %add3A_278 : i32
    %dma_wait3A_280 = arith.constant 0 : i32
    %dma_wait3A_281 = tpu.memref_slice %arg6[%add3A_279, %dma_wait3A_280] : memref<10240x128xf32, #tpu.memory_space<vmem_shared>> -> memref<40x128xf32, #tpu.memory_space<vmem_shared>>
    %dma_wait3A_282 = arith.constant 0 : i32
    %dma_wait3A_283 = tpu.memref_slice %arg6[%add3A_279, %dma_wait3A_282] : memref<10240x128xf32, #tpu.memory_space<vmem_shared>> -> memref<40x128xf32, #tpu.memory_space<vmem_shared>>
    tpu.wait_dma2 semaphore(%arg35 : memref<!tpu.dma_semaphore, #tpu.memory_space<semaphore_mem>>) src(%arg34 : memref<40x128xf32, #tpu.memory_space<vmem>>) dst(%dma_wait3A_283 : memref<40x128xf32, #tpu.memory_space<vmem_shared>>)
    %mul3A_284 = arith.constant 640 : i32
    %mul3A_285 = arith.muli %arg1, %mul3A_284 : i32
    %add3A_286 = arith.constant 480 : i32
    %add3A_287 = arith.addi %mul3A_285, %add3A_286 : i32
    %dma_wait3A_288 = arith.constant 0 : i32
    %dma_wait3A_289 = tpu.memref_slice %arg6[%add3A_287, %dma_wait3A_288] : memref<10240x128xf32, #tpu.memory_space<vmem_shared>> -> memref<40x128xf32, #tpu.memory_space<vmem_shared>>
    %dma_wait3A_290 = arith.constant 0 : i32
    %dma_wait3A_291 = tpu.memref_slice %arg6[%add3A_287, %dma_wait3A_290] : memref<10240x128xf32, #tpu.memory_space<vmem_shared>> -> memref<40x128xf32, #tpu.memory_space<vmem_shared>>
    tpu.wait_dma2 semaphore(%arg35 : memref<!tpu.dma_semaphore, #tpu.memory_space<semaphore_mem>>) src(%arg34 : memref<40x128xf32, #tpu.memory_space<vmem>>) dst(%dma_wait3A_291 : memref<40x128xf32, #tpu.memory_space<vmem_shared>>)
    %mul3A_292 = arith.constant 640 : i32
    %mul3A_293 = arith.muli %arg1, %mul3A_292 : i32
    %add3A_294 = arith.constant 520 : i32
    %add3A_295 = arith.addi %mul3A_293, %add3A_294 : i32
    %dma_wait3A_296 = arith.constant 0 : i32
    %dma_wait3A_297 = tpu.memref_slice %arg6[%add3A_295, %dma_wait3A_296] : memref<10240x128xf32, #tpu.memory_space<vmem_shared>> -> memref<40x128xf32, #tpu.memory_space<vmem_shared>>
    %dma_wait3A_298 = arith.constant 0 : i32
    %dma_wait3A_299 = tpu.memref_slice %arg6[%add3A_295, %dma_wait3A_298] : memref<10240x128xf32, #tpu.memory_space<vmem_shared>> -> memref<40x128xf32, #tpu.memory_space<vmem_shared>>
    tpu.wait_dma2 semaphore(%arg35 : memref<!tpu.dma_semaphore, #tpu.memory_space<semaphore_mem>>) src(%arg34 : memref<40x128xf32, #tpu.memory_space<vmem>>) dst(%dma_wait3A_299 : memref<40x128xf32, #tpu.memory_space<vmem_shared>>)
    %mul3A_300 = arith.constant 640 : i32
    %mul3A_301 = arith.muli %arg1, %mul3A_300 : i32
    %add3A_302 = arith.constant 560 : i32
    %add3A_303 = arith.addi %mul3A_301, %add3A_302 : i32
    %dma_wait3A_304 = arith.constant 0 : i32
    %dma_wait3A_305 = tpu.memref_slice %arg6[%add3A_303, %dma_wait3A_304] : memref<10240x128xf32, #tpu.memory_space<vmem_shared>> -> memref<40x128xf32, #tpu.memory_space<vmem_shared>>
    %dma_wait3A_306 = arith.constant 0 : i32
    %dma_wait3A_307 = tpu.memref_slice %arg6[%add3A_303, %dma_wait3A_306] : memref<10240x128xf32, #tpu.memory_space<vmem_shared>> -> memref<40x128xf32, #tpu.memory_space<vmem_shared>>
    tpu.wait_dma2 semaphore(%arg35 : memref<!tpu.dma_semaphore, #tpu.memory_space<semaphore_mem>>) src(%arg34 : memref<40x128xf32, #tpu.memory_space<vmem>>) dst(%dma_wait3A_307 : memref<40x128xf32, #tpu.memory_space<vmem_shared>>)
    %mul3A_308 = arith.constant 640 : i32
    %mul3A_309 = arith.muli %arg1, %mul3A_308 : i32
    %add3A_310 = arith.constant 600 : i32
    %add3A_311 = arith.addi %mul3A_309, %add3A_310 : i32
    %dma_wait3A_312 = arith.constant 0 : i32
    %dma_wait3A_313 = tpu.memref_slice %arg6[%add3A_311, %dma_wait3A_312] : memref<10240x128xf32, #tpu.memory_space<vmem_shared>> -> memref<40x128xf32, #tpu.memory_space<vmem_shared>>
    %dma_wait3A_314 = arith.constant 0 : i32
    %dma_wait3A_315 = tpu.memref_slice %arg6[%add3A_311, %dma_wait3A_314] : memref<10240x128xf32, #tpu.memory_space<vmem_shared>> -> memref<40x128xf32, #tpu.memory_space<vmem_shared>>
    tpu.wait_dma2 semaphore(%arg35 : memref<!tpu.dma_semaphore, #tpu.memory_space<semaphore_mem>>) src(%arg34 : memref<40x128xf32, #tpu.memory_space<vmem>>) dst(%dma_wait3A_315 : memref<40x128xf32, #tpu.memory_space<vmem_shared>>)
    %barrier3A = arith.constant 0 : index
    tpu.barrier barrier_id(%barrier3A)
    %scan3A_316 = arith.constant 0 : i32
    %scan3A_317 = arith.constant 0 : i32
    %scan3A_318 = arith.constant 22 : i32
    %scan3A_319 = arith.addi %scan3A_317, %scan3A_318 : i32
    %scan3A_320 = arith.constant 1 : i32
    scf.for %scan3A_327 = %scan3A_317 to %scan3A_319 step %scan3A_320  : i32 {
      %mul3A_328 = arith.constant 6 : i32
      %mul3A_329 = arith.muli %scan3A_327, %mul3A_328 : i32
      %add3A_330 = arith.constant 0 : i32
      %add3A_331 = arith.addi %mul3A_329, %add3A_330 : i32
      %ge3A = arith.constant 3 : i32
      %ge3A_332 = arith.cmpi sge, %add3A_331, %ge3A : i32
      %lt3A = arith.constant 128 : i32
      %lt3A_333 = arith.cmpi slt, %add3A_331, %lt3A : i32
      %and3A = arith.andi %ge3A_332, %lt3A_333 : i1
      %convert_element_type3A = arith.extui %and3A : i1 to i32
      %cond3A = arith.constant 0 : i32
      %cond3A_334 = arith.cmpi ne, %convert_element_type3A, %cond3A : i32
      scf.if %cond3A_334 {
        %dma_wait3A_532 = arith.constant 0 : i32
        %dma_wait3A_533 = arith.constant 0 : i32
        %dma_wait3A_534 = tpu.memref_slice %arg6[%dma_wait3A_532, %dma_wait3A_533] : memref<10240x128xf32, #tpu.memory_space<vmem_shared>> -> memref<10240x128xf32, #tpu.memory_space<vmem_shared>>
        tpu.wait_indirect_dma semaphore(%arg25 : memref<!tpu.dma_semaphore, #tpu.memory_space<semaphore_mem>>) src(%arg19 : memref<80x128xf32, #tpu.memory_space<vmem>>) dst(%dma_wait3A_534 : memref<10240x128xf32, #tpu.memory_space<vmem_shared>>)
      } else {
      }
      %add3A_335 = arith.constant 3 : i32
      %add3A_336 = arith.addi %add3A_331, %add3A_335 : i32
      %lt3A_337 = arith.constant 125 : i32
      %lt3A_338 = arith.cmpi slt, %add3A_336, %lt3A_337 : i32
      %convert_element_type3A_339 = arith.extui %lt3A_338 : i1 to i32
      %cond3A_340 = arith.constant 0 : i32
      %cond3A_341 = arith.cmpi ne, %convert_element_type3A_339, %cond3A_340 : i32
      scf.if %cond3A_341 {
        %add3A_532 = arith.constant 3 : i32
        %add3A_533 = arith.addi %add3A_331, %add3A_532 : i32
        %mul3A_534 = arith.constant 80 : i32
        %mul3A_535 = arith.muli %add3A_533, %mul3A_534 : i32
        %add3A_536 = arith.addi %mul3A_2, %mul3A_535 : i32
        %multiple_of3A_537 = tpu.assume_multiple %add3A_536, 8 : i32
        %dma_start3A_538 = tpu.memref_slice %arg3[%multiple_of3A_537] : memref<320000xi32, #tpu.memory_space<hbm>> -> memref<80xi32, #tpu.memory_space<hbm>>
        %dma_start3A_539 = tpu.memref_slice %arg3[%multiple_of3A_537] : memref<320000xi32, #tpu.memory_space<hbm>> -> memref<80xi32, #tpu.memory_space<hbm>>
        tpu.enqueue_dma source(%dma_start3A_539 : memref<80xi32, #tpu.memory_space<hbm>>) target(%arg10 : memref<80xi32, #tpu.memory_space<vmem>>) target_semaphore(%arg31 : memref<!tpu.dma_semaphore, #tpu.memory_space<semaphore_mem>>)
        %dma_start3A_540 = tpu.memref_slice %arg4[%multiple_of3A_537] : memref<320000xi32, #tpu.memory_space<hbm>> -> memref<80xi32, #tpu.memory_space<hbm>>
        %dma_start3A_541 = tpu.memref_slice %arg4[%multiple_of3A_537] : memref<320000xi32, #tpu.memory_space<hbm>> -> memref<80xi32, #tpu.memory_space<hbm>>
        tpu.enqueue_dma source(%dma_start3A_541 : memref<80xi32, #tpu.memory_space<hbm>>) target(%arg16 : memref<80xi32, #tpu.memory_space<vmem>>) target_semaphore(%arg31 : memref<!tpu.dma_semaphore, #tpu.memory_space<semaphore_mem>>)
      } else {
      }
      %ge3A_342 = arith.constant 3 : i32
      %ge3A_343 = arith.cmpi sge, %add3A_331, %ge3A_342 : i32
      %lt3A_344 = arith.constant 125 : i32
      %lt3A_345 = arith.cmpi slt, %add3A_331, %lt3A_344 : i32
      %and3A_346 = arith.andi %ge3A_343, %lt3A_345 : i1
      %convert_element_type3A_347 = arith.extui %and3A_346 : i1 to i32
      %cond3A_348 = arith.constant 0 : i32
      %cond3A_349 = arith.cmpi ne, %convert_element_type3A_347, %cond3A_348 : i32
      scf.if %cond3A_349 {
        %dma_wait3A_532 = arith.constant 0 : i32
        %dma_wait3A_533 = tpu.memref_slice %arg3[%dma_wait3A_532] : memref<320000xi32, #tpu.memory_space<hbm>> -> memref<80xi32, #tpu.memory_space<hbm>>
        %dma_wait3A_534 = arith.constant 0 : i32
        %dma_wait3A_535 = tpu.memref_slice %arg3[%dma_wait3A_534] : memref<320000xi32, #tpu.memory_space<hbm>> -> memref<80xi32, #tpu.memory_space<hbm>>
        tpu.wait_dma2 semaphore(%arg28 : memref<!tpu.dma_semaphore, #tpu.memory_space<semaphore_mem>>) src(%dma_wait3A_535 : memref<80xi32, #tpu.memory_space<hbm>>) dst(%arg7 : memref<80xi32, #tpu.memory_space<vmem>>)
        %dma_wait3A_536 = arith.constant 0 : i32
        %dma_wait3A_537 = tpu.memref_slice %arg4[%dma_wait3A_536] : memref<320000xi32, #tpu.memory_space<hbm>> -> memref<80xi32, #tpu.memory_space<hbm>>
        %dma_wait3A_538 = arith.constant 0 : i32
        %dma_wait3A_539 = tpu.memref_slice %arg4[%dma_wait3A_538] : memref<320000xi32, #tpu.memory_space<hbm>> -> memref<80xi32, #tpu.memory_space<hbm>>
        tpu.wait_dma2 semaphore(%arg28 : memref<!tpu.dma_semaphore, #tpu.memory_space<semaphore_mem>>) src(%dma_wait3A_539 : memref<80xi32, #tpu.memory_space<hbm>>) dst(%arg13 : memref<80xi32, #tpu.memory_space<vmem>>)
        %dma_start3A_540 = arith.constant 0 : i32
        %dma_start3A_541 = arith.constant 0 : i32
        %dma_start3A_542 = tpu.memref_slice %arg2[%dma_start3A_540, %dma_start3A_541] : memref<10000x128xf32, #tpu.memory_space<hbm>> -> memref<10000x128xf32, #tpu.memory_space<hbm>>
        tpu.enqueue_indirect_dma source(%dma_start3A_542 : memref<10000x128xf32, #tpu.memory_space<hbm>>) target(%arg19 : memref<80x128xf32, #tpu.memory_space<vmem>>) offsets(%arg7 : memref<80xi32, #tpu.memory_space<vmem>>) semaphore(%arg22 : memref<!tpu.dma_semaphore, #tpu.memory_space<semaphore_mem>>)
      } else {
      }
      %ge3A_350 = arith.constant 1 : i32
      %ge3A_351 = arith.cmpi sge, %add3A_331, %ge3A_350 : i32
      %le3A = arith.constant 125 : i32
      %le3A_352 = arith.cmpi sle, %add3A_331, %le3A : i32
      %and3A_353 = arith.andi %ge3A_351, %le3A_352 : i1
      %convert_element_type3A_354 = arith.extui %and3A_353 : i1 to i32
      %cond3A_355 = arith.constant 0 : i32
      %cond3A_356 = arith.cmpi ne, %convert_element_type3A_354, %cond3A_355 : i32
      scf.if %cond3A_356 {
        %dma_wait3A_532 = arith.constant 0 : i32
        %dma_wait3A_533 = arith.constant 0 : i32
        %dma_wait3A_534 = tpu.memref_slice %arg2[%dma_wait3A_532, %dma_wait3A_533] : memref<10000x128xf32, #tpu.memory_space<hbm>> -> memref<10000x128xf32, #tpu.memory_space<hbm>>
        tpu.wait_indirect_dma semaphore(%arg24 : memref<!tpu.dma_semaphore, #tpu.memory_space<semaphore_mem>>) src(%dma_wait3A_534 : memref<10000x128xf32, #tpu.memory_space<hbm>>) dst(%arg21 : memref<80x128xf32, #tpu.memory_space<vmem>>)
        %dma_start3A_535 = arith.constant 0 : i32
        %dma_start3A_536 = arith.constant 0 : i32
        %dma_start3A_537 = tpu.memref_slice %arg6[%dma_start3A_535, %dma_start3A_536] : memref<10240x128xf32, #tpu.memory_space<vmem_shared>> -> memref<10240x128xf32, #tpu.memory_space<vmem_shared>>
        tpu.enqueue_indirect_dma source(%arg21 : memref<80x128xf32, #tpu.memory_space<vmem>>) target(%dma_start3A_537 : memref<10240x128xf32, #tpu.memory_space<vmem_shared>>) offsets(%arg18 : memref<80xi32, #tpu.memory_space<vmem>>) semaphore(%arg27 : memref<!tpu.dma_semaphore, #tpu.memory_space<semaphore_mem>>) {add = true}
      } else {
      }
      %mul3A_357 = arith.constant 6 : i32
      %mul3A_358 = arith.muli %scan3A_327, %mul3A_357 : i32
      %add3A_359 = arith.constant 1 : i32
      %add3A_360 = arith.addi %mul3A_358, %add3A_359 : i32
      %ge3A_361 = arith.constant 3 : i32
      %ge3A_362 = arith.cmpi sge, %add3A_360, %ge3A_361 : i32
      %lt3A_363 = arith.constant 128 : i32
      %lt3A_364 = arith.cmpi slt, %add3A_360, %lt3A_363 : i32
      %and3A_365 = arith.andi %ge3A_362, %lt3A_364 : i1
      %convert_element_type3A_366 = arith.extui %and3A_365 : i1 to i32
      %cond3A_367 = arith.constant 0 : i32
      %cond3A_368 = arith.cmpi ne, %convert_element_type3A_366, %cond3A_367 : i32
      scf.if %cond3A_368 {
        %dma_wait3A_532 = arith.constant 0 : i32
        %dma_wait3A_533 = arith.constant 0 : i32
        %dma_wait3A_534 = tpu.memref_slice %arg6[%dma_wait3A_532, %dma_wait3A_533] : memref<10240x128xf32, #tpu.memory_space<vmem_shared>> -> memref<10240x128xf32, #tpu.memory_space<vmem_shared>>
        tpu.wait_indirect_dma semaphore(%arg26 : memref<!tpu.dma_semaphore, #tpu.memory_space<semaphore_mem>>) src(%arg20 : memref<80x128xf32, #tpu.memory_space<vmem>>) dst(%dma_wait3A_534 : memref<10240x128xf32, #tpu.memory_space<vmem_shared>>)
      } else {
      }
      %add3A_369 = arith.constant 3 : i32
      %add3A_370 = arith.addi %add3A_360, %add3A_369 : i32
      %lt3A_371 = arith.constant 125 : i32
      %lt3A_372 = arith.cmpi slt, %add3A_370, %lt3A_371 : i32
      %convert_element_type3A_373 = arith.extui %lt3A_372 : i1 to i32
      %cond3A_374 = arith.constant 0 : i32
      %cond3A_375 = arith.cmpi ne, %convert_element_type3A_373, %cond3A_374 : i32
      scf.if %cond3A_375 {
        %add3A_532 = arith.constant 3 : i32
        %add3A_533 = arith.addi %add3A_360, %add3A_532 : i32
        %mul3A_534 = arith.constant 80 : i32
        %mul3A_535 = arith.muli %add3A_533, %mul3A_534 : i32
        %add3A_536 = arith.addi %mul3A_2, %mul3A_535 : i32
        %multiple_of3A_537 = tpu.assume_multiple %add3A_536, 8 : i32
        %dma_start3A_538 = tpu.memref_slice %arg3[%multiple_of3A_537] : memref<320000xi32, #tpu.memory_space<hbm>> -> memref<80xi32, #tpu.memory_space<hbm>>
        %dma_start3A_539 = tpu.memref_slice %arg3[%multiple_of3A_537] : memref<320000xi32, #tpu.memory_space<hbm>> -> memref<80xi32, #tpu.memory_space<hbm>>
        tpu.enqueue_dma source(%dma_start3A_539 : memref<80xi32, #tpu.memory_space<hbm>>) target(%arg11 : memref<80xi32, #tpu.memory_space<vmem>>) target_semaphore(%arg32 : memref<!tpu.dma_semaphore, #tpu.memory_space<semaphore_mem>>)
        %dma_start3A_540 = tpu.memref_slice %arg4[%multiple_of3A_537] : memref<320000xi32, #tpu.memory_space<hbm>> -> memref<80xi32, #tpu.memory_space<hbm>>
        %dma_start3A_541 = tpu.memref_slice %arg4[%multiple_of3A_537] : memref<320000xi32, #tpu.memory_space<hbm>> -> memref<80xi32, #tpu.memory_space<hbm>>
        tpu.enqueue_dma source(%dma_start3A_541 : memref<80xi32, #tpu.memory_space<hbm>>) target(%arg17 : memref<80xi32, #tpu.memory_space<vmem>>) target_semaphore(%arg32 : memref<!tpu.dma_semaphore, #tpu.memory_space<semaphore_mem>>)
      } else {
      }
      %ge3A_376 = arith.constant 3 : i32
      %ge3A_377 = arith.cmpi sge, %add3A_360, %ge3A_376 : i32
      %lt3A_378 = arith.constant 125 : i32
      %lt3A_379 = arith.cmpi slt, %add3A_360, %lt3A_378 : i32
      %and3A_380 = arith.andi %ge3A_377, %lt3A_379 : i1
      %convert_element_type3A_381 = arith.extui %and3A_380 : i1 to i32
      %cond3A_382 = arith.constant 0 : i32
      %cond3A_383 = arith.cmpi ne, %convert_element_type3A_381, %cond3A_382 : i32
      scf.if %cond3A_383 {
        %dma_wait3A_532 = arith.constant 0 : i32
        %dma_wait3A_533 = tpu.memref_slice %arg3[%dma_wait3A_532] : memref<320000xi32, #tpu.memory_space<hbm>> -> memref<80xi32, #tpu.memory_space<hbm>>
        %dma_wait3A_534 = arith.constant 0 : i32
        %dma_wait3A_535 = tpu.memref_slice %arg3[%dma_wait3A_534] : memref<320000xi32, #tpu.memory_space<hbm>> -> memref<80xi32, #tpu.memory_space<hbm>>
        tpu.wait_dma2 semaphore(%arg29 : memref<!tpu.dma_semaphore, #tpu.memory_space<semaphore_mem>>) src(%dma_wait3A_535 : memref<80xi32, #tpu.memory_space<hbm>>) dst(%arg8 : memref<80xi32, #tpu.memory_space<vmem>>)
        %dma_wait3A_536 = arith.constant 0 : i32
        %dma_wait3A_537 = tpu.memref_slice %arg4[%dma_wait3A_536] : memref<320000xi32, #tpu.memory_space<hbm>> -> memref<80xi32, #tpu.memory_space<hbm>>
        %dma_wait3A_538 = arith.constant 0 : i32
        %dma_wait3A_539 = tpu.memref_slice %arg4[%dma_wait3A_538] : memref<320000xi32, #tpu.memory_space<hbm>> -> memref<80xi32, #tpu.memory_space<hbm>>
        tpu.wait_dma2 semaphore(%arg29 : memref<!tpu.dma_semaphore, #tpu.memory_space<semaphore_mem>>) src(%dma_wait3A_539 : memref<80xi32, #tpu.memory_space<hbm>>) dst(%arg14 : memref<80xi32, #tpu.memory_space<vmem>>)
        %dma_start3A_540 = arith.constant 0 : i32
        %dma_start3A_541 = arith.constant 0 : i32
        %dma_start3A_542 = tpu.memref_slice %arg2[%dma_start3A_540, %dma_start3A_541] : memref<10000x128xf32, #tpu.memory_space<hbm>> -> memref<10000x128xf32, #tpu.memory_space<hbm>>
        tpu.enqueue_indirect_dma source(%dma_start3A_542 : memref<10000x128xf32, #tpu.memory_space<hbm>>) target(%arg20 : memref<80x128xf32, #tpu.memory_space<vmem>>) offsets(%arg8 : memref<80xi32, #tpu.memory_space<vmem>>) semaphore(%arg23 : memref<!tpu.dma_semaphore, #tpu.memory_space<semaphore_mem>>)
      } else {
      }
      %ge3A_384 = arith.constant 1 : i32
      %ge3A_385 = arith.cmpi sge, %add3A_360, %ge3A_384 : i32
      %le3A_386 = arith.constant 125 : i32
      %le3A_387 = arith.cmpi sle, %add3A_360, %le3A_386 : i32
      %and3A_388 = arith.andi %ge3A_385, %le3A_387 : i1
      %convert_element_type3A_389 = arith.extui %and3A_388 : i1 to i32
      %cond3A_390 = arith.constant 0 : i32
      %cond3A_391 = arith.cmpi ne, %convert_element_type3A_389, %cond3A_390 : i32
      scf.if %cond3A_391 {
        %dma_wait3A_532 = arith.constant 0 : i32
        %dma_wait3A_533 = arith.constant 0 : i32
        %dma_wait3A_534 = tpu.memref_slice %arg2[%dma_wait3A_532, %dma_wait3A_533] : memref<10000x128xf32, #tpu.memory_space<hbm>> -> memref<10000x128xf32, #tpu.memory_space<hbm>>
        tpu.wait_indirect_dma semaphore(%arg22 : memref<!tpu.dma_semaphore, #tpu.memory_space<semaphore_mem>>) src(%dma_wait3A_534 : memref<10000x128xf32, #tpu.memory_space<hbm>>) dst(%arg19 : memref<80x128xf32, #tpu.memory_space<vmem>>)
        %dma_start3A_535 = arith.constant 0 : i32
        %dma_start3A_536 = arith.constant 0 : i32
        %dma_start3A_537 = tpu.memref_slice %arg6[%dma_start3A_535, %dma_start3A_536] : memref<10240x128xf32, #tpu.memory_space<vmem_shared>> -> memref<10240x128xf32, #tpu.memory_space<vmem_shared>>
        tpu.enqueue_indirect_dma source(%arg19 : memref<80x128xf32, #tpu.memory_space<vmem>>) target(%dma_start3A_537 : memref<10240x128xf32, #tpu.memory_space<vmem_shared>>) offsets(%arg13 : memref<80xi32, #tpu.memory_space<vmem>>) semaphore(%arg25 : memref<!tpu.dma_semaphore, #tpu.memory_space<semaphore_mem>>) {add = true}
      } else {
      }
      %mul3A_392 = arith.constant 6 : i32
      %mul3A_393 = arith.muli %scan3A_327, %mul3A_392 : i32
      %add3A_394 = arith.constant 2 : i32
      %add3A_395 = arith.addi %mul3A_393, %add3A_394 : i32
      %ge3A_396 = arith.constant 3 : i32
      %ge3A_397 = arith.cmpi sge, %add3A_395, %ge3A_396 : i32
      %lt3A_398 = arith.constant 128 : i32
      %lt3A_399 = arith.cmpi slt, %add3A_395, %lt3A_398 : i32
      %and3A_400 = arith.andi %ge3A_397, %lt3A_399 : i1
      %convert_element_type3A_401 = arith.extui %and3A_400 : i1 to i32
      %cond3A_402 = arith.constant 0 : i32
      %cond3A_403 = arith.cmpi ne, %convert_element_type3A_401, %cond3A_402 : i32
      scf.if %cond3A_403 {
        %dma_wait3A_532 = arith.constant 0 : i32
        %dma_wait3A_533 = arith.constant 0 : i32
        %dma_wait3A_534 = tpu.memref_slice %arg6[%dma_wait3A_532, %dma_wait3A_533] : memref<10240x128xf32, #tpu.memory_space<vmem_shared>> -> memref<10240x128xf32, #tpu.memory_space<vmem_shared>>
        tpu.wait_indirect_dma semaphore(%arg27 : memref<!tpu.dma_semaphore, #tpu.memory_space<semaphore_mem>>) src(%arg21 : memref<80x128xf32, #tpu.memory_space<vmem>>) dst(%dma_wait3A_534 : memref<10240x128xf32, #tpu.memory_space<vmem_shared>>)
      } else {
      }
      %add3A_404 = arith.constant 3 : i32
      %add3A_405 = arith.addi %add3A_395, %add3A_404 : i32
      %lt3A_406 = arith.constant 125 : i32
      %lt3A_407 = arith.cmpi slt, %add3A_405, %lt3A_406 : i32
      %convert_element_type3A_408 = arith.extui %lt3A_407 : i1 to i32
      %cond3A_409 = arith.constant 0 : i32
      %cond3A_410 = arith.cmpi ne, %convert_element_type3A_408, %cond3A_409 : i32
      scf.if %cond3A_410 {
        %add3A_532 = arith.constant 3 : i32
        %add3A_533 = arith.addi %add3A_395, %add3A_532 : i32
        %mul3A_534 = arith.constant 80 : i32
        %mul3A_535 = arith.muli %add3A_533, %mul3A_534 : i32
        %add3A_536 = arith.addi %mul3A_2, %mul3A_535 : i32
        %multiple_of3A_537 = tpu.assume_multiple %add3A_536, 8 : i32
        %dma_start3A_538 = tpu.memref_slice %arg3[%multiple_of3A_537] : memref<320000xi32, #tpu.memory_space<hbm>> -> memref<80xi32, #tpu.memory_space<hbm>>
        %dma_start3A_539 = tpu.memref_slice %arg3[%multiple_of3A_537] : memref<320000xi32, #tpu.memory_space<hbm>> -> memref<80xi32, #tpu.memory_space<hbm>>
        tpu.enqueue_dma source(%dma_start3A_539 : memref<80xi32, #tpu.memory_space<hbm>>) target(%arg12 : memref<80xi32, #tpu.memory_space<vmem>>) target_semaphore(%arg33 : memref<!tpu.dma_semaphore, #tpu.memory_space<semaphore_mem>>)
        %dma_start3A_540 = tpu.memref_slice %arg4[%multiple_of3A_537] : memref<320000xi32, #tpu.memory_space<hbm>> -> memref<80xi32, #tpu.memory_space<hbm>>
        %dma_start3A_541 = tpu.memref_slice %arg4[%multiple_of3A_537] : memref<320000xi32, #tpu.memory_space<hbm>> -> memref<80xi32, #tpu.memory_space<hbm>>
        tpu.enqueue_dma source(%dma_start3A_541 : memref<80xi32, #tpu.memory_space<hbm>>) target(%arg18 : memref<80xi32, #tpu.memory_space<vmem>>) target_semaphore(%arg33 : memref<!tpu.dma_semaphore, #tpu.memory_space<semaphore_mem>>)
      } else {
      }
      %ge3A_411 = arith.constant 3 : i32
      %ge3A_412 = arith.cmpi sge, %add3A_395, %ge3A_411 : i32
      %lt3A_413 = arith.constant 125 : i32
      %lt3A_414 = arith.cmpi slt, %add3A_395, %lt3A_413 : i32
      %and3A_415 = arith.andi %ge3A_412, %lt3A_414 : i1
      %convert_element_type3A_416 = arith.extui %and3A_415 : i1 to i32
      %cond3A_417 = arith.constant 0 : i32
      %cond3A_418 = arith.cmpi ne, %convert_element_type3A_416, %cond3A_417 : i32
      scf.if %cond3A_418 {
        %dma_wait3A_532 = arith.constant 0 : i32
        %dma_wait3A_533 = tpu.memref_slice %arg3[%dma_wait3A_532] : memref<320000xi32, #tpu.memory_space<hbm>> -> memref<80xi32, #tpu.memory_space<hbm>>
        %dma_wait3A_534 = arith.constant 0 : i32
        %dma_wait3A_535 = tpu.memref_slice %arg3[%dma_wait3A_534] : memref<320000xi32, #tpu.memory_space<hbm>> -> memref<80xi32, #tpu.memory_space<hbm>>
        tpu.wait_dma2 semaphore(%arg30 : memref<!tpu.dma_semaphore, #tpu.memory_space<semaphore_mem>>) src(%dma_wait3A_535 : memref<80xi32, #tpu.memory_space<hbm>>) dst(%arg9 : memref<80xi32, #tpu.memory_space<vmem>>)
        %dma_wait3A_536 = arith.constant 0 : i32
        %dma_wait3A_537 = tpu.memref_slice %arg4[%dma_wait3A_536] : memref<320000xi32, #tpu.memory_space<hbm>> -> memref<80xi32, #tpu.memory_space<hbm>>
        %dma_wait3A_538 = arith.constant 0 : i32
        %dma_wait3A_539 = tpu.memref_slice %arg4[%dma_wait3A_538] : memref<320000xi32, #tpu.memory_space<hbm>> -> memref<80xi32, #tpu.memory_space<hbm>>
        tpu.wait_dma2 semaphore(%arg30 : memref<!tpu.dma_semaphore, #tpu.memory_space<semaphore_mem>>) src(%dma_wait3A_539 : memref<80xi32, #tpu.memory_space<hbm>>) dst(%arg15 : memref<80xi32, #tpu.memory_space<vmem>>)
        %dma_start3A_540 = arith.constant 0 : i32
        %dma_start3A_541 = arith.constant 0 : i32
        %dma_start3A_542 = tpu.memref_slice %arg2[%dma_start3A_540, %dma_start3A_541] : memref<10000x128xf32, #tpu.memory_space<hbm>> -> memref<10000x128xf32, #tpu.memory_space<hbm>>
        tpu.enqueue_indirect_dma source(%dma_start3A_542 : memref<10000x128xf32, #tpu.memory_space<hbm>>) target(%arg21 : memref<80x128xf32, #tpu.memory_space<vmem>>) offsets(%arg9 : memref<80xi32, #tpu.memory_space<vmem>>) semaphore(%arg24 : memref<!tpu.dma_semaphore, #tpu.memory_space<semaphore_mem>>)
      } else {
      }
      %ge3A_419 = arith.constant 1 : i32
      %ge3A_420 = arith.cmpi sge, %add3A_395, %ge3A_419 : i32
      %le3A_421 = arith.constant 125 : i32
      %le3A_422 = arith.cmpi sle, %add3A_395, %le3A_421 : i32
      %and3A_423 = arith.andi %ge3A_420, %le3A_422 : i1
      %convert_element_type3A_424 = arith.extui %and3A_423 : i1 to i32
      %cond3A_425 = arith.constant 0 : i32
      %cond3A_426 = arith.cmpi ne, %convert_element_type3A_424, %cond3A_425 : i32
      scf.if %cond3A_426 {
        %dma_wait3A_532 = arith.constant 0 : i32
        %dma_wait3A_533 = arith.constant 0 : i32
        %dma_wait3A_534 = tpu.memref_slice %arg2[%dma_wait3A_532, %dma_wait3A_533] : memref<10000x128xf32, #tpu.memory_space<hbm>> -> memref<10000x128xf32, #tpu.memory_space<hbm>>
        tpu.wait_indirect_dma semaphore(%arg23 : memref<!tpu.dma_semaphore, #tpu.memory_space<semaphore_mem>>) src(%dma_wait3A_534 : memref<10000x128xf32, #tpu.memory_space<hbm>>) dst(%arg20 : memref<80x128xf32, #tpu.memory_space<vmem>>)
        %dma_start3A_535 = arith.constant 0 : i32
        %dma_start3A_536 = arith.constant 0 : i32
        %dma_start3A_537 = tpu.memref_slice %arg6[%dma_start3A_535, %dma_start3A_536] : memref<10240x128xf32, #tpu.memory_space<vmem_shared>> -> memref<10240x128xf32, #tpu.memory_space<vmem_shared>>
        tpu.enqueue_indirect_dma source(%arg20 : memref<80x128xf32, #tpu.memory_space<vmem>>) target(%dma_start3A_537 : memref<10240x128xf32, #tpu.memory_space<vmem_shared>>) offsets(%arg14 : memref<80xi32, #tpu.memory_space<vmem>>) semaphore(%arg26 : memref<!tpu.dma_semaphore, #tpu.memory_space<semaphore_mem>>) {add = true}
      } else {
      }
      %mul3A_427 = arith.constant 6 : i32
      %mul3A_428 = arith.muli %scan3A_327, %mul3A_427 : i32
      %add3A_429 = arith.constant 3 : i32
      %add3A_430 = arith.addi %mul3A_428, %add3A_429 : i32
      %ge3A_431 = arith.constant 3 : i32
      %ge3A_432 = arith.cmpi sge, %add3A_430, %ge3A_431 : i32
      %lt3A_433 = arith.constant 128 : i32
      %lt3A_434 = arith.cmpi slt, %add3A_430, %lt3A_433 : i32
      %and3A_435 = arith.andi %ge3A_432, %lt3A_434 : i1
      %convert_element_type3A_436 = arith.extui %and3A_435 : i1 to i32
      %cond3A_437 = arith.constant 0 : i32
      %cond3A_438 = arith.cmpi ne, %convert_element_type3A_436, %cond3A_437 : i32
      scf.if %cond3A_438 {
        %dma_wait3A_532 = arith.constant 0 : i32
        %dma_wait3A_533 = arith.constant 0 : i32
        %dma_wait3A_534 = tpu.memref_slice %arg6[%dma_wait3A_532, %dma_wait3A_533] : memref<10240x128xf32, #tpu.memory_space<vmem_shared>> -> memref<10240x128xf32, #tpu.memory_space<vmem_shared>>
        tpu.wait_indirect_dma semaphore(%arg25 : memref<!tpu.dma_semaphore, #tpu.memory_space<semaphore_mem>>) src(%arg19 : memref<80x128xf32, #tpu.memory_space<vmem>>) dst(%dma_wait3A_534 : memref<10240x128xf32, #tpu.memory_space<vmem_shared>>)
      } else {
      }
      %add3A_439 = arith.constant 3 : i32
      %add3A_440 = arith.addi %add3A_430, %add3A_439 : i32
      %lt3A_441 = arith.constant 125 : i32
      %lt3A_442 = arith.cmpi slt, %add3A_440, %lt3A_441 : i32
      %convert_element_type3A_443 = arith.extui %lt3A_442 : i1 to i32
      %cond3A_444 = arith.constant 0 : i32
      %cond3A_445 = arith.cmpi ne, %convert_element_type3A_443, %cond3A_444 : i32
      scf.if %cond3A_445 {
        %add3A_532 = arith.constant 3 : i32
        %add3A_533 = arith.addi %add3A_430, %add3A_532 : i32
        %mul3A_534 = arith.constant 80 : i32
        %mul3A_535 = arith.muli %add3A_533, %mul3A_534 : i32
        %add3A_536 = arith.addi %mul3A_2, %mul3A_535 : i32
        %multiple_of3A_537 = tpu.assume_multiple %add3A_536, 8 : i32
        %dma_start3A_538 = tpu.memref_slice %arg3[%multiple_of3A_537] : memref<320000xi32, #tpu.memory_space<hbm>> -> memref<80xi32, #tpu.memory_space<hbm>>
        %dma_start3A_539 = tpu.memref_slice %arg3[%multiple_of3A_537] : memref<320000xi32, #tpu.memory_space<hbm>> -> memref<80xi32, #tpu.memory_space<hbm>>
        tpu.enqueue_dma source(%dma_start3A_539 : memref<80xi32, #tpu.memory_space<hbm>>) target(%arg7 : memref<80xi32, #tpu.memory_space<vmem>>) target_semaphore(%arg28 : memref<!tpu.dma_semaphore, #tpu.memory_space<semaphore_mem>>)
        %dma_start3A_540 = tpu.memref_slice %arg4[%multiple_of3A_537] : memref<320000xi32, #tpu.memory_space<hbm>> -> memref<80xi32, #tpu.memory_space<hbm>>
        %dma_start3A_541 = tpu.memref_slice %arg4[%multiple_of3A_537] : memref<320000xi32, #tpu.memory_space<hbm>> -> memref<80xi32, #tpu.memory_space<hbm>>
        tpu.enqueue_dma source(%dma_start3A_541 : memref<80xi32, #tpu.memory_space<hbm>>) target(%arg13 : memref<80xi32, #tpu.memory_space<vmem>>) target_semaphore(%arg28 : memref<!tpu.dma_semaphore, #tpu.memory_space<semaphore_mem>>)
      } else {
      }
      %ge3A_446 = arith.constant 3 : i32
      %ge3A_447 = arith.cmpi sge, %add3A_430, %ge3A_446 : i32
      %lt3A_448 = arith.constant 125 : i32
      %lt3A_449 = arith.cmpi slt, %add3A_430, %lt3A_448 : i32
      %and3A_450 = arith.andi %ge3A_447, %lt3A_449 : i1
      %convert_element_type3A_451 = arith.extui %and3A_450 : i1 to i32
      %cond3A_452 = arith.constant 0 : i32
      %cond3A_453 = arith.cmpi ne, %convert_element_type3A_451, %cond3A_452 : i32
      scf.if %cond3A_453 {
        %dma_wait3A_532 = arith.constant 0 : i32
        %dma_wait3A_533 = tpu.memref_slice %arg3[%dma_wait3A_532] : memref<320000xi32, #tpu.memory_space<hbm>> -> memref<80xi32, #tpu.memory_space<hbm>>
        %dma_wait3A_534 = arith.constant 0 : i32
        %dma_wait3A_535 = tpu.memref_slice %arg3[%dma_wait3A_534] : memref<320000xi32, #tpu.memory_space<hbm>> -> memref<80xi32, #tpu.memory_space<hbm>>
        tpu.wait_dma2 semaphore(%arg31 : memref<!tpu.dma_semaphore, #tpu.memory_space<semaphore_mem>>) src(%dma_wait3A_535 : memref<80xi32, #tpu.memory_space<hbm>>) dst(%arg10 : memref<80xi32, #tpu.memory_space<vmem>>)
        %dma_wait3A_536 = arith.constant 0 : i32
        %dma_wait3A_537 = tpu.memref_slice %arg4[%dma_wait3A_536] : memref<320000xi32, #tpu.memory_space<hbm>> -> memref<80xi32, #tpu.memory_space<hbm>>
        %dma_wait3A_538 = arith.constant 0 : i32
        %dma_wait3A_539 = tpu.memref_slice %arg4[%dma_wait3A_538] : memref<320000xi32, #tpu.memory_space<hbm>> -> memref<80xi32, #tpu.memory_space<hbm>>
        tpu.wait_dma2 semaphore(%arg31 : memref<!tpu.dma_semaphore, #tpu.memory_space<semaphore_mem>>) src(%dma_wait3A_539 : memref<80xi32, #tpu.memory_space<hbm>>) dst(%arg16 : memref<80xi32, #tpu.memory_space<vmem>>)
        %dma_start3A_540 = arith.constant 0 : i32
        %dma_start3A_541 = arith.constant 0 : i32
        %dma_start3A_542 = tpu.memref_slice %arg2[%dma_start3A_540, %dma_start3A_541] : memref<10000x128xf32, #tpu.memory_space<hbm>> -> memref<10000x128xf32, #tpu.memory_space<hbm>>
        tpu.enqueue_indirect_dma source(%dma_start3A_542 : memref<10000x128xf32, #tpu.memory_space<hbm>>) target(%arg19 : memref<80x128xf32, #tpu.memory_space<vmem>>) offsets(%arg10 : memref<80xi32, #tpu.memory_space<vmem>>) semaphore(%arg22 : memref<!tpu.dma_semaphore, #tpu.memory_space<semaphore_mem>>)
      } else {
      }
      %ge3A_454 = arith.constant 1 : i32
      %ge3A_455 = arith.cmpi sge, %add3A_430, %ge3A_454 : i32
      %le3A_456 = arith.constant 125 : i32
      %le3A_457 = arith.cmpi sle, %add3A_430, %le3A_456 : i32
      %and3A_458 = arith.andi %ge3A_455, %le3A_457 : i1
      %convert_element_type3A_459 = arith.extui %and3A_458 : i1 to i32
      %cond3A_460 = arith.constant 0 : i32
      %cond3A_461 = arith.cmpi ne, %convert_element_type3A_459, %cond3A_460 : i32
      scf.if %cond3A_461 {
        %dma_wait3A_532 = arith.constant 0 : i32
        %dma_wait3A_533 = arith.constant 0 : i32
        %dma_wait3A_534 = tpu.memref_slice %arg2[%dma_wait3A_532, %dma_wait3A_533] : memref<10000x128xf32, #tpu.memory_space<hbm>> -> memref<10000x128xf32, #tpu.memory_space<hbm>>
        tpu.wait_indirect_dma semaphore(%arg24 : memref<!tpu.dma_semaphore, #tpu.memory_space<semaphore_mem>>) src(%dma_wait3A_534 : memref<10000x128xf32, #tpu.memory_space<hbm>>) dst(%arg21 : memref<80x128xf32, #tpu.memory_space<vmem>>)
        %dma_start3A_535 = arith.constant 0 : i32
        %dma_start3A_536 = arith.constant 0 : i32
        %dma_start3A_537 = tpu.memref_slice %arg6[%dma_start3A_535, %dma_start3A_536] : memref<10240x128xf32, #tpu.memory_space<vmem_shared>> -> memref<10240x128xf32, #tpu.memory_space<vmem_shared>>
        tpu.enqueue_indirect_dma source(%arg21 : memref<80x128xf32, #tpu.memory_space<vmem>>) target(%dma_start3A_537 : memref<10240x128xf32, #tpu.memory_space<vmem_shared>>) offsets(%arg15 : memref<80xi32, #tpu.memory_space<vmem>>) semaphore(%arg27 : memref<!tpu.dma_semaphore, #tpu.memory_space<semaphore_mem>>) {add = true}
      } else {
      }
      %mul3A_462 = arith.constant 6 : i32
      %mul3A_463 = arith.muli %scan3A_327, %mul3A_462 : i32
      %add3A_464 = arith.constant 4 : i32
      %add3A_465 = arith.addi %mul3A_463, %add3A_464 : i32
      %ge3A_466 = arith.constant 3 : i32
      %ge3A_467 = arith.cmpi sge, %add3A_465, %ge3A_466 : i32
      %lt3A_468 = arith.constant 128 : i32
      %lt3A_469 = arith.cmpi slt, %add3A_465, %lt3A_468 : i32
      %and3A_470 = arith.andi %ge3A_467, %lt3A_469 : i1
      %convert_element_type3A_471 = arith.extui %and3A_470 : i1 to i32
      %cond3A_472 = arith.constant 0 : i32
      %cond3A_473 = arith.cmpi ne, %convert_element_type3A_471, %cond3A_472 : i32
      scf.if %cond3A_473 {
        %dma_wait3A_532 = arith.constant 0 : i32
        %dma_wait3A_533 = arith.constant 0 : i32
        %dma_wait3A_534 = tpu.memref_slice %arg6[%dma_wait3A_532, %dma_wait3A_533] : memref<10240x128xf32, #tpu.memory_space<vmem_shared>> -> memref<10240x128xf32, #tpu.memory_space<vmem_shared>>
        tpu.wait_indirect_dma semaphore(%arg26 : memref<!tpu.dma_semaphore, #tpu.memory_space<semaphore_mem>>) src(%arg20 : memref<80x128xf32, #tpu.memory_space<vmem>>) dst(%dma_wait3A_534 : memref<10240x128xf32, #tpu.memory_space<vmem_shared>>)
      } else {
      }
      %add3A_474 = arith.constant 3 : i32
      %add3A_475 = arith.addi %add3A_465, %add3A_474 : i32
      %lt3A_476 = arith.constant 125 : i32
      %lt3A_477 = arith.cmpi slt, %add3A_475, %lt3A_476 : i32
      %convert_element_type3A_478 = arith.extui %lt3A_477 : i1 to i32
      %cond3A_479 = arith.constant 0 : i32
      %cond3A_480 = arith.cmpi ne, %convert_element_type3A_478, %cond3A_479 : i32
      scf.if %cond3A_480 {
        %add3A_532 = arith.constant 3 : i32
        %add3A_533 = arith.addi %add3A_465, %add3A_532 : i32
        %mul3A_534 = arith.constant 80 : i32
        %mul3A_535 = arith.muli %add3A_533, %mul3A_534 : i32
        %add3A_536 = arith.addi %mul3A_2, %mul3A_535 : i32
        %multiple_of3A_537 = tpu.assume_multiple %add3A_536, 8 : i32
        %dma_start3A_538 = tpu.memref_slice %arg3[%multiple_of3A_537] : memref<320000xi32, #tpu.memory_space<hbm>> -> memref<80xi32, #tpu.memory_space<hbm>>
        %dma_start3A_539 = tpu.memref_slice %arg3[%multiple_of3A_537] : memref<320000xi32, #tpu.memory_space<hbm>> -> memref<80xi32, #tpu.memory_space<hbm>>
        tpu.enqueue_dma source(%dma_start3A_539 : memref<80xi32, #tpu.memory_space<hbm>>) target(%arg8 : memref<80xi32, #tpu.memory_space<vmem>>) target_semaphore(%arg29 : memref<!tpu.dma_semaphore, #tpu.memory_space<semaphore_mem>>)
        %dma_start3A_540 = tpu.memref_slice %arg4[%multiple_of3A_537] : memref<320000xi32, #tpu.memory_space<hbm>> -> memref<80xi32, #tpu.memory_space<hbm>>
        %dma_start3A_541 = tpu.memref_slice %arg4[%multiple_of3A_537] : memref<320000xi32, #tpu.memory_space<hbm>> -> memref<80xi32, #tpu.memory_space<hbm>>
        tpu.enqueue_dma source(%dma_start3A_541 : memref<80xi32, #tpu.memory_space<hbm>>) target(%arg14 : memref<80xi32, #tpu.memory_space<vmem>>) target_semaphore(%arg29 : memref<!tpu.dma_semaphore, #tpu.memory_space<semaphore_mem>>)
      } else {
      }
      %ge3A_481 = arith.constant 3 : i32
      %ge3A_482 = arith.cmpi sge, %add3A_465, %ge3A_481 : i32
      %lt3A_483 = arith.constant 125 : i32
      %lt3A_484 = arith.cmpi slt, %add3A_465, %lt3A_483 : i32
      %and3A_485 = arith.andi %ge3A_482, %lt3A_484 : i1
      %convert_element_type3A_486 = arith.extui %and3A_485 : i1 to i32
      %cond3A_487 = arith.constant 0 : i32
      %cond3A_488 = arith.cmpi ne, %convert_element_type3A_486, %cond3A_487 : i32
      scf.if %cond3A_488 {
        %dma_wait3A_532 = arith.constant 0 : i32
        %dma_wait3A_533 = tpu.memref_slice %arg3[%dma_wait3A_532] : memref<320000xi32, #tpu.memory_space<hbm>> -> memref<80xi32, #tpu.memory_space<hbm>>
        %dma_wait3A_534 = arith.constant 0 : i32
        %dma_wait3A_535 = tpu.memref_slice %arg3[%dma_wait3A_534] : memref<320000xi32, #tpu.memory_space<hbm>> -> memref<80xi32, #tpu.memory_space<hbm>>
        tpu.wait_dma2 semaphore(%arg32 : memref<!tpu.dma_semaphore, #tpu.memory_space<semaphore_mem>>) src(%dma_wait3A_535 : memref<80xi32, #tpu.memory_space<hbm>>) dst(%arg11 : memref<80xi32, #tpu.memory_space<vmem>>)
        %dma_wait3A_536 = arith.constant 0 : i32
        %dma_wait3A_537 = tpu.memref_slice %arg4[%dma_wait3A_536] : memref<320000xi32, #tpu.memory_space<hbm>> -> memref<80xi32, #tpu.memory_space<hbm>>
        %dma_wait3A_538 = arith.constant 0 : i32
        %dma_wait3A_539 = tpu.memref_slice %arg4[%dma_wait3A_538] : memref<320000xi32, #tpu.memory_space<hbm>> -> memref<80xi32, #tpu.memory_space<hbm>>
        tpu.wait_dma2 semaphore(%arg32 : memref<!tpu.dma_semaphore, #tpu.memory_space<semaphore_mem>>) src(%dma_wait3A_539 : memref<80xi32, #tpu.memory_space<hbm>>) dst(%arg17 : memref<80xi32, #tpu.memory_space<vmem>>)
        %dma_start3A_540 = arith.constant 0 : i32
        %dma_start3A_541 = arith.constant 0 : i32
        %dma_start3A_542 = tpu.memref_slice %arg2[%dma_start3A_540, %dma_start3A_541] : memref<10000x128xf32, #tpu.memory_space<hbm>> -> memref<10000x128xf32, #tpu.memory_space<hbm>>
        tpu.enqueue_indirect_dma source(%dma_start3A_542 : memref<10000x128xf32, #tpu.memory_space<hbm>>) target(%arg20 : memref<80x128xf32, #tpu.memory_space<vmem>>) offsets(%arg11 : memref<80xi32, #tpu.memory_space<vmem>>) semaphore(%arg23 : memref<!tpu.dma_semaphore, #tpu.memory_space<semaphore_mem>>)
      } else {
      }
      %ge3A_489 = arith.constant 1 : i32
      %ge3A_490 = arith.cmpi sge, %add3A_465, %ge3A_489 : i32
      %le3A_491 = arith.constant 125 : i32
      %le3A_492 = arith.cmpi sle, %add3A_465, %le3A_491 : i32
      %and3A_493 = arith.andi %ge3A_490, %le3A_492 : i1
      %convert_element_type3A_494 = arith.extui %and3A_493 : i1 to i32
      %cond3A_495 = arith.constant 0 : i32
      %cond3A_496 = arith.cmpi ne, %convert_element_type3A_494, %cond3A_495 : i32
      scf.if %cond3A_496 {
        %dma_wait3A_532 = arith.constant 0 : i32
        %dma_wait3A_533 = arith.constant 0 : i32
        %dma_wait3A_534 = tpu.memref_slice %arg2[%dma_wait3A_532, %dma_wait3A_533] : memref<10000x128xf32, #tpu.memory_space<hbm>> -> memref<10000x128xf32, #tpu.memory_space<hbm>>
        tpu.wait_indirect_dma semaphore(%arg22 : memref<!tpu.dma_semaphore, #tpu.memory_space<semaphore_mem>>) src(%dma_wait3A_534 : memref<10000x128xf32, #tpu.memory_space<hbm>>) dst(%arg19 : memref<80x128xf32, #tpu.memory_space<vmem>>)
        %dma_start3A_535 = arith.constant 0 : i32
        %dma_start3A_536 = arith.constant 0 : i32
        %dma_start3A_537 = tpu.memref_slice %arg6[%dma_start3A_535, %dma_start3A_536] : memref<10240x128xf32, #tpu.memory_space<vmem_shared>> -> memref<10240x128xf32, #tpu.memory_space<vmem_shared>>
        tpu.enqueue_indirect_dma source(%arg19 : memref<80x128xf32, #tpu.memory_space<vmem>>) target(%dma_start3A_537 : memref<10240x128xf32, #tpu.memory_space<vmem_shared>>) offsets(%arg16 : memref<80xi32, #tpu.memory_space<vmem>>) semaphore(%arg25 : memref<!tpu.dma_semaphore, #tpu.memory_space<semaphore_mem>>) {add = true}
      } else {
      }
      %mul3A_497 = arith.constant 6 : i32
      %mul3A_498 = arith.muli %scan3A_327, %mul3A_497 : i32
      %add3A_499 = arith.constant 5 : i32
      %add3A_500 = arith.addi %mul3A_498, %add3A_499 : i32
      %ge3A_501 = arith.constant 3 : i32
      %ge3A_502 = arith.cmpi sge, %add3A_500, %ge3A_501 : i32
      %lt3A_503 = arith.constant 128 : i32
      %lt3A_504 = arith.cmpi slt, %add3A_500, %lt3A_503 : i32
      %and3A_505 = arith.andi %ge3A_502, %lt3A_504 : i1
      %convert_element_type3A_506 = arith.extui %and3A_505 : i1 to i32
      %cond3A_507 = arith.constant 0 : i32
      %cond3A_508 = arith.cmpi ne, %convert_element_type3A_506, %cond3A_507 : i32
      scf.if %cond3A_508 {
        %dma_wait3A_532 = arith.constant 0 : i32
        %dma_wait3A_533 = arith.constant 0 : i32
        %dma_wait3A_534 = tpu.memref_slice %arg6[%dma_wait3A_532, %dma_wait3A_533] : memref<10240x128xf32, #tpu.memory_space<vmem_shared>> -> memref<10240x128xf32, #tpu.memory_space<vmem_shared>>
        tpu.wait_indirect_dma semaphore(%arg27 : memref<!tpu.dma_semaphore, #tpu.memory_space<semaphore_mem>>) src(%arg21 : memref<80x128xf32, #tpu.memory_space<vmem>>) dst(%dma_wait3A_534 : memref<10240x128xf32, #tpu.memory_space<vmem_shared>>)
      } else {
      }
      %add3A_509 = arith.constant 3 : i32
      %add3A_510 = arith.addi %add3A_500, %add3A_509 : i32
      %lt3A_511 = arith.constant 125 : i32
      %lt3A_512 = arith.cmpi slt, %add3A_510, %lt3A_511 : i32
      %convert_element_type3A_513 = arith.extui %lt3A_512 : i1 to i32
      %cond3A_514 = arith.constant 0 : i32
      %cond3A_515 = arith.cmpi ne, %convert_element_type3A_513, %cond3A_514 : i32
      scf.if %cond3A_515 {
        %add3A_532 = arith.constant 3 : i32
        %add3A_533 = arith.addi %add3A_500, %add3A_532 : i32
        %mul3A_534 = arith.constant 80 : i32
        %mul3A_535 = arith.muli %add3A_533, %mul3A_534 : i32
        %add3A_536 = arith.addi %mul3A_2, %mul3A_535 : i32
        %multiple_of3A_537 = tpu.assume_multiple %add3A_536, 8 : i32
        %dma_start3A_538 = tpu.memref_slice %arg3[%multiple_of3A_537] : memref<320000xi32, #tpu.memory_space<hbm>> -> memref<80xi32, #tpu.memory_space<hbm>>
        %dma_start3A_539 = tpu.memref_slice %arg3[%multiple_of3A_537] : memref<320000xi32, #tpu.memory_space<hbm>> -> memref<80xi32, #tpu.memory_space<hbm>>
        tpu.enqueue_dma source(%dma_start3A_539 : memref<80xi32, #tpu.memory_space<hbm>>) target(%arg9 : memref<80xi32, #tpu.memory_space<vmem>>) target_semaphore(%arg30 : memref<!tpu.dma_semaphore, #tpu.memory_space<semaphore_mem>>)
        %dma_start3A_540 = tpu.memref_slice %arg4[%multiple_of3A_537] : memref<320000xi32, #tpu.memory_space<hbm>> -> memref<80xi32, #tpu.memory_space<hbm>>
        %dma_start3A_541 = tpu.memref_slice %arg4[%multiple_of3A_537] : memref<320000xi32, #tpu.memory_space<hbm>> -> memref<80xi32, #tpu.memory_space<hbm>>
        tpu.enqueue_dma source(%dma_start3A_541 : memref<80xi32, #tpu.memory_space<hbm>>) target(%arg15 : memref<80xi32, #tpu.memory_space<vmem>>) target_semaphore(%arg30 : memref<!tpu.dma_semaphore, #tpu.memory_space<semaphore_mem>>)
      } else {
      }
      %ge3A_516 = arith.constant 3 : i32
      %ge3A_517 = arith.cmpi sge, %add3A_500, %ge3A_516 : i32
      %lt3A_518 = arith.constant 125 : i32
      %lt3A_519 = arith.cmpi slt, %add3A_500, %lt3A_518 : i32
      %and3A_520 = arith.andi %ge3A_517, %lt3A_519 : i1
      %convert_element_type3A_521 = arith.extui %and3A_520 : i1 to i32
      %cond3A_522 = arith.constant 0 : i32
      %cond3A_523 = arith.cmpi ne, %convert_element_type3A_521, %cond3A_522 : i32
      scf.if %cond3A_523 {
        %dma_wait3A_532 = arith.constant 0 : i32
        %dma_wait3A_533 = tpu.memref_slice %arg3[%dma_wait3A_532] : memref<320000xi32, #tpu.memory_space<hbm>> -> memref<80xi32, #tpu.memory_space<hbm>>
        %dma_wait3A_534 = arith.constant 0 : i32
        %dma_wait3A_535 = tpu.memref_slice %arg3[%dma_wait3A_534] : memref<320000xi32, #tpu.memory_space<hbm>> -> memref<80xi32, #tpu.memory_space<hbm>>
        tpu.wait_dma2 semaphore(%arg33 : memref<!tpu.dma_semaphore, #tpu.memory_space<semaphore_mem>>) src(%dma_wait3A_535 : memref<80xi32, #tpu.memory_space<hbm>>) dst(%arg12 : memref<80xi32, #tpu.memory_space<vmem>>)
        %dma_wait3A_536 = arith.constant 0 : i32
        %dma_wait3A_537 = tpu.memref_slice %arg4[%dma_wait3A_536] : memref<320000xi32, #tpu.memory_space<hbm>> -> memref<80xi32, #tpu.memory_space<hbm>>
        %dma_wait3A_538 = arith.constant 0 : i32
        %dma_wait3A_539 = tpu.memref_slice %arg4[%dma_wait3A_538] : memref<320000xi32, #tpu.memory_space<hbm>> -> memref<80xi32, #tpu.memory_space<hbm>>
        tpu.wait_dma2 semaphore(%arg33 : memref<!tpu.dma_semaphore, #tpu.memory_space<semaphore_mem>>) src(%dma_wait3A_539 : memref<80xi32, #tpu.memory_space<hbm>>) dst(%arg18 : memref<80xi32, #tpu.memory_space<vmem>>)
        %dma_start3A_540 = arith.constant 0 : i32
        %dma_start3A_541 = arith.constant 0 : i32
        %dma_start3A_542 = tpu.memref_slice %arg2[%dma_start3A_540, %dma_start3A_541] : memref<10000x128xf32, #tpu.memory_space<hbm>> -> memref<10000x128xf32, #tpu.memory_space<hbm>>
        tpu.enqueue_indirect_dma source(%dma_start3A_542 : memref<10000x128xf32, #tpu.memory_space<hbm>>) target(%arg21 : memref<80x128xf32, #tpu.memory_space<vmem>>) offsets(%arg12 : memref<80xi32, #tpu.memory_space<vmem>>) semaphore(%arg24 : memref<!tpu.dma_semaphore, #tpu.memory_space<semaphore_mem>>)
      } else {
      }
      %ge3A_524 = arith.constant 1 : i32
      %ge3A_525 = arith.cmpi sge, %add3A_500, %ge3A_524 : i32
      %le3A_526 = arith.constant 125 : i32
      %le3A_527 = arith.cmpi sle, %add3A_500, %le3A_526 : i32
      %and3A_528 = arith.andi %ge3A_525, %le3A_527 : i1
      %convert_element_type3A_529 = arith.extui %and3A_528 : i1 to i32
      %cond3A_530 = arith.constant 0 : i32
      %cond3A_531 = arith.cmpi ne, %convert_element_type3A_529, %cond3A_530 : i32
      scf.if %cond3A_531 {
        %dma_wait3A_532 = arith.constant 0 : i32
        %dma_wait3A_533 = arith.constant 0 : i32
        %dma_wait3A_534 = tpu.memref_slice %arg2[%dma_wait3A_532, %dma_wait3A_533] : memref<10000x128xf32, #tpu.memory_space<hbm>> -> memref<10000x128xf32, #tpu.memory_space<hbm>>
        tpu.wait_indirect_dma semaphore(%arg23 : memref<!tpu.dma_semaphore, #tpu.memory_space<semaphore_mem>>) src(%dma_wait3A_534 : memref<10000x128xf32, #tpu.memory_space<hbm>>) dst(%arg20 : memref<80x128xf32, #tpu.memory_space<vmem>>)
        %dma_start3A_535 = arith.constant 0 : i32
        %dma_start3A_536 = arith.constant 0 : i32
        %dma_start3A_537 = tpu.memref_slice %arg6[%dma_start3A_535, %dma_start3A_536] : memref<10240x128xf32, #tpu.memory_space<vmem_shared>> -> memref<10240x128xf32, #tpu.memory_space<vmem_shared>>
        tpu.enqueue_indirect_dma source(%arg20 : memref<80x128xf32, #tpu.memory_space<vmem>>) target(%dma_start3A_537 : memref<10240x128xf32, #tpu.memory_space<vmem_shared>>) offsets(%arg17 : memref<80xi32, #tpu.memory_space<vmem>>) semaphore(%arg26 : memref<!tpu.dma_semaphore, #tpu.memory_space<semaphore_mem>>) {add = true}
      } else {
      }
    }
    %scan3A_321 = arith.constant 22 : i32
    %barrier3A_322 = arith.constant 0 : index
    tpu.barrier barrier_id(%barrier3A_322)
    %mul3A_323 = arith.constant 640 : i32
    %mul3A_324 = arith.muli %arg1, %mul3A_323 : i32
    %mul3A_325 = arith.constant 640 : i32
    %mul3A_326 = arith.muli %arg1, %mul3A_325 : i32
    "tpu.region"() ({
      %run_scoped3A = tpu.sem_alloc : memref<!tpu.dma_semaphore, #tpu.memory_space<semaphore_mem>>
      %dma_start3A_327 = arith.constant 0 : i32
      %dma_start3A_328 = tpu.memref_slice %arg5[%arg0, %mul3A_326, %dma_start3A_327] : memref<2x10240x128xf32, #tpu.memory_space<hbm>> -> memref<1x640x128xf32, #tpu.memory_space<hbm>>
      %dma_start3A_329 = tpu.memref_squeeze %dma_start3A_328 : memref<1x640x128xf32, #tpu.memory_space<hbm>> -> memref<640x128xf32, #tpu.memory_space<hbm>>
      %dma_start3A_330 = arith.constant 0 : i32
      %dma_start3A_331 = tpu.memref_slice %arg6[%mul3A_324, %dma_start3A_330] : memref<10240x128xf32, #tpu.memory_space<vmem_shared>> -> memref<640x128xf32, #tpu.memory_space<vmem_shared>>
      tpu.enqueue_dma source(%dma_start3A_331 : memref<640x128xf32, #tpu.memory_space<vmem_shared>>) target(%dma_start3A_329 : memref<640x128xf32, #tpu.memory_space<hbm>>) target_semaphore(%run_scoped3A : memref<!tpu.dma_semaphore, #tpu.memory_space<semaphore_mem>>)
      %dma_wait3A_332 = arith.constant 0 : i32
      %dma_wait3A_333 = tpu.memref_slice %arg5[%arg0, %mul3A_326, %dma_wait3A_332] : memref<2x10240x128xf32, #tpu.memory_space<hbm>> -> memref<1x640x128xf32, #tpu.memory_space<hbm>>
      %dma_wait3A_334 = tpu.memref_squeeze %dma_wait3A_333 : memref<1x640x128xf32, #tpu.memory_space<hbm>> -> memref<640x128xf32, #tpu.memory_space<hbm>>
      %dma_wait3A_335 = arith.constant 0 : i32
      %dma_wait3A_336 = tpu.memref_slice %arg6[%mul3A_324, %dma_wait3A_335] : memref<10240x128xf32, #tpu.memory_space<vmem_shared>> -> memref<640x128xf32, #tpu.memory_space<vmem_shared>>
      tpu.wait_dma2 semaphore(%run_scoped3A : memref<!tpu.dma_semaphore, #tpu.memory_space<semaphore_mem>>) src(%dma_wait3A_336 : memref<640x128xf32, #tpu.memory_space<vmem_shared>>) dst(%dma_wait3A_334 : memref<640x128xf32, #tpu.memory_space<hbm>>)
      tpu.yield
    }) : () -> ()
    return
  }
}

#map = affine_map<(d0, d1) -> (0, 0)>
#map1 = affine_map<(d0, d1) -> (0)>
#map2 = affine_map<(d0, d1) -> (0, 0, 0)>
module attributes {stable_mosaic.version = 14 : i64} {
  func.func @sc_edge_agg(%arg0: i32, %arg1: i32, %arg2: memref<10000x128xf32, #tpu.memory_space<hbm>>, %arg3: memref<320000xi32, #tpu.memory_space<hbm>>, %arg4: memref<320000xi32, #tpu.memory_space<hbm>>, %arg5: memref<2x10240x128xf32, #tpu.memory_space<hbm>>, %arg6: memref<10240x128xf32, #tpu.memory_space<vmem_shared>>, %arg7: memref<80xi32, #tpu.memory_space<vmem>>, %arg8: memref<80xi32, #tpu.memory_space<vmem>>, %arg9: memref<80xi32, #tpu.memory_space<vmem>>, %arg10: memref<80xi32, #tpu.memory_space<vmem>>, %arg11: memref<80xi32, #tpu.memory_space<vmem>>, %arg12: memref<80xi32, #tpu.memory_space<vmem>>, %arg13: memref<80xi32, #tpu.memory_space<vmem>>, %arg14: memref<80xi32, #tpu.memory_space<vmem>>, %arg15: memref<80xi32, #tpu.memory_space<vmem>>, %arg16: memref<80xi32, #tpu.memory_space<vmem>>, %arg17: memref<80xi32, #tpu.memory_space<vmem>>, %arg18: memref<80xi32, #tpu.memory_space<vmem>>, %arg19: memref<80x128xf32, #tpu.memory_space<vmem>>, %arg20: memref<80x128xf32, #tpu.memory_space<vmem>>, %arg21: memref<80x128xf32, #tpu.memory_space<vmem>>, %arg22: memref<!tpu.dma_semaphore, #tpu.memory_space<semaphore_mem>>, %arg23: memref<!tpu.dma_semaphore, #tpu.memory_space<semaphore_mem>>, %arg24: memref<!tpu.dma_semaphore, #tpu.memory_space<semaphore_mem>>, %arg25: memref<!tpu.dma_semaphore, #tpu.memory_space<semaphore_mem>>, %arg26: memref<!tpu.dma_semaphore, #tpu.memory_space<semaphore_mem>>, %arg27: memref<!tpu.dma_semaphore, #tpu.memory_space<semaphore_mem>>, %arg28: memref<!tpu.dma_semaphore, #tpu.memory_space<semaphore_mem>>, %arg29: memref<!tpu.dma_semaphore, #tpu.memory_space<semaphore_mem>>, %arg30: memref<!tpu.dma_semaphore, #tpu.memory_space<semaphore_mem>>, %arg31: memref<!tpu.dma_semaphore, #tpu.memory_space<semaphore_mem>>, %arg32: memref<!tpu.dma_semaphore, #tpu.memory_space<semaphore_mem>>, %arg33: memref<!tpu.dma_semaphore, #tpu.memory_space<semaphore_mem>>, %arg34: memref<40x128xf32, #tpu.memory_space<vmem>>, %arg35: memref<!tpu.dma_semaphore, #tpu.memory_space<semaphore_mem>>) attributes {dimension_semantics = [#tpu.dimension_semantics<core_parallel>, #tpu.dimension_semantics<subcore_parallel>], iteration_bounds = array<i64: 2, 16>, scalar_prefetch = 0 : i64, scratch_operands = 30 : i64, tpu.core_type = #tpu.core_type<sc_vector_subcore>, window_params = [{transform_indices = #map}, {transform_indices = #map1}, {transform_indices = #map1}, {transform_indices = #map2}]} {
    %mul3A = arith.constant 16 : i32
    %mul3A_0 = arith.muli %arg0, %mul3A : i32
    %add3A = arith.addi %mul3A_0, %arg1 : i32
    %mul3A_1 = arith.constant 10000 : i32
    %mul3A_2 = arith.muli %add3A, %mul3A_1 : i32
    %add3A_3 = arith.constant 0 : i32
    %add3A_4 = arith.addi %mul3A_2, %add3A_3 : i32
    %multiple_of3A = tpu.assume_multiple %add3A_4, 8 : i32
    %dma_start3A = tpu.memref_slice %arg3[%multiple_of3A] : memref<320000xi32, #tpu.memory_space<hbm>> -> memref<80xi32, #tpu.memory_space<hbm>>
    %dma_start3A_5 = tpu.memref_slice %arg3[%multiple_of3A] : memref<320000xi32, #tpu.memory_space<hbm>> -> memref<80xi32, #tpu.memory_space<hbm>>
    tpu.enqueue_dma source(%dma_start3A_5 : memref<80xi32, #tpu.memory_space<hbm>>) target(%arg7 : memref<80xi32, #tpu.memory_space<vmem>>) target_semaphore(%arg28 : memref<!tpu.dma_semaphore, #tpu.memory_space<semaphore_mem>>)
    %dma_start3A_6 = tpu.memref_slice %arg4[%multiple_of3A] : memref<320000xi32, #tpu.memory_space<hbm>> -> memref<80xi32, #tpu.memory_space<hbm>>
    %dma_start3A_7 = tpu.memref_slice %arg4[%multiple_of3A] : memref<320000xi32, #tpu.memory_space<hbm>> -> memref<80xi32, #tpu.memory_space<hbm>>
    tpu.enqueue_dma source(%dma_start3A_7 : memref<80xi32, #tpu.memory_space<hbm>>) target(%arg13 : memref<80xi32, #tpu.memory_space<vmem>>) target_semaphore(%arg28 : memref<!tpu.dma_semaphore, #tpu.memory_space<semaphore_mem>>)
    %add3A_8 = arith.constant 80 : i32
    %add3A_9 = arith.addi %mul3A_2, %add3A_8 : i32
    %multiple_of3A_10 = tpu.assume_multiple %add3A_9, 8 : i32
    %dma_start3A_11 = tpu.memref_slice %arg3[%multiple_of3A_10] : memref<320000xi32, #tpu.memory_space<hbm>> -> memref<80xi32, #tpu.memory_space<hbm>>
    %dma_start3A_12 = tpu.memref_slice %arg3[%multiple_of3A_10] : memref<320000xi32, #tpu.memory_space<hbm>> -> memref<80xi32, #tpu.memory_space<hbm>>
    tpu.enqueue_dma source(%dma_start3A_12 : memref<80xi32, #tpu.memory_space<hbm>>) target(%arg8 : memref<80xi32, #tpu.memory_space<vmem>>) target_semaphore(%arg29 : memref<!tpu.dma_semaphore, #tpu.memory_space<semaphore_mem>>)
    %dma_start3A_13 = tpu.memref_slice %arg4[%multiple_of3A_10] : memref<320000xi32, #tpu.memory_space<hbm>> -> memref<80xi32, #tpu.memory_space<hbm>>
    %dma_start3A_14 = tpu.memref_slice %arg4[%multiple_of3A_10] : memref<320000xi32, #tpu.memory_space<hbm>> -> memref<80xi32, #tpu.memory_space<hbm>>
    tpu.enqueue_dma source(%dma_start3A_14 : memref<80xi32, #tpu.memory_space<hbm>>) target(%arg14 : memref<80xi32, #tpu.memory_space<vmem>>) target_semaphore(%arg29 : memref<!tpu.dma_semaphore, #tpu.memory_space<semaphore_mem>>)
    %add3A_15 = arith.constant 160 : i32
    %add3A_16 = arith.addi %mul3A_2, %add3A_15 : i32
    %multiple_of3A_17 = tpu.assume_multiple %add3A_16, 8 : i32
    %dma_start3A_18 = tpu.memref_slice %arg3[%multiple_of3A_17] : memref<320000xi32, #tpu.memory_space<hbm>> -> memref<80xi32, #tpu.memory_space<hbm>>
    %dma_start3A_19 = tpu.memref_slice %arg3[%multiple_of3A_17] : memref<320000xi32, #tpu.memory_space<hbm>> -> memref<80xi32, #tpu.memory_space<hbm>>
    tpu.enqueue_dma source(%dma_start3A_19 : memref<80xi32, #tpu.memory_space<hbm>>) target(%arg9 : memref<80xi32, #tpu.memory_space<vmem>>) target_semaphore(%arg30 : memref<!tpu.dma_semaphore, #tpu.memory_space<semaphore_mem>>)
    %dma_start3A_20 = tpu.memref_slice %arg4[%multiple_of3A_17] : memref<320000xi32, #tpu.memory_space<hbm>> -> memref<80xi32, #tpu.memory_space<hbm>>
    %dma_start3A_21 = tpu.memref_slice %arg4[%multiple_of3A_17] : memref<320000xi32, #tpu.memory_space<hbm>> -> memref<80xi32, #tpu.memory_space<hbm>>
    tpu.enqueue_dma source(%dma_start3A_21 : memref<80xi32, #tpu.memory_space<hbm>>) target(%arg15 : memref<80xi32, #tpu.memory_space<vmem>>) target_semaphore(%arg30 : memref<!tpu.dma_semaphore, #tpu.memory_space<semaphore_mem>>)
    %dma_wait3A = arith.constant 0 : i32
    %dma_wait3A_22 = tpu.memref_slice %arg3[%dma_wait3A] : memref<320000xi32, #tpu.memory_space<hbm>> -> memref<80xi32, #tpu.memory_space<hbm>>
    %dma_wait3A_23 = arith.constant 0 : i32
    %dma_wait3A_24 = tpu.memref_slice %arg3[%dma_wait3A_23] : memref<320000xi32, #tpu.memory_space<hbm>> -> memref<80xi32, #tpu.memory_space<hbm>>
    tpu.wait_dma2 semaphore(%arg28 : memref<!tpu.dma_semaphore, #tpu.memory_space<semaphore_mem>>) src(%dma_wait3A_24 : memref<80xi32, #tpu.memory_space<hbm>>) dst(%arg7 : memref<80xi32, #tpu.memory_space<vmem>>)
    %dma_wait3A_25 = arith.constant 0 : i32
    %dma_wait3A_26 = tpu.memref_slice %arg4[%dma_wait3A_25] : memref<320000xi32, #tpu.memory_space<hbm>> -> memref<80xi32, #tpu.memory_space<hbm>>
    %dma_wait3A_27 = arith.constant 0 : i32
    %dma_wait3A_28 = tpu.memref_slice %arg4[%dma_wait3A_27] : memref<320000xi32, #tpu.memory_space<hbm>> -> memref<80xi32, #tpu.memory_space<hbm>>
    tpu.wait_dma2 semaphore(%arg28 : memref<!tpu.dma_semaphore, #tpu.memory_space<semaphore_mem>>) src(%dma_wait3A_28 : memref<80xi32, #tpu.memory_space<hbm>>) dst(%arg13 : memref<80xi32, #tpu.memory_space<vmem>>)
    %dma_start3A_29 = arith.constant 0 : i32
    %dma_start3A_30 = arith.constant 0 : i32
    %dma_start3A_31 = tpu.memref_slice %arg2[%dma_start3A_29, %dma_start3A_30] : memref<10000x128xf32, #tpu.memory_space<hbm>> -> memref<10000x128xf32, #tpu.memory_space<hbm>>
    tpu.enqueue_indirect_dma source(%dma_start3A_31 : memref<10000x128xf32, #tpu.memory_space<hbm>>) target(%arg19 : memref<80x128xf32, #tpu.memory_space<vmem>>) offsets(%arg7 : memref<80xi32, #tpu.memory_space<vmem>>) semaphore(%arg22 : memref<!tpu.dma_semaphore, #tpu.memory_space<semaphore_mem>>)
    %dma_wait3A_32 = arith.constant 0 : i32
    %dma_wait3A_33 = tpu.memref_slice %arg3[%dma_wait3A_32] : memref<320000xi32, #tpu.memory_space<hbm>> -> memref<80xi32, #tpu.memory_space<hbm>>
    %dma_wait3A_34 = arith.constant 0 : i32
    %dma_wait3A_35 = tpu.memref_slice %arg3[%dma_wait3A_34] : memref<320000xi32, #tpu.memory_space<hbm>> -> memref<80xi32, #tpu.memory_space<hbm>>
    tpu.wait_dma2 semaphore(%arg29 : memref<!tpu.dma_semaphore, #tpu.memory_space<semaphore_mem>>) src(%dma_wait3A_35 : memref<80xi32, #tpu.memory_space<hbm>>) dst(%arg8 : memref<80xi32, #tpu.memory_space<vmem>>)
    %dma_wait3A_36 = arith.constant 0 : i32
    %dma_wait3A_37 = tpu.memref_slice %arg4[%dma_wait3A_36] : memref<320000xi32, #tpu.memory_space<hbm>> -> memref<80xi32, #tpu.memory_space<hbm>>
    %dma_wait3A_38 = arith.constant 0 : i32
    %dma_wait3A_39 = tpu.memref_slice %arg4[%dma_wait3A_38] : memref<320000xi32, #tpu.memory_space<hbm>> -> memref<80xi32, #tpu.memory_space<hbm>>
    tpu.wait_dma2 semaphore(%arg29 : memref<!tpu.dma_semaphore, #tpu.memory_space<semaphore_mem>>) src(%dma_wait3A_39 : memref<80xi32, #tpu.memory_space<hbm>>) dst(%arg14 : memref<80xi32, #tpu.memory_space<vmem>>)
    %dma_start3A_40 = arith.constant 0 : i32
    %dma_start3A_41 = arith.constant 0 : i32
    %dma_start3A_42 = tpu.memref_slice %arg2[%dma_start3A_40, %dma_start3A_41] : memref<10000x128xf32, #tpu.memory_space<hbm>> -> memref<10000x128xf32, #tpu.memory_space<hbm>>
    tpu.enqueue_indirect_dma source(%dma_start3A_42 : memref<10000x128xf32, #tpu.memory_space<hbm>>) target(%arg20 : memref<80x128xf32, #tpu.memory_space<vmem>>) offsets(%arg8 : memref<80xi32, #tpu.memory_space<vmem>>) semaphore(%arg23 : memref<!tpu.dma_semaphore, #tpu.memory_space<semaphore_mem>>)
    %dma_wait3A_43 = arith.constant 0 : i32
    %dma_wait3A_44 = tpu.memref_slice %arg3[%dma_wait3A_43] : memref<320000xi32, #tpu.memory_space<hbm>> -> memref<80xi32, #tpu.memory_space<hbm>>
    %dma_wait3A_45 = arith.constant 0 : i32
    %dma_wait3A_46 = tpu.memref_slice %arg3[%dma_wait3A_45] : memref<320000xi32, #tpu.memory_space<hbm>> -> memref<80xi32, #tpu.memory_space<hbm>>
    tpu.wait_dma2 semaphore(%arg30 : memref<!tpu.dma_semaphore, #tpu.memory_space<semaphore_mem>>) src(%dma_wait3A_46 : memref<80xi32, #tpu.memory_space<hbm>>) dst(%arg9 : memref<80xi32, #tpu.memory_space<vmem>>)
    %dma_wait3A_47 = arith.constant 0 : i32
    %dma_wait3A_48 = tpu.memref_slice %arg4[%dma_wait3A_47] : memref<320000xi32, #tpu.memory_space<hbm>> -> memref<80xi32, #tpu.memory_space<hbm>>
    %dma_wait3A_49 = arith.constant 0 : i32
    %dma_wait3A_50 = tpu.memref_slice %arg4[%dma_wait3A_49] : memref<320000xi32, #tpu.memory_space<hbm>> -> memref<80xi32, #tpu.memory_space<hbm>>
    tpu.wait_dma2 semaphore(%arg30 : memref<!tpu.dma_semaphore, #tpu.memory_space<semaphore_mem>>) src(%dma_wait3A_50 : memref<80xi32, #tpu.memory_space<hbm>>) dst(%arg15 : memref<80xi32, #tpu.memory_space<vmem>>)
    %dma_start3A_51 = arith.constant 0 : i32
    %dma_start3A_52 = arith.constant 0 : i32
    %dma_start3A_53 = tpu.memref_slice %arg2[%dma_start3A_51, %dma_start3A_52] : memref<10000x128xf32, #tpu.memory_space<hbm>> -> memref<10000x128xf32, #tpu.memory_space<hbm>>
    tpu.enqueue_indirect_dma source(%dma_start3A_53 : memref<10000x128xf32, #tpu.memory_space<hbm>>) target(%arg21 : memref<80x128xf32, #tpu.memory_space<vmem>>) offsets(%arg9 : memref<80xi32, #tpu.memory_space<vmem>>) semaphore(%arg24 : memref<!tpu.dma_semaphore, #tpu.memory_space<semaphore_mem>>)
    %broadcast_in_dim3A = arith.constant 0.000000e+00 : f32
    %broadcast_in_dim3A_54 = vector.broadcast %broadcast_in_dim3A : f32 to vector<16xf32>
    %scan3A = arith.constant 0 : i32
    %scan3A_55 = arith.constant 0 : i32
    %scan3A_56 = arith.constant 40 : i32
    %scan3A_57 = arith.addi %scan3A_55, %scan3A_56 : i32
    %scan3A_58 = arith.constant 1 : i32
    scf.for %scan3A_327 = %scan3A_55 to %scan3A_57 step %scan3A_58  : i32 {
      %swap3A = arith.index_cast %scan3A_327 : i32 to index
      %swap3A_328 = arith.constant 0 : index
      %swap3A_329 = tpu.vector_load %arg34[%swap3A, %swap3A_328] {strides = array<i32>} : memref<40x128xf32, #tpu.memory_space<vmem>>, vector<1x16xf32>,
      %swap3A_330 = vector.shape_cast %swap3A_329 : vector<1x16xf32> to vector<16xf32>
      %swap3A_331 = vector.shape_cast %broadcast_in_dim3A_54 : vector<16xf32> to vector<1x16xf32>
      tpu.vector_store %arg34[%swap3A, %swap3A_328], %swap3A_331 {strides = array<i32>} : memref<40x128xf32, #tpu.memory_space<vmem>>, vector<1x16xf32>,
      %swap3A_332 = arith.index_cast %scan3A_327 : i32 to index
      %swap3A_333 = arith.constant 16 : index
      %swap3A_334 = tpu.vector_load %arg34[%swap3A_332, %swap3A_333] {strides = array<i32>} : memref<40x128xf32, #tpu.memory_space<vmem>>, vector<1x16xf32>,
      %swap3A_335 = vector.shape_cast %swap3A_334 : vector<1x16xf32> to vector<16xf32>
      %swap3A_336 = vector.shape_cast %broadcast_in_dim3A_54 : vector<16xf32> to vector<1x16xf32>
      tpu.vector_store %arg34[%swap3A_332, %swap3A_333], %swap3A_336 {strides = array<i32>} : memref<40x128xf32, #tpu.memory_space<vmem>>, vector<1x16xf32>,
      %swap3A_337 = arith.index_cast %scan3A_327 : i32 to index
      %swap3A_338 = arith.constant 32 : index
      %swap3A_339 = tpu.vector_load %arg34[%swap3A_337, %swap3A_338] {strides = array<i32>} : memref<40x128xf32, #tpu.memory_space<vmem>>, vector<1x16xf32>,
      %swap3A_340 = vector.shape_cast %swap3A_339 : vector<1x16xf32> to vector<16xf32>
      %swap3A_341 = vector.shape_cast %broadcast_in_dim3A_54 : vector<16xf32> to vector<1x16xf32>
      tpu.vector_store %arg34[%swap3A_337, %swap3A_338], %swap3A_341 {strides = array<i32>} : memref<40x128xf32, #tpu.memory_space<vmem>>, vector<1x16xf32>,
      %swap3A_342 = arith.index_cast %scan3A_327 : i32 to index
      %swap3A_343 = arith.constant 48 : index
      %swap3A_344 = tpu.vector_load %arg34[%swap3A_342, %swap3A_343] {strides = array<i32>} : memref<40x128xf32, #tpu.memory_space<vmem>>, vector<1x16xf32>,
      %swap3A_345 = vector.shape_cast %swap3A_344 : vector<1x16xf32> to vector<16xf32>
      %swap3A_346 = vector.shape_cast %broadcast_in_dim3A_54 : vector<16xf32> to vector<1x16xf32>
      tpu.vector_store %arg34[%swap3A_342, %swap3A_343], %swap3A_346 {strides = array<i32>} : memref<40x128xf32, #tpu.memory_space<vmem>>, vector<1x16xf32>,
      %swap3A_347 = arith.index_cast %scan3A_327 : i32 to index
      %swap3A_348 = arith.constant 64 : index
      %swap3A_349 = tpu.vector_load %arg34[%swap3A_347, %swap3A_348] {strides = array<i32>} : memref<40x128xf32, #tpu.memory_space<vmem>>, vector<1x16xf32>,
      %swap3A_350 = vector.shape_cast %swap3A_349 : vector<1x16xf32> to vector<16xf32>
      %swap3A_351 = vector.shape_cast %broadcast_in_dim3A_54 : vector<16xf32> to vector<1x16xf32>
      tpu.vector_store %arg34[%swap3A_347, %swap3A_348], %swap3A_351 {strides = array<i32>} : memref<40x128xf32, #tpu.memory_space<vmem>>, vector<1x16xf32>,
      %swap3A_352 = arith.index_cast %scan3A_327 : i32 to index
      %swap3A_353 = arith.constant 80 : index
      %swap3A_354 = tpu.vector_load %arg34[%swap3A_352, %swap3A_353] {strides = array<i32>} : memref<40x128xf32, #tpu.memory_space<vmem>>, vector<1x16xf32>,
      %swap3A_355 = vector.shape_cast %swap3A_354 : vector<1x16xf32> to vector<16xf32>
      %swap3A_356 = vector.shape_cast %broadcast_in_dim3A_54 : vector<16xf32> to vector<1x16xf32>
      tpu.vector_store %arg34[%swap3A_352, %swap3A_353], %swap3A_356 {strides = array<i32>} : memref<40x128xf32, #tpu.memory_space<vmem>>, vector<1x16xf32>,
      %swap3A_357 = arith.index_cast %scan3A_327 : i32 to index
      %swap3A_358 = arith.constant 96 : index
      %swap3A_359 = tpu.vector_load %arg34[%swap3A_357, %swap3A_358] {strides = array<i32>} : memref<40x128xf32, #tpu.memory_space<vmem>>, vector<1x16xf32>,
      %swap3A_360 = vector.shape_cast %swap3A_359 : vector<1x16xf32> to vector<16xf32>
      %swap3A_361 = vector.shape_cast %broadcast_in_dim3A_54 : vector<16xf32> to vector<1x16xf32>
      tpu.vector_store %arg34[%swap3A_357, %swap3A_358], %swap3A_361 {strides = array<i32>} : memref<40x128xf32, #tpu.memory_space<vmem>>, vector<1x16xf32>,
      %swap3A_362 = arith.index_cast %scan3A_327 : i32 to index
      %swap3A_363 = arith.constant 112 : index
      %swap3A_364 = tpu.vector_load %arg34[%swap3A_362, %swap3A_363] {strides = array<i32>} : memref<40x128xf32, #tpu.memory_space<vmem>>, vector<1x16xf32>,
      %swap3A_365 = vector.shape_cast %swap3A_364 : vector<1x16xf32> to vector<16xf32>
      %swap3A_366 = vector.shape_cast %broadcast_in_dim3A_54 : vector<16xf32> to vector<1x16xf32>
      tpu.vector_store %arg34[%swap3A_362, %swap3A_363], %swap3A_366 {strides = array<i32>} : memref<40x128xf32, #tpu.memory_space<vmem>>, vector<1x16xf32>,
    }
    %scan3A_59 = arith.constant 40 : i32
    %mul3A_60 = arith.constant 640 : i32
    %mul3A_61 = arith.muli %arg1, %mul3A_60 : i32
    %add3A_62 = arith.constant 0 : i32
    %add3A_63 = arith.addi %mul3A_61, %add3A_62 : i32
    %dma_start3A_64 = arith.constant 0 : i32
    %dma_start3A_65 = tpu.memref_slice %arg6[%add3A_63, %dma_start3A_64] : memref<10240x128xf32, #tpu.memory_space<vmem_shared>> -> memref<40x128xf32, #tpu.memory_space<vmem_shared>>
    %dma_start3A_66 = arith.constant 0 : i32
    %dma_start3A_67 = tpu.memref_slice %arg6[%add3A_63, %dma_start3A_66] : memref<10240x128xf32, #tpu.memory_space<vmem_shared>> -> memref<40x128xf32, #tpu.memory_space<vmem_shared>>
    tpu.enqueue_dma source(%arg34 : memref<40x128xf32, #tpu.memory_space<vmem>>) target(%dma_start3A_67 : memref<40x128xf32, #tpu.memory_space<vmem_shared>>) target_semaphore(%arg35 : memref<!tpu.dma_semaphore, #tpu.memory_space<semaphore_mem>>)
    %mul3A_68 = arith.constant 640 : i32
    %mul3A_69 = arith.muli %arg1, %mul3A_68 : i32
    %add3A_70 = arith.constant 40 : i32
    %add3A_71 = arith.addi %mul3A_69, %add3A_70 : i32
    %dma_start3A_72 = arith.constant 0 : i32
    %dma_start3A_73 = tpu.memref_slice %arg6[%add3A_71, %dma_start3A_72] : memref<10240x128xf32, #tpu.memory_space<vmem_shared>> -> memref<40x128xf32, #tpu.memory_space<vmem_shared>>
    %dma_start3A_74 = arith.constant 0 : i32
    %dma_start3A_75 = tpu.memref_slice %arg6[%add3A_71, %dma_start3A_74] : memref<10240x128xf32, #tpu.memory_space<vmem_shared>> -> memref<40x128xf32, #tpu.memory_space<vmem_shared>>
    tpu.enqueue_dma source(%arg34 : memref<40x128xf32, #tpu.memory_space<vmem>>) target(%dma_start3A_75 : memref<40x128xf32, #tpu.memory_space<vmem_shared>>) target_semaphore(%arg35 : memref<!tpu.dma_semaphore, #tpu.memory_space<semaphore_mem>>)
    %mul3A_76 = arith.constant 640 : i32
    %mul3A_77 = arith.muli %arg1, %mul3A_76 : i32
    %add3A_78 = arith.constant 80 : i32
    %add3A_79 = arith.addi %mul3A_77, %add3A_78 : i32
    %dma_start3A_80 = arith.constant 0 : i32
    %dma_start3A_81 = tpu.memref_slice %arg6[%add3A_79, %dma_start3A_80] : memref<10240x128xf32, #tpu.memory_space<vmem_shared>> -> memref<40x128xf32, #tpu.memory_space<vmem_shared>>
    %dma_start3A_82 = arith.constant 0 : i32
    %dma_start3A_83 = tpu.memref_slice %arg6[%add3A_79, %dma_start3A_82] : memref<10240x128xf32, #tpu.memory_space<vmem_shared>> -> memref<40x128xf32, #tpu.memory_space<vmem_shared>>
    tpu.enqueue_dma source(%arg34 : memref<40x128xf32, #tpu.memory_space<vmem>>) target(%dma_start3A_83 : memref<40x128xf32, #tpu.memory_space<vmem_shared>>) target_semaphore(%arg35 : memref<!tpu.dma_semaphore, #tpu.memory_space<semaphore_mem>>)
    %mul3A_84 = arith.constant 640 : i32
    %mul3A_85 = arith.muli %arg1, %mul3A_84 : i32
    %add3A_86 = arith.constant 120 : i32
    %add3A_87 = arith.addi %mul3A_85, %add3A_86 : i32
    %dma_start3A_88 = arith.constant 0 : i32
    %dma_start3A_89 = tpu.memref_slice %arg6[%add3A_87, %dma_start3A_88] : memref<10240x128xf32, #tpu.memory_space<vmem_shared>> -> memref<40x128xf32, #tpu.memory_space<vmem_shared>>
    %dma_start3A_90 = arith.constant 0 : i32
    %dma_start3A_91 = tpu.memref_slice %arg6[%add3A_87, %dma_start3A_90] : memref<10240x128xf32, #tpu.memory_space<vmem_shared>> -> memref<40x128xf32, #tpu.memory_space<vmem_shared>>
    tpu.enqueue_dma source(%arg34 : memref<40x128xf32, #tpu.memory_space<vmem>>) target(%dma_start3A_91 : memref<40x128xf32, #tpu.memory_space<vmem_shared>>) target_semaphore(%arg35 : memref<!tpu.dma_semaphore, #tpu.memory_space<semaphore_mem>>)
    %mul3A_92 = arith.constant 640 : i32
    %mul3A_93 = arith.muli %arg1, %mul3A_92 : i32
    %add3A_94 = arith.constant 160 : i32
    %add3A_95 = arith.addi %mul3A_93, %add3A_94 : i32
    %dma_start3A_96 = arith.constant 0 : i32
    %dma_start3A_97 = tpu.memref_slice %arg6[%add3A_95, %dma_start3A_96] : memref<10240x128xf32, #tpu.memory_space<vmem_shared>> -> memref<40x128xf32, #tpu.memory_space<vmem_shared>>
    %dma_start3A_98 = arith.constant 0 : i32
    %dma_start3A_99 = tpu.memref_slice %arg6[%add3A_95, %dma_start3A_98] : memref<10240x128xf32, #tpu.memory_space<vmem_shared>> -> memref<40x128xf32, #tpu.memory_space<vmem_shared>>
    tpu.enqueue_dma source(%arg34 : memref<40x128xf32, #tpu.memory_space<vmem>>) target(%dma_start3A_99 : memref<40x128xf32, #tpu.memory_space<vmem_shared>>) target_semaphore(%arg35 : memref<!tpu.dma_semaphore, #tpu.memory_space<semaphore_mem>>)
    %mul3A_100 = arith.constant 640 : i32
    %mul3A_101 = arith.muli %arg1, %mul3A_100 : i32
    %add3A_102 = arith.constant 200 : i32
    %add3A_103 = arith.addi %mul3A_101, %add3A_102 : i32
    %dma_start3A_104 = arith.constant 0 : i32
    %dma_start3A_105 = tpu.memref_slice %arg6[%add3A_103, %dma_start3A_104] : memref<10240x128xf32, #tpu.memory_space<vmem_shared>> -> memref<40x128xf32, #tpu.memory_space<vmem_shared>>
    %dma_start3A_106 = arith.constant 0 : i32
    %dma_start3A_107 = tpu.memref_slice %arg6[%add3A_103, %dma_start3A_106] : memref<10240x128xf32, #tpu.memory_space<vmem_shared>> -> memref<40x128xf32, #tpu.memory_space<vmem_shared>>
    tpu.enqueue_dma source(%arg34 : memref<40x128xf32, #tpu.memory_space<vmem>>) target(%dma_start3A_107 : memref<40x128xf32, #tpu.memory_space<vmem_shared>>) target_semaphore(%arg35 : memref<!tpu.dma_semaphore, #tpu.memory_space<semaphore_mem>>)
    %mul3A_108 = arith.constant 640 : i32
    %mul3A_109 = arith.muli %arg1, %mul3A_108 : i32
    %add3A_110 = arith.constant 240 : i32
    %add3A_111 = arith.addi %mul3A_109, %add3A_110 : i32
    %dma_start3A_112 = arith.constant 0 : i32
    %dma_start3A_113 = tpu.memref_slice %arg6[%add3A_111, %dma_start3A_112] : memref<10240x128xf32, #tpu.memory_space<vmem_shared>> -> memref<40x128xf32, #tpu.memory_space<vmem_shared>>
    %dma_start3A_114 = arith.constant 0 : i32
    %dma_start3A_115 = tpu.memref_slice %arg6[%add3A_111, %dma_start3A_114] : memref<10240x128xf32, #tpu.memory_space<vmem_shared>> -> memref<40x128xf32, #tpu.memory_space<vmem_shared>>
    tpu.enqueue_dma source(%arg34 : memref<40x128xf32, #tpu.memory_space<vmem>>) target(%dma_start3A_115 : memref<40x128xf32, #tpu.memory_space<vmem_shared>>) target_semaphore(%arg35 : memref<!tpu.dma_semaphore, #tpu.memory_space<semaphore_mem>>)
    %mul3A_116 = arith.constant 640 : i32
    %mul3A_117 = arith.muli %arg1, %mul3A_116 : i32
    %add3A_118 = arith.constant 280 : i32
    %add3A_119 = arith.addi %mul3A_117, %add3A_118 : i32
    %dma_start3A_120 = arith.constant 0 : i32
    %dma_start3A_121 = tpu.memref_slice %arg6[%add3A_119, %dma_start3A_120] : memref<10240x128xf32, #tpu.memory_space<vmem_shared>> -> memref<40x128xf32, #tpu.memory_space<vmem_shared>>
    %dma_start3A_122 = arith.constant 0 : i32
    %dma_start3A_123 = tpu.memref_slice %arg6[%add3A_119, %dma_start3A_122] : memref<10240x128xf32, #tpu.memory_space<vmem_shared>> -> memref<40x128xf32, #tpu.memory_space<vmem_shared>>
    tpu.enqueue_dma source(%arg34 : memref<40x128xf32, #tpu.memory_space<vmem>>) target(%dma_start3A_123 : memref<40x128xf32, #tpu.memory_space<vmem_shared>>) target_semaphore(%arg35 : memref<!tpu.dma_semaphore, #tpu.memory_space<semaphore_mem>>)
    %mul3A_124 = arith.constant 640 : i32
    %mul3A_125 = arith.muli %arg1, %mul3A_124 : i32
    %add3A_126 = arith.constant 320 : i32
    %add3A_127 = arith.addi %mul3A_125, %add3A_126 : i32
    %dma_start3A_128 = arith.constant 0 : i32
    %dma_start3A_129 = tpu.memref_slice %arg6[%add3A_127, %dma_start3A_128] : memref<10240x128xf32, #tpu.memory_space<vmem_shared>> -> memref<40x128xf32, #tpu.memory_space<vmem_shared>>
    %dma_start3A_130 = arith.constant 0 : i32
    %dma_start3A_131 = tpu.memref_slice %arg6[%add3A_127, %dma_start3A_130] : memref<10240x128xf32, #tpu.memory_space<vmem_shared>> -> memref<40x128xf32, #tpu.memory_space<vmem_shared>>
    tpu.enqueue_dma source(%arg34 : memref<40x128xf32, #tpu.memory_space<vmem>>) target(%dma_start3A_131 : memref<40x128xf32, #tpu.memory_space<vmem_shared>>) target_semaphore(%arg35 : memref<!tpu.dma_semaphore, #tpu.memory_space<semaphore_mem>>)
    %mul3A_132 = arith.constant 640 : i32
    %mul3A_133 = arith.muli %arg1, %mul3A_132 : i32
    %add3A_134 = arith.constant 360 : i32
    %add3A_135 = arith.addi %mul3A_133, %add3A_134 : i32
    %dma_start3A_136 = arith.constant 0 : i32
    %dma_start3A_137 = tpu.memref_slice %arg6[%add3A_135, %dma_start3A_136] : memref<10240x128xf32, #tpu.memory_space<vmem_shared>> -> memref<40x128xf32, #tpu.memory_space<vmem_shared>>
    %dma_start3A_138 = arith.constant 0 : i32
    %dma_start3A_139 = tpu.memref_slice %arg6[%add3A_135, %dma_start3A_138] : memref<10240x128xf32, #tpu.memory_space<vmem_shared>> -> memref<40x128xf32, #tpu.memory_space<vmem_shared>>
    tpu.enqueue_dma source(%arg34 : memref<40x128xf32, #tpu.memory_space<vmem>>) target(%dma_start3A_139 : memref<40x128xf32, #tpu.memory_space<vmem_shared>>) target_semaphore(%arg35 : memref<!tpu.dma_semaphore, #tpu.memory_space<semaphore_mem>>)
    %mul3A_140 = arith.constant 640 : i32
    %mul3A_141 = arith.muli %arg1, %mul3A_140 : i32
    %add3A_142 = arith.constant 400 : i32
    %add3A_143 = arith.addi %mul3A_141, %add3A_142 : i32
    %dma_start3A_144 = arith.constant 0 : i32
    %dma_start3A_145 = tpu.memref_slice %arg6[%add3A_143, %dma_start3A_144] : memref<10240x128xf32, #tpu.memory_space<vmem_shared>> -> memref<40x128xf32, #tpu.memory_space<vmem_shared>>
    %dma_start3A_146 = arith.constant 0 : i32
    %dma_start3A_147 = tpu.memref_slice %arg6[%add3A_143, %dma_start3A_146] : memref<10240x128xf32, #tpu.memory_space<vmem_shared>> -> memref<40x128xf32, #tpu.memory_space<vmem_shared>>
    tpu.enqueue_dma source(%arg34 : memref<40x128xf32, #tpu.memory_space<vmem>>) target(%dma_start3A_147 : memref<40x128xf32, #tpu.memory_space<vmem_shared>>) target_semaphore(%arg35 : memref<!tpu.dma_semaphore, #tpu.memory_space<semaphore_mem>>)
    %mul3A_148 = arith.constant 640 : i32
    %mul3A_149 = arith.muli %arg1, %mul3A_148 : i32
    %add3A_150 = arith.constant 440 : i32
    %add3A_151 = arith.addi %mul3A_149, %add3A_150 : i32
    %dma_start3A_152 = arith.constant 0 : i32
    %dma_start3A_153 = tpu.memref_slice %arg6[%add3A_151, %dma_start3A_152] : memref<10240x128xf32, #tpu.memory_space<vmem_shared>> -> memref<40x128xf32, #tpu.memory_space<vmem_shared>>
    %dma_start3A_154 = arith.constant 0 : i32
    %dma_start3A_155 = tpu.memref_slice %arg6[%add3A_151, %dma_start3A_154] : memref<10240x128xf32, #tpu.memory_space<vmem_shared>> -> memref<40x128xf32, #tpu.memory_space<vmem_shared>>
    tpu.enqueue_dma source(%arg34 : memref<40x128xf32, #tpu.memory_space<vmem>>) target(%dma_start3A_155 : memref<40x128xf32, #tpu.memory_space<vmem_shared>>) target_semaphore(%arg35 : memref<!tpu.dma_semaphore, #tpu.memory_space<semaphore_mem>>)
    %mul3A_156 = arith.constant 640 : i32
    %mul3A_157 = arith.muli %arg1, %mul3A_156 : i32
    %add3A_158 = arith.constant 480 : i32
    %add3A_159 = arith.addi %mul3A_157, %add3A_158 : i32
    %dma_start3A_160 = arith.constant 0 : i32
    %dma_start3A_161 = tpu.memref_slice %arg6[%add3A_159, %dma_start3A_160] : memref<10240x128xf32, #tpu.memory_space<vmem_shared>> -> memref<40x128xf32, #tpu.memory_space<vmem_shared>>
    %dma_start3A_162 = arith.constant 0 : i32
    %dma_start3A_163 = tpu.memref_slice %arg6[%add3A_159, %dma_start3A_162] : memref<10240x128xf32, #tpu.memory_space<vmem_shared>> -> memref<40x128xf32, #tpu.memory_space<vmem_shared>>
    tpu.enqueue_dma source(%arg34 : memref<40x128xf32, #tpu.memory_space<vmem>>) target(%dma_start3A_163 : memref<40x128xf32, #tpu.memory_space<vmem_shared>>) target_semaphore(%arg35 : memref<!tpu.dma_semaphore, #tpu.memory_space<semaphore_mem>>)
    %mul3A_164 = arith.constant 640 : i32
    %mul3A_165 = arith.muli %arg1, %mul3A_164 : i32
    %add3A_166 = arith.constant 520 : i32
    %add3A_167 = arith.addi %mul3A_165, %add3A_166 : i32
    %dma_start3A_168 = arith.constant 0 : i32
    %dma_start3A_169 = tpu.memref_slice %arg6[%add3A_167, %dma_start3A_168] : memref<10240x128xf32, #tpu.memory_space<vmem_shared>> -> memref<40x128xf32, #tpu.memory_space<vmem_shared>>
    %dma_start3A_170 = arith.constant 0 : i32
    %dma_start3A_171 = tpu.memref_slice %arg6[%add3A_167, %dma_start3A_170] : memref<10240x128xf32, #tpu.memory_space<vmem_shared>> -> memref<40x128xf32, #tpu.memory_space<vmem_shared>>
    tpu.enqueue_dma source(%arg34 : memref<40x128xf32, #tpu.memory_space<vmem>>) target(%dma_start3A_171 : memref<40x128xf32, #tpu.memory_space<vmem_shared>>) target_semaphore(%arg35 : memref<!tpu.dma_semaphore, #tpu.memory_space<semaphore_mem>>)
    %mul3A_172 = arith.constant 640 : i32
    %mul3A_173 = arith.muli %arg1, %mul3A_172 : i32
    %add3A_174 = arith.constant 560 : i32
    %add3A_175 = arith.addi %mul3A_173, %add3A_174 : i32
    %dma_start3A_176 = arith.constant 0 : i32
    %dma_start3A_177 = tpu.memref_slice %arg6[%add3A_175, %dma_start3A_176] : memref<10240x128xf32, #tpu.memory_space<vmem_shared>> -> memref<40x128xf32, #tpu.memory_space<vmem_shared>>
    %dma_start3A_178 = arith.constant 0 : i32
    %dma_start3A_179 = tpu.memref_slice %arg6[%add3A_175, %dma_start3A_178] : memref<10240x128xf32, #tpu.memory_space<vmem_shared>> -> memref<40x128xf32, #tpu.memory_space<vmem_shared>>
    tpu.enqueue_dma source(%arg34 : memref<40x128xf32, #tpu.memory_space<vmem>>) target(%dma_start3A_179 : memref<40x128xf32, #tpu.memory_space<vmem_shared>>) target_semaphore(%arg35 : memref<!tpu.dma_semaphore, #tpu.memory_space<semaphore_mem>>)
    %mul3A_180 = arith.constant 640 : i32
    %mul3A_181 = arith.muli %arg1, %mul3A_180 : i32
    %add3A_182 = arith.constant 600 : i32
    %add3A_183 = arith.addi %mul3A_181, %add3A_182 : i32
    %dma_start3A_184 = arith.constant 0 : i32
    %dma_start3A_185 = tpu.memref_slice %arg6[%add3A_183, %dma_start3A_184] : memref<10240x128xf32, #tpu.memory_space<vmem_shared>> -> memref<40x128xf32, #tpu.memory_space<vmem_shared>>
    %dma_start3A_186 = arith.constant 0 : i32
    %dma_start3A_187 = tpu.memref_slice %arg6[%add3A_183, %dma_start3A_186] : memref<10240x128xf32, #tpu.memory_space<vmem_shared>> -> memref<40x128xf32, #tpu.memory_space<vmem_shared>>
    tpu.enqueue_dma source(%arg34 : memref<40x128xf32, #tpu.memory_space<vmem>>) target(%dma_start3A_187 : memref<40x128xf32, #tpu.memory_space<vmem_shared>>) target_semaphore(%arg35 : memref<!tpu.dma_semaphore, #tpu.memory_space<semaphore_mem>>)
    %mul3A_188 = arith.constant 640 : i32
    %mul3A_189 = arith.muli %arg1, %mul3A_188 : i32
    %add3A_190 = arith.constant 0 : i32
    %add3A_191 = arith.addi %mul3A_189, %add3A_190 : i32
    %dma_wait3A_192 = arith.constant 0 : i32
    %dma_wait3A_193 = tpu.memref_slice %arg6[%add3A_191, %dma_wait3A_192] : memref<10240x128xf32, #tpu.memory_space<vmem_shared>> -> memref<40x128xf32, #tpu.memory_space<vmem_shared>>
    %dma_wait3A_194 = arith.constant 0 : i32
    %dma_wait3A_195 = tpu.memref_slice %arg6[%add3A_191, %dma_wait3A_194] : memref<10240x128xf32, #tpu.memory_space<vmem_shared>> -> memref<40x128xf32, #tpu.memory_space<vmem_shared>>
    tpu.wait_dma2 semaphore(%arg35 : memref<!tpu.dma_semaphore, #tpu.memory_space<semaphore_mem>>) src(%arg34 : memref<40x128xf32, #tpu.memory_space<vmem>>) dst(%dma_wait3A_195 : memref<40x128xf32, #tpu.memory_space<vmem_shared>>)
    %mul3A_196 = arith.constant 640 : i32
    %mul3A_197 = arith.muli %arg1, %mul3A_196 : i32
    %add3A_198 = arith.constant 40 : i32
    %add3A_199 = arith.addi %mul3A_197, %add3A_198 : i32
    %dma_wait3A_200 = arith.constant 0 : i32
    %dma_wait3A_201 = tpu.memref_slice %arg6[%add3A_199, %dma_wait3A_200] : memref<10240x128xf32, #tpu.memory_space<vmem_shared>> -> memref<40x128xf32, #tpu.memory_space<vmem_shared>>
    %dma_wait3A_202 = arith.constant 0 : i32
    %dma_wait3A_203 = tpu.memref_slice %arg6[%add3A_199, %dma_wait3A_202] : memref<10240x128xf32, #tpu.memory_space<vmem_shared>> -> memref<40x128xf32, #tpu.memory_space<vmem_shared>>
    tpu.wait_dma2 semaphore(%arg35 : memref<!tpu.dma_semaphore, #tpu.memory_space<semaphore_mem>>) src(%arg34 : memref<40x128xf32, #tpu.memory_space<vmem>>) dst(%dma_wait3A_203 : memref<40x128xf32, #tpu.memory_space<vmem_shared>>)
    %mul3A_204 = arith.constant 640 : i32
    %mul3A_205 = arith.muli %arg1, %mul3A_204 : i32
    %add3A_206 = arith.constant 80 : i32
    %add3A_207 = arith.addi %mul3A_205, %add3A_206 : i32
    %dma_wait3A_208 = arith.constant 0 : i32
    %dma_wait3A_209 = tpu.memref_slice %arg6[%add3A_207, %dma_wait3A_208] : memref<10240x128xf32, #tpu.memory_space<vmem_shared>> -> memref<40x128xf32, #tpu.memory_space<vmem_shared>>
    %dma_wait3A_210 = arith.constant 0 : i32
    %dma_wait3A_211 = tpu.memref_slice %arg6[%add3A_207, %dma_wait3A_210] : memref<10240x128xf32, #tpu.memory_space<vmem_shared>> -> memref<40x128xf32, #tpu.memory_space<vmem_shared>>
    tpu.wait_dma2 semaphore(%arg35 : memref<!tpu.dma_semaphore, #tpu.memory_space<semaphore_mem>>) src(%arg34 : memref<40x128xf32, #tpu.memory_space<vmem>>) dst(%dma_wait3A_211 : memref<40x128xf32, #tpu.memory_space<vmem_shared>>)
    %mul3A_212 = arith.constant 640 : i32
    %mul3A_213 = arith.muli %arg1, %mul3A_212 : i32
    %add3A_214 = arith.constant 120 : i32
    %add3A_215 = arith.addi %mul3A_213, %add3A_214 : i32
    %dma_wait3A_216 = arith.constant 0 : i32
    %dma_wait3A_217 = tpu.memref_slice %arg6[%add3A_215, %dma_wait3A_216] : memref<10240x128xf32, #tpu.memory_space<vmem_shared>> -> memref<40x128xf32, #tpu.memory_space<vmem_shared>>
    %dma_wait3A_218 = arith.constant 0 : i32
    %dma_wait3A_219 = tpu.memref_slice %arg6[%add3A_215, %dma_wait3A_218] : memref<10240x128xf32, #tpu.memory_space<vmem_shared>> -> memref<40x128xf32, #tpu.memory_space<vmem_shared>>
    tpu.wait_dma2 semaphore(%arg35 : memref<!tpu.dma_semaphore, #tpu.memory_space<semaphore_mem>>) src(%arg34 : memref<40x128xf32, #tpu.memory_space<vmem>>) dst(%dma_wait3A_219 : memref<40x128xf32, #tpu.memory_space<vmem_shared>>)
    %mul3A_220 = arith.constant 640 : i32
    %mul3A_221 = arith.muli %arg1, %mul3A_220 : i32
    %add3A_222 = arith.constant 160 : i32
    %add3A_223 = arith.addi %mul3A_221, %add3A_222 : i32
    %dma_wait3A_224 = arith.constant 0 : i32
    %dma_wait3A_225 = tpu.memref_slice %arg6[%add3A_223, %dma_wait3A_224] : memref<10240x128xf32, #tpu.memory_space<vmem_shared>> -> memref<40x128xf32, #tpu.memory_space<vmem_shared>>
    %dma_wait3A_226 = arith.constant 0 : i32
    %dma_wait3A_227 = tpu.memref_slice %arg6[%add3A_223, %dma_wait3A_226] : memref<10240x128xf32, #tpu.memory_space<vmem_shared>> -> memref<40x128xf32, #tpu.memory_space<vmem_shared>>
    tpu.wait_dma2 semaphore(%arg35 : memref<!tpu.dma_semaphore, #tpu.memory_space<semaphore_mem>>) src(%arg34 : memref<40x128xf32, #tpu.memory_space<vmem>>) dst(%dma_wait3A_227 : memref<40x128xf32, #tpu.memory_space<vmem_shared>>)
    %mul3A_228 = arith.constant 640 : i32
    %mul3A_229 = arith.muli %arg1, %mul3A_228 : i32
    %add3A_230 = arith.constant 200 : i32
    %add3A_231 = arith.addi %mul3A_229, %add3A_230 : i32
    %dma_wait3A_232 = arith.constant 0 : i32
    %dma_wait3A_233 = tpu.memref_slice %arg6[%add3A_231, %dma_wait3A_232] : memref<10240x128xf32, #tpu.memory_space<vmem_shared>> -> memref<40x128xf32, #tpu.memory_space<vmem_shared>>
    %dma_wait3A_234 = arith.constant 0 : i32
    %dma_wait3A_235 = tpu.memref_slice %arg6[%add3A_231, %dma_wait3A_234] : memref<10240x128xf32, #tpu.memory_space<vmem_shared>> -> memref<40x128xf32, #tpu.memory_space<vmem_shared>>
    tpu.wait_dma2 semaphore(%arg35 : memref<!tpu.dma_semaphore, #tpu.memory_space<semaphore_mem>>) src(%arg34 : memref<40x128xf32, #tpu.memory_space<vmem>>) dst(%dma_wait3A_235 : memref<40x128xf32, #tpu.memory_space<vmem_shared>>)
    %mul3A_236 = arith.constant 640 : i32
    %mul3A_237 = arith.muli %arg1, %mul3A_236 : i32
    %add3A_238 = arith.constant 240 : i32
    %add3A_239 = arith.addi %mul3A_237, %add3A_238 : i32
    %dma_wait3A_240 = arith.constant 0 : i32
    %dma_wait3A_241 = tpu.memref_slice %arg6[%add3A_239, %dma_wait3A_240] : memref<10240x128xf32, #tpu.memory_space<vmem_shared>> -> memref<40x128xf32, #tpu.memory_space<vmem_shared>>
    %dma_wait3A_242 = arith.constant 0 : i32
    %dma_wait3A_243 = tpu.memref_slice %arg6[%add3A_239, %dma_wait3A_242] : memref<10240x128xf32, #tpu.memory_space<vmem_shared>> -> memref<40x128xf32, #tpu.memory_space<vmem_shared>>
    tpu.wait_dma2 semaphore(%arg35 : memref<!tpu.dma_semaphore, #tpu.memory_space<semaphore_mem>>) src(%arg34 : memref<40x128xf32, #tpu.memory_space<vmem>>) dst(%dma_wait3A_243 : memref<40x128xf32, #tpu.memory_space<vmem_shared>>)
    %mul3A_244 = arith.constant 640 : i32
    %mul3A_245 = arith.muli %arg1, %mul3A_244 : i32
    %add3A_246 = arith.constant 280 : i32
    %add3A_247 = arith.addi %mul3A_245, %add3A_246 : i32
    %dma_wait3A_248 = arith.constant 0 : i32
    %dma_wait3A_249 = tpu.memref_slice %arg6[%add3A_247, %dma_wait3A_248] : memref<10240x128xf32, #tpu.memory_space<vmem_shared>> -> memref<40x128xf32, #tpu.memory_space<vmem_shared>>
    %dma_wait3A_250 = arith.constant 0 : i32
    %dma_wait3A_251 = tpu.memref_slice %arg6[%add3A_247, %dma_wait3A_250] : memref<10240x128xf32, #tpu.memory_space<vmem_shared>> -> memref<40x128xf32, #tpu.memory_space<vmem_shared>>
    tpu.wait_dma2 semaphore(%arg35 : memref<!tpu.dma_semaphore, #tpu.memory_space<semaphore_mem>>) src(%arg34 : memref<40x128xf32, #tpu.memory_space<vmem>>) dst(%dma_wait3A_251 : memref<40x128xf32, #tpu.memory_space<vmem_shared>>)
    %mul3A_252 = arith.constant 640 : i32
    %mul3A_253 = arith.muli %arg1, %mul3A_252 : i32
    %add3A_254 = arith.constant 320 : i32
    %add3A_255 = arith.addi %mul3A_253, %add3A_254 : i32
    %dma_wait3A_256 = arith.constant 0 : i32
    %dma_wait3A_257 = tpu.memref_slice %arg6[%add3A_255, %dma_wait3A_256] : memref<10240x128xf32, #tpu.memory_space<vmem_shared>> -> memref<40x128xf32, #tpu.memory_space<vmem_shared>>
    %dma_wait3A_258 = arith.constant 0 : i32
    %dma_wait3A_259 = tpu.memref_slice %arg6[%add3A_255, %dma_wait3A_258] : memref<10240x128xf32, #tpu.memory_space<vmem_shared>> -> memref<40x128xf32, #tpu.memory_space<vmem_shared>>
    tpu.wait_dma2 semaphore(%arg35 : memref<!tpu.dma_semaphore, #tpu.memory_space<semaphore_mem>>) src(%arg34 : memref<40x128xf32, #tpu.memory_space<vmem>>) dst(%dma_wait3A_259 : memref<40x128xf32, #tpu.memory_space<vmem_shared>>)
    %mul3A_260 = arith.constant 640 : i32
    %mul3A_261 = arith.muli %arg1, %mul3A_260 : i32
    %add3A_262 = arith.constant 360 : i32
    %add3A_263 = arith.addi %mul3A_261, %add3A_262 : i32
    %dma_wait3A_264 = arith.constant 0 : i32
    %dma_wait3A_265 = tpu.memref_slice %arg6[%add3A_263, %dma_wait3A_264] : memref<10240x128xf32, #tpu.memory_space<vmem_shared>> -> memref<40x128xf32, #tpu.memory_space<vmem_shared>>
    %dma_wait3A_266 = arith.constant 0 : i32
    %dma_wait3A_267 = tpu.memref_slice %arg6[%add3A_263, %dma_wait3A_266] : memref<10240x128xf32, #tpu.memory_space<vmem_shared>> -> memref<40x128xf32, #tpu.memory_space<vmem_shared>>
    tpu.wait_dma2 semaphore(%arg35 : memref<!tpu.dma_semaphore, #tpu.memory_space<semaphore_mem>>) src(%arg34 : memref<40x128xf32, #tpu.memory_space<vmem>>) dst(%dma_wait3A_267 : memref<40x128xf32, #tpu.memory_space<vmem_shared>>)
    %mul3A_268 = arith.constant 640 : i32
    %mul3A_269 = arith.muli %arg1, %mul3A_268 : i32
    %add3A_270 = arith.constant 400 : i32
    %add3A_271 = arith.addi %mul3A_269, %add3A_270 : i32
    %dma_wait3A_272 = arith.constant 0 : i32
    %dma_wait3A_273 = tpu.memref_slice %arg6[%add3A_271, %dma_wait3A_272] : memref<10240x128xf32, #tpu.memory_space<vmem_shared>> -> memref<40x128xf32, #tpu.memory_space<vmem_shared>>
    %dma_wait3A_274 = arith.constant 0 : i32
    %dma_wait3A_275 = tpu.memref_slice %arg6[%add3A_271, %dma_wait3A_274] : memref<10240x128xf32, #tpu.memory_space<vmem_shared>> -> memref<40x128xf32, #tpu.memory_space<vmem_shared>>
    tpu.wait_dma2 semaphore(%arg35 : memref<!tpu.dma_semaphore, #tpu.memory_space<semaphore_mem>>) src(%arg34 : memref<40x128xf32, #tpu.memory_space<vmem>>) dst(%dma_wait3A_275 : memref<40x128xf32, #tpu.memory_space<vmem_shared>>)
    %mul3A_276 = arith.constant 640 : i32
    %mul3A_277 = arith.muli %arg1, %mul3A_276 : i32
    %add3A_278 = arith.constant 440 : i32
    %add3A_279 = arith.addi %mul3A_277, %add3A_278 : i32
    %dma_wait3A_280 = arith.constant 0 : i32
    %dma_wait3A_281 = tpu.memref_slice %arg6[%add3A_279, %dma_wait3A_280] : memref<10240x128xf32, #tpu.memory_space<vmem_shared>> -> memref<40x128xf32, #tpu.memory_space<vmem_shared>>
    %dma_wait3A_282 = arith.constant 0 : i32
    %dma_wait3A_283 = tpu.memref_slice %arg6[%add3A_279, %dma_wait3A_282] : memref<10240x128xf32, #tpu.memory_space<vmem_shared>> -> memref<40x128xf32, #tpu.memory_space<vmem_shared>>
    tpu.wait_dma2 semaphore(%arg35 : memref<!tpu.dma_semaphore, #tpu.memory_space<semaphore_mem>>) src(%arg34 : memref<40x128xf32, #tpu.memory_space<vmem>>) dst(%dma_wait3A_283 : memref<40x128xf32, #tpu.memory_space<vmem_shared>>)
    %mul3A_284 = arith.constant 640 : i32
    %mul3A_285 = arith.muli %arg1, %mul3A_284 : i32
    %add3A_286 = arith.constant 480 : i32
    %add3A_287 = arith.addi %mul3A_285, %add3A_286 : i32
    %dma_wait3A_288 = arith.constant 0 : i32
    %dma_wait3A_289 = tpu.memref_slice %arg6[%add3A_287, %dma_wait3A_288] : memref<10240x128xf32, #tpu.memory_space<vmem_shared>> -> memref<40x128xf32, #tpu.memory_space<vmem_shared>>
    %dma_wait3A_290 = arith.constant 0 : i32
    %dma_wait3A_291 = tpu.memref_slice %arg6[%add3A_287, %dma_wait3A_290] : memref<10240x128xf32, #tpu.memory_space<vmem_shared>> -> memref<40x128xf32, #tpu.memory_space<vmem_shared>>
    tpu.wait_dma2 semaphore(%arg35 : memref<!tpu.dma_semaphore, #tpu.memory_space<semaphore_mem>>) src(%arg34 : memref<40x128xf32, #tpu.memory_space<vmem>>) dst(%dma_wait3A_291 : memref<40x128xf32, #tpu.memory_space<vmem_shared>>)
    %mul3A_292 = arith.constant 640 : i32
    %mul3A_293 = arith.muli %arg1, %mul3A_292 : i32
    %add3A_294 = arith.constant 520 : i32
    %add3A_295 = arith.addi %mul3A_293, %add3A_294 : i32
    %dma_wait3A_296 = arith.constant 0 : i32
    %dma_wait3A_297 = tpu.memref_slice %arg6[%add3A_295, %dma_wait3A_296] : memref<10240x128xf32, #tpu.memory_space<vmem_shared>> -> memref<40x128xf32, #tpu.memory_space<vmem_shared>>
    %dma_wait3A_298 = arith.constant 0 : i32
    %dma_wait3A_299 = tpu.memref_slice %arg6[%add3A_295, %dma_wait3A_298] : memref<10240x128xf32, #tpu.memory_space<vmem_shared>> -> memref<40x128xf32, #tpu.memory_space<vmem_shared>>
    tpu.wait_dma2 semaphore(%arg35 : memref<!tpu.dma_semaphore, #tpu.memory_space<semaphore_mem>>) src(%arg34 : memref<40x128xf32, #tpu.memory_space<vmem>>) dst(%dma_wait3A_299 : memref<40x128xf32, #tpu.memory_space<vmem_shared>>)
    %mul3A_300 = arith.constant 640 : i32
    %mul3A_301 = arith.muli %arg1, %mul3A_300 : i32
    %add3A_302 = arith.constant 560 : i32
    %add3A_303 = arith.addi %mul3A_301, %add3A_302 : i32
    %dma_wait3A_304 = arith.constant 0 : i32
    %dma_wait3A_305 = tpu.memref_slice %arg6[%add3A_303, %dma_wait3A_304] : memref<10240x128xf32, #tpu.memory_space<vmem_shared>> -> memref<40x128xf32, #tpu.memory_space<vmem_shared>>
    %dma_wait3A_306 = arith.constant 0 : i32
    %dma_wait3A_307 = tpu.memref_slice %arg6[%add3A_303, %dma_wait3A_306] : memref<10240x128xf32, #tpu.memory_space<vmem_shared>> -> memref<40x128xf32, #tpu.memory_space<vmem_shared>>
    tpu.wait_dma2 semaphore(%arg35 : memref<!tpu.dma_semaphore, #tpu.memory_space<semaphore_mem>>) src(%arg34 : memref<40x128xf32, #tpu.memory_space<vmem>>) dst(%dma_wait3A_307 : memref<40x128xf32, #tpu.memory_space<vmem_shared>>)
    %mul3A_308 = arith.constant 640 : i32
    %mul3A_309 = arith.muli %arg1, %mul3A_308 : i32
    %add3A_310 = arith.constant 600 : i32
    %add3A_311 = arith.addi %mul3A_309, %add3A_310 : i32
    %dma_wait3A_312 = arith.constant 0 : i32
    %dma_wait3A_313 = tpu.memref_slice %arg6[%add3A_311, %dma_wait3A_312] : memref<10240x128xf32, #tpu.memory_space<vmem_shared>> -> memref<40x128xf32, #tpu.memory_space<vmem_shared>>
    %dma_wait3A_314 = arith.constant 0 : i32
    %dma_wait3A_315 = tpu.memref_slice %arg6[%add3A_311, %dma_wait3A_314] : memref<10240x128xf32, #tpu.memory_space<vmem_shared>> -> memref<40x128xf32, #tpu.memory_space<vmem_shared>>
    tpu.wait_dma2 semaphore(%arg35 : memref<!tpu.dma_semaphore, #tpu.memory_space<semaphore_mem>>) src(%arg34 : memref<40x128xf32, #tpu.memory_space<vmem>>) dst(%dma_wait3A_315 : memref<40x128xf32, #tpu.memory_space<vmem_shared>>)
    %barrier3A = arith.constant 0 : index
    tpu.barrier barrier_id(%barrier3A)
    %scan3A_316 = arith.constant 0 : i32
    %scan3A_317 = arith.constant 0 : i32
    %scan3A_318 = arith.constant 22 : i32
    %scan3A_319 = arith.addi %scan3A_317, %scan3A_318 : i32
    %scan3A_320 = arith.constant 1 : i32
    scf.for %scan3A_327 = %scan3A_317 to %scan3A_319 step %scan3A_320  : i32 {
      %mul3A_328 = arith.constant 6 : i32
      %mul3A_329 = arith.muli %scan3A_327, %mul3A_328 : i32
      %add3A_330 = arith.constant 0 : i32
      %add3A_331 = arith.addi %mul3A_329, %add3A_330 : i32
      %ge3A = arith.constant 3 : i32
      %ge3A_332 = arith.cmpi sge, %add3A_331, %ge3A : i32
      %lt3A = arith.constant 128 : i32
      %lt3A_333 = arith.cmpi slt, %add3A_331, %lt3A : i32
      %and3A = arith.andi %ge3A_332, %lt3A_333 : i1
      %convert_element_type3A = arith.extui %and3A : i1 to i32
      %cond3A = arith.constant 0 : i32
      %cond3A_334 = arith.cmpi ne, %convert_element_type3A, %cond3A : i32
      scf.if %cond3A_334 {
        %dma_wait3A_532 = arith.constant 0 : i32
        %dma_wait3A_533 = arith.constant 0 : i32
        %dma_wait3A_534 = tpu.memref_slice %arg6[%dma_wait3A_532, %dma_wait3A_533] : memref<10240x128xf32, #tpu.memory_space<vmem_shared>> -> memref<10240x128xf32, #tpu.memory_space<vmem_shared>>
        tpu.wait_indirect_dma semaphore(%arg25 : memref<!tpu.dma_semaphore, #tpu.memory_space<semaphore_mem>>) src(%arg19 : memref<80x128xf32, #tpu.memory_space<vmem>>) dst(%dma_wait3A_534 : memref<10240x128xf32, #tpu.memory_space<vmem_shared>>)
      } else {
      }
      %add3A_335 = arith.constant 3 : i32
      %add3A_336 = arith.addi %add3A_331, %add3A_335 : i32
      %lt3A_337 = arith.constant 125 : i32
      %lt3A_338 = arith.cmpi slt, %add3A_336, %lt3A_337 : i32
      %convert_element_type3A_339 = arith.extui %lt3A_338 : i1 to i32
      %cond3A_340 = arith.constant 0 : i32
      %cond3A_341 = arith.cmpi ne, %convert_element_type3A_339, %cond3A_340 : i32
      scf.if %cond3A_341 {
        %add3A_532 = arith.constant 3 : i32
        %add3A_533 = arith.addi %add3A_331, %add3A_532 : i32
        %mul3A_534 = arith.constant 80 : i32
        %mul3A_535 = arith.muli %add3A_533, %mul3A_534 : i32
        %add3A_536 = arith.addi %mul3A_2, %mul3A_535 : i32
        %multiple_of3A_537 = tpu.assume_multiple %add3A_536, 8 : i32
        %dma_start3A_538 = tpu.memref_slice %arg3[%multiple_of3A_537] : memref<320000xi32, #tpu.memory_space<hbm>> -> memref<80xi32, #tpu.memory_space<hbm>>
        %dma_start3A_539 = tpu.memref_slice %arg3[%multiple_of3A_537] : memref<320000xi32, #tpu.memory_space<hbm>> -> memref<80xi32, #tpu.memory_space<hbm>>
        tpu.enqueue_dma source(%dma_start3A_539 : memref<80xi32, #tpu.memory_space<hbm>>) target(%arg10 : memref<80xi32, #tpu.memory_space<vmem>>) target_semaphore(%arg31 : memref<!tpu.dma_semaphore, #tpu.memory_space<semaphore_mem>>)
        %dma_start3A_540 = tpu.memref_slice %arg4[%multiple_of3A_537] : memref<320000xi32, #tpu.memory_space<hbm>> -> memref<80xi32, #tpu.memory_space<hbm>>
        %dma_start3A_541 = tpu.memref_slice %arg4[%multiple_of3A_537] : memref<320000xi32, #tpu.memory_space<hbm>> -> memref<80xi32, #tpu.memory_space<hbm>>
        tpu.enqueue_dma source(%dma_start3A_541 : memref<80xi32, #tpu.memory_space<hbm>>) target(%arg16 : memref<80xi32, #tpu.memory_space<vmem>>) target_semaphore(%arg31 : memref<!tpu.dma_semaphore, #tpu.memory_space<semaphore_mem>>)
      } else {
      }
      %ge3A_342 = arith.constant 3 : i32
      %ge3A_343 = arith.cmpi sge, %add3A_331, %ge3A_342 : i32
      %lt3A_344 = arith.constant 125 : i32
      %lt3A_345 = arith.cmpi slt, %add3A_331, %lt3A_344 : i32
      %and3A_346 = arith.andi %ge3A_343, %lt3A_345 : i1
      %convert_element_type3A_347 = arith.extui %and3A_346 : i1 to i32
      %cond3A_348 = arith.constant 0 : i32
      %cond3A_349 = arith.cmpi ne, %convert_element_type3A_347, %cond3A_348 : i32
      scf.if %cond3A_349 {
        %dma_wait3A_532 = arith.constant 0 : i32
        %dma_wait3A_533 = tpu.memref_slice %arg3[%dma_wait3A_532] : memref<320000xi32, #tpu.memory_space<hbm>> -> memref<80xi32, #tpu.memory_space<hbm>>
        %dma_wait3A_534 = arith.constant 0 : i32
        %dma_wait3A_535 = tpu.memref_slice %arg3[%dma_wait3A_534] : memref<320000xi32, #tpu.memory_space<hbm>> -> memref<80xi32, #tpu.memory_space<hbm>>
        tpu.wait_dma2 semaphore(%arg28 : memref<!tpu.dma_semaphore, #tpu.memory_space<semaphore_mem>>) src(%dma_wait3A_535 : memref<80xi32, #tpu.memory_space<hbm>>) dst(%arg7 : memref<80xi32, #tpu.memory_space<vmem>>)
        %dma_wait3A_536 = arith.constant 0 : i32
        %dma_wait3A_537 = tpu.memref_slice %arg4[%dma_wait3A_536] : memref<320000xi32, #tpu.memory_space<hbm>> -> memref<80xi32, #tpu.memory_space<hbm>>
        %dma_wait3A_538 = arith.constant 0 : i32
        %dma_wait3A_539 = tpu.memref_slice %arg4[%dma_wait3A_538] : memref<320000xi32, #tpu.memory_space<hbm>> -> memref<80xi32, #tpu.memory_space<hbm>>
        tpu.wait_dma2 semaphore(%arg28 : memref<!tpu.dma_semaphore, #tpu.memory_space<semaphore_mem>>) src(%dma_wait3A_539 : memref<80xi32, #tpu.memory_space<hbm>>) dst(%arg13 : memref<80xi32, #tpu.memory_space<vmem>>)
        %dma_start3A_540 = arith.constant 0 : i32
        %dma_start3A_541 = arith.constant 0 : i32
        %dma_start3A_542 = tpu.memref_slice %arg2[%dma_start3A_540, %dma_start3A_541] : memref<10000x128xf32, #tpu.memory_space<hbm>> -> memref<10000x128xf32, #tpu.memory_space<hbm>>
        tpu.enqueue_indirect_dma source(%dma_start3A_542 : memref<10000x128xf32, #tpu.memory_space<hbm>>) target(%arg19 : memref<80x128xf32, #tpu.memory_space<vmem>>) offsets(%arg7 : memref<80xi32, #tpu.memory_space<vmem>>) semaphore(%arg22 : memref<!tpu.dma_semaphore, #tpu.memory_space<semaphore_mem>>)
      } else {
      }
      %ge3A_350 = arith.constant 1 : i32
      %ge3A_351 = arith.cmpi sge, %add3A_331, %ge3A_350 : i32
      %le3A = arith.constant 125 : i32
      %le3A_352 = arith.cmpi sle, %add3A_331, %le3A : i32
      %and3A_353 = arith.andi %ge3A_351, %le3A_352 : i1
      %convert_element_type3A_354 = arith.extui %and3A_353 : i1 to i32
      %cond3A_355 = arith.constant 0 : i32
      %cond3A_356 = arith.cmpi ne, %convert_element_type3A_354, %cond3A_355 : i32
      scf.if %cond3A_356 {
        %dma_wait3A_532 = arith.constant 0 : i32
        %dma_wait3A_533 = arith.constant 0 : i32
        %dma_wait3A_534 = tpu.memref_slice %arg2[%dma_wait3A_532, %dma_wait3A_533] : memref<10000x128xf32, #tpu.memory_space<hbm>> -> memref<10000x128xf32, #tpu.memory_space<hbm>>
        tpu.wait_indirect_dma semaphore(%arg24 : memref<!tpu.dma_semaphore, #tpu.memory_space<semaphore_mem>>) src(%dma_wait3A_534 : memref<10000x128xf32, #tpu.memory_space<hbm>>) dst(%arg21 : memref<80x128xf32, #tpu.memory_space<vmem>>)
        %dma_start3A_535 = arith.constant 0 : i32
        %dma_start3A_536 = arith.constant 0 : i32
        %dma_start3A_537 = tpu.memref_slice %arg6[%dma_start3A_535, %dma_start3A_536] : memref<10240x128xf32, #tpu.memory_space<vmem_shared>> -> memref<10240x128xf32, #tpu.memory_space<vmem_shared>>
        tpu.enqueue_indirect_dma source(%arg21 : memref<80x128xf32, #tpu.memory_space<vmem>>) target(%dma_start3A_537 : memref<10240x128xf32, #tpu.memory_space<vmem_shared>>) offsets(%arg18 : memref<80xi32, #tpu.memory_space<vmem>>) semaphore(%arg27 : memref<!tpu.dma_semaphore, #tpu.memory_space<semaphore_mem>>) {add = true}
      } else {
      }
      %mul3A_357 = arith.constant 6 : i32
      %mul3A_358 = arith.muli %scan3A_327, %mul3A_357 : i32
      %add3A_359 = arith.constant 1 : i32
      %add3A_360 = arith.addi %mul3A_358, %add3A_359 : i32
      %ge3A_361 = arith.constant 3 : i32
      %ge3A_362 = arith.cmpi sge, %add3A_360, %ge3A_361 : i32
      %lt3A_363 = arith.constant 128 : i32
      %lt3A_364 = arith.cmpi slt, %add3A_360, %lt3A_363 : i32
      %and3A_365 = arith.andi %ge3A_362, %lt3A_364 : i1
      %convert_element_type3A_366 = arith.extui %and3A_365 : i1 to i32
      %cond3A_367 = arith.constant 0 : i32
      %cond3A_368 = arith.cmpi ne, %convert_element_type3A_366, %cond3A_367 : i32
      scf.if %cond3A_368 {
        %dma_wait3A_532 = arith.constant 0 : i32
        %dma_wait3A_533 = arith.constant 0 : i32
        %dma_wait3A_534 = tpu.memref_slice %arg6[%dma_wait3A_532, %dma_wait3A_533] : memref<10240x128xf32, #tpu.memory_space<vmem_shared>> -> memref<10240x128xf32, #tpu.memory_space<vmem_shared>>
        tpu.wait_indirect_dma semaphore(%arg26 : memref<!tpu.dma_semaphore, #tpu.memory_space<semaphore_mem>>) src(%arg20 : memref<80x128xf32, #tpu.memory_space<vmem>>) dst(%dma_wait3A_534 : memref<10240x128xf32, #tpu.memory_space<vmem_shared>>)
      } else {
      }
      %add3A_369 = arith.constant 3 : i32
      %add3A_370 = arith.addi %add3A_360, %add3A_369 : i32
      %lt3A_371 = arith.constant 125 : i32
      %lt3A_372 = arith.cmpi slt, %add3A_370, %lt3A_371 : i32
      %convert_element_type3A_373 = arith.extui %lt3A_372 : i1 to i32
      %cond3A_374 = arith.constant 0 : i32
      %cond3A_375 = arith.cmpi ne, %convert_element_type3A_373, %cond3A_374 : i32
      scf.if %cond3A_375 {
        %add3A_532 = arith.constant 3 : i32
        %add3A_533 = arith.addi %add3A_360, %add3A_532 : i32
        %mul3A_534 = arith.constant 80 : i32
        %mul3A_535 = arith.muli %add3A_533, %mul3A_534 : i32
        %add3A_536 = arith.addi %mul3A_2, %mul3A_535 : i32
        %multiple_of3A_537 = tpu.assume_multiple %add3A_536, 8 : i32
        %dma_start3A_538 = tpu.memref_slice %arg3[%multiple_of3A_537] : memref<320000xi32, #tpu.memory_space<hbm>> -> memref<80xi32, #tpu.memory_space<hbm>>
        %dma_start3A_539 = tpu.memref_slice %arg3[%multiple_of3A_537] : memref<320000xi32, #tpu.memory_space<hbm>> -> memref<80xi32, #tpu.memory_space<hbm>>
        tpu.enqueue_dma source(%dma_start3A_539 : memref<80xi32, #tpu.memory_space<hbm>>) target(%arg11 : memref<80xi32, #tpu.memory_space<vmem>>) target_semaphore(%arg32 : memref<!tpu.dma_semaphore, #tpu.memory_space<semaphore_mem>>)
        %dma_start3A_540 = tpu.memref_slice %arg4[%multiple_of3A_537] : memref<320000xi32, #tpu.memory_space<hbm>> -> memref<80xi32, #tpu.memory_space<hbm>>
        %dma_start3A_541 = tpu.memref_slice %arg4[%multiple_of3A_537] : memref<320000xi32, #tpu.memory_space<hbm>> -> memref<80xi32, #tpu.memory_space<hbm>>
        tpu.enqueue_dma source(%dma_start3A_541 : memref<80xi32, #tpu.memory_space<hbm>>) target(%arg17 : memref<80xi32, #tpu.memory_space<vmem>>) target_semaphore(%arg32 : memref<!tpu.dma_semaphore, #tpu.memory_space<semaphore_mem>>)
      } else {
      }
      %ge3A_376 = arith.constant 3 : i32
      %ge3A_377 = arith.cmpi sge, %add3A_360, %ge3A_376 : i32
      %lt3A_378 = arith.constant 125 : i32
      %lt3A_379 = arith.cmpi slt, %add3A_360, %lt3A_378 : i32
      %and3A_380 = arith.andi %ge3A_377, %lt3A_379 : i1
      %convert_element_type3A_381 = arith.extui %and3A_380 : i1 to i32
      %cond3A_382 = arith.constant 0 : i32
      %cond3A_383 = arith.cmpi ne, %convert_element_type3A_381, %cond3A_382 : i32
      scf.if %cond3A_383 {
        %dma_wait3A_532 = arith.constant 0 : i32
        %dma_wait3A_533 = tpu.memref_slice %arg3[%dma_wait3A_532] : memref<320000xi32, #tpu.memory_space<hbm>> -> memref<80xi32, #tpu.memory_space<hbm>>
        %dma_wait3A_534 = arith.constant 0 : i32
        %dma_wait3A_535 = tpu.memref_slice %arg3[%dma_wait3A_534] : memref<320000xi32, #tpu.memory_space<hbm>> -> memref<80xi32, #tpu.memory_space<hbm>>
        tpu.wait_dma2 semaphore(%arg29 : memref<!tpu.dma_semaphore, #tpu.memory_space<semaphore_mem>>) src(%dma_wait3A_535 : memref<80xi32, #tpu.memory_space<hbm>>) dst(%arg8 : memref<80xi32, #tpu.memory_space<vmem>>)
        %dma_wait3A_536 = arith.constant 0 : i32
        %dma_wait3A_537 = tpu.memref_slice %arg4[%dma_wait3A_536] : memref<320000xi32, #tpu.memory_space<hbm>> -> memref<80xi32, #tpu.memory_space<hbm>>
        %dma_wait3A_538 = arith.constant 0 : i32
        %dma_wait3A_539 = tpu.memref_slice %arg4[%dma_wait3A_538] : memref<320000xi32, #tpu.memory_space<hbm>> -> memref<80xi32, #tpu.memory_space<hbm>>
        tpu.wait_dma2 semaphore(%arg29 : memref<!tpu.dma_semaphore, #tpu.memory_space<semaphore_mem>>) src(%dma_wait3A_539 : memref<80xi32, #tpu.memory_space<hbm>>) dst(%arg14 : memref<80xi32, #tpu.memory_space<vmem>>)
        %dma_start3A_540 = arith.constant 0 : i32
        %dma_start3A_541 = arith.constant 0 : i32
        %dma_start3A_542 = tpu.memref_slice %arg2[%dma_start3A_540, %dma_start3A_541] : memref<10000x128xf32, #tpu.memory_space<hbm>> -> memref<10000x128xf32, #tpu.memory_space<hbm>>
        tpu.enqueue_indirect_dma source(%dma_start3A_542 : memref<10000x128xf32, #tpu.memory_space<hbm>>) target(%arg20 : memref<80x128xf32, #tpu.memory_space<vmem>>) offsets(%arg8 : memref<80xi32, #tpu.memory_space<vmem>>) semaphore(%arg23 : memref<!tpu.dma_semaphore, #tpu.memory_space<semaphore_mem>>)
      } else {
      }
      %ge3A_384 = arith.constant 1 : i32
      %ge3A_385 = arith.cmpi sge, %add3A_360, %ge3A_384 : i32
      %le3A_386 = arith.constant 125 : i32
      %le3A_387 = arith.cmpi sle, %add3A_360, %le3A_386 : i32
      %and3A_388 = arith.andi %ge3A_385, %le3A_387 : i1
      %convert_element_type3A_389 = arith.extui %and3A_388 : i1 to i32
      %cond3A_390 = arith.constant 0 : i32
      %cond3A_391 = arith.cmpi ne, %convert_element_type3A_389, %cond3A_390 : i32
      scf.if %cond3A_391 {
        %dma_wait3A_532 = arith.constant 0 : i32
        %dma_wait3A_533 = arith.constant 0 : i32
        %dma_wait3A_534 = tpu.memref_slice %arg2[%dma_wait3A_532, %dma_wait3A_533] : memref<10000x128xf32, #tpu.memory_space<hbm>> -> memref<10000x128xf32, #tpu.memory_space<hbm>>
        tpu.wait_indirect_dma semaphore(%arg22 : memref<!tpu.dma_semaphore, #tpu.memory_space<semaphore_mem>>) src(%dma_wait3A_534 : memref<10000x128xf32, #tpu.memory_space<hbm>>) dst(%arg19 : memref<80x128xf32, #tpu.memory_space<vmem>>)
        %dma_start3A_535 = arith.constant 0 : i32
        %dma_start3A_536 = arith.constant 0 : i32
        %dma_start3A_537 = tpu.memref_slice %arg6[%dma_start3A_535, %dma_start3A_536] : memref<10240x128xf32, #tpu.memory_space<vmem_shared>> -> memref<10240x128xf32, #tpu.memory_space<vmem_shared>>
        tpu.enqueue_indirect_dma source(%arg19 : memref<80x128xf32, #tpu.memory_space<vmem>>) target(%dma_start3A_537 : memref<10240x128xf32, #tpu.memory_space<vmem_shared>>) offsets(%arg13 : memref<80xi32, #tpu.memory_space<vmem>>) semaphore(%arg25 : memref<!tpu.dma_semaphore, #tpu.memory_space<semaphore_mem>>) {add = true}
      } else {
      }
      %mul3A_392 = arith.constant 6 : i32
      %mul3A_393 = arith.muli %scan3A_327, %mul3A_392 : i32
      %add3A_394 = arith.constant 2 : i32
      %add3A_395 = arith.addi %mul3A_393, %add3A_394 : i32
      %ge3A_396 = arith.constant 3 : i32
      %ge3A_397 = arith.cmpi sge, %add3A_395, %ge3A_396 : i32
      %lt3A_398 = arith.constant 128 : i32
      %lt3A_399 = arith.cmpi slt, %add3A_395, %lt3A_398 : i32
      %and3A_400 = arith.andi %ge3A_397, %lt3A_399 : i1
      %convert_element_type3A_401 = arith.extui %and3A_400 : i1 to i32
      %cond3A_402 = arith.constant 0 : i32
      %cond3A_403 = arith.cmpi ne, %convert_element_type3A_401, %cond3A_402 : i32
      scf.if %cond3A_403 {
        %dma_wait3A_532 = arith.constant 0 : i32
        %dma_wait3A_533 = arith.constant 0 : i32
        %dma_wait3A_534 = tpu.memref_slice %arg6[%dma_wait3A_532, %dma_wait3A_533] : memref<10240x128xf32, #tpu.memory_space<vmem_shared>> -> memref<10240x128xf32, #tpu.memory_space<vmem_shared>>
        tpu.wait_indirect_dma semaphore(%arg27 : memref<!tpu.dma_semaphore, #tpu.memory_space<semaphore_mem>>) src(%arg21 : memref<80x128xf32, #tpu.memory_space<vmem>>) dst(%dma_wait3A_534 : memref<10240x128xf32, #tpu.memory_space<vmem_shared>>)
      } else {
      }
      %add3A_404 = arith.constant 3 : i32
      %add3A_405 = arith.addi %add3A_395, %add3A_404 : i32
      %lt3A_406 = arith.constant 125 : i32
      %lt3A_407 = arith.cmpi slt, %add3A_405, %lt3A_406 : i32
      %convert_element_type3A_408 = arith.extui %lt3A_407 : i1 to i32
      %cond3A_409 = arith.constant 0 : i32
      %cond3A_410 = arith.cmpi ne, %convert_element_type3A_408, %cond3A_409 : i32
      scf.if %cond3A_410 {
        %add3A_532 = arith.constant 3 : i32
        %add3A_533 = arith.addi %add3A_395, %add3A_532 : i32
        %mul3A_534 = arith.constant 80 : i32
        %mul3A_535 = arith.muli %add3A_533, %mul3A_534 : i32
        %add3A_536 = arith.addi %mul3A_2, %mul3A_535 : i32
        %multiple_of3A_537 = tpu.assume_multiple %add3A_536, 8 : i32
        %dma_start3A_538 = tpu.memref_slice %arg3[%multiple_of3A_537] : memref<320000xi32, #tpu.memory_space<hbm>> -> memref<80xi32, #tpu.memory_space<hbm>>
        %dma_start3A_539 = tpu.memref_slice %arg3[%multiple_of3A_537] : memref<320000xi32, #tpu.memory_space<hbm>> -> memref<80xi32, #tpu.memory_space<hbm>>
        tpu.enqueue_dma source(%dma_start3A_539 : memref<80xi32, #tpu.memory_space<hbm>>) target(%arg12 : memref<80xi32, #tpu.memory_space<vmem>>) target_semaphore(%arg33 : memref<!tpu.dma_semaphore, #tpu.memory_space<semaphore_mem>>)
        %dma_start3A_540 = tpu.memref_slice %arg4[%multiple_of3A_537] : memref<320000xi32, #tpu.memory_space<hbm>> -> memref<80xi32, #tpu.memory_space<hbm>>
        %dma_start3A_541 = tpu.memref_slice %arg4[%multiple_of3A_537] : memref<320000xi32, #tpu.memory_space<hbm>> -> memref<80xi32, #tpu.memory_space<hbm>>
        tpu.enqueue_dma source(%dma_start3A_541 : memref<80xi32, #tpu.memory_space<hbm>>) target(%arg18 : memref<80xi32, #tpu.memory_space<vmem>>) target_semaphore(%arg33 : memref<!tpu.dma_semaphore, #tpu.memory_space<semaphore_mem>>)
      } else {
      }
      %ge3A_411 = arith.constant 3 : i32
      %ge3A_412 = arith.cmpi sge, %add3A_395, %ge3A_411 : i32
      %lt3A_413 = arith.constant 125 : i32
      %lt3A_414 = arith.cmpi slt, %add3A_395, %lt3A_413 : i32
      %and3A_415 = arith.andi %ge3A_412, %lt3A_414 : i1
      %convert_element_type3A_416 = arith.extui %and3A_415 : i1 to i32
      %cond3A_417 = arith.constant 0 : i32
      %cond3A_418 = arith.cmpi ne, %convert_element_type3A_416, %cond3A_417 : i32
      scf.if %cond3A_418 {
        %dma_wait3A_532 = arith.constant 0 : i32
        %dma_wait3A_533 = tpu.memref_slice %arg3[%dma_wait3A_532] : memref<320000xi32, #tpu.memory_space<hbm>> -> memref<80xi32, #tpu.memory_space<hbm>>
        %dma_wait3A_534 = arith.constant 0 : i32
        %dma_wait3A_535 = tpu.memref_slice %arg3[%dma_wait3A_534] : memref<320000xi32, #tpu.memory_space<hbm>> -> memref<80xi32, #tpu.memory_space<hbm>>
        tpu.wait_dma2 semaphore(%arg30 : memref<!tpu.dma_semaphore, #tpu.memory_space<semaphore_mem>>) src(%dma_wait3A_535 : memref<80xi32, #tpu.memory_space<hbm>>) dst(%arg9 : memref<80xi32, #tpu.memory_space<vmem>>)
        %dma_wait3A_536 = arith.constant 0 : i32
        %dma_wait3A_537 = tpu.memref_slice %arg4[%dma_wait3A_536] : memref<320000xi32, #tpu.memory_space<hbm>> -> memref<80xi32, #tpu.memory_space<hbm>>
        %dma_wait3A_538 = arith.constant 0 : i32
        %dma_wait3A_539 = tpu.memref_slice %arg4[%dma_wait3A_538] : memref<320000xi32, #tpu.memory_space<hbm>> -> memref<80xi32, #tpu.memory_space<hbm>>
        tpu.wait_dma2 semaphore(%arg30 : memref<!tpu.dma_semaphore, #tpu.memory_space<semaphore_mem>>) src(%dma_wait3A_539 : memref<80xi32, #tpu.memory_space<hbm>>) dst(%arg15 : memref<80xi32, #tpu.memory_space<vmem>>)
        %dma_start3A_540 = arith.constant 0 : i32
        %dma_start3A_541 = arith.constant 0 : i32
        %dma_start3A_542 = tpu.memref_slice %arg2[%dma_start3A_540, %dma_start3A_541] : memref<10000x128xf32, #tpu.memory_space<hbm>> -> memref<10000x128xf32, #tpu.memory_space<hbm>>
        tpu.enqueue_indirect_dma source(%dma_start3A_542 : memref<10000x128xf32, #tpu.memory_space<hbm>>) target(%arg21 : memref<80x128xf32, #tpu.memory_space<vmem>>) offsets(%arg9 : memref<80xi32, #tpu.memory_space<vmem>>) semaphore(%arg24 : memref<!tpu.dma_semaphore, #tpu.memory_space<semaphore_mem>>)
      } else {
      }
      %ge3A_419 = arith.constant 1 : i32
      %ge3A_420 = arith.cmpi sge, %add3A_395, %ge3A_419 : i32
      %le3A_421 = arith.constant 125 : i32
      %le3A_422 = arith.cmpi sle, %add3A_395, %le3A_421 : i32
      %and3A_423 = arith.andi %ge3A_420, %le3A_422 : i1
      %convert_element_type3A_424 = arith.extui %and3A_423 : i1 to i32
      %cond3A_425 = arith.constant 0 : i32
      %cond3A_426 = arith.cmpi ne, %convert_element_type3A_424, %cond3A_425 : i32
      scf.if %cond3A_426 {
        %dma_wait3A_532 = arith.constant 0 : i32
        %dma_wait3A_533 = arith.constant 0 : i32
        %dma_wait3A_534 = tpu.memref_slice %arg2[%dma_wait3A_532, %dma_wait3A_533] : memref<10000x128xf32, #tpu.memory_space<hbm>> -> memref<10000x128xf32, #tpu.memory_space<hbm>>
        tpu.wait_indirect_dma semaphore(%arg23 : memref<!tpu.dma_semaphore, #tpu.memory_space<semaphore_mem>>) src(%dma_wait3A_534 : memref<10000x128xf32, #tpu.memory_space<hbm>>) dst(%arg20 : memref<80x128xf32, #tpu.memory_space<vmem>>)
        %dma_start3A_535 = arith.constant 0 : i32
        %dma_start3A_536 = arith.constant 0 : i32
        %dma_start3A_537 = tpu.memref_slice %arg6[%dma_start3A_535, %dma_start3A_536] : memref<10240x128xf32, #tpu.memory_space<vmem_shared>> -> memref<10240x128xf32, #tpu.memory_space<vmem_shared>>
        tpu.enqueue_indirect_dma source(%arg20 : memref<80x128xf32, #tpu.memory_space<vmem>>) target(%dma_start3A_537 : memref<10240x128xf32, #tpu.memory_space<vmem_shared>>) offsets(%arg14 : memref<80xi32, #tpu.memory_space<vmem>>) semaphore(%arg26 : memref<!tpu.dma_semaphore, #tpu.memory_space<semaphore_mem>>) {add = true}
      } else {
      }
      %mul3A_427 = arith.constant 6 : i32
      %mul3A_428 = arith.muli %scan3A_327, %mul3A_427 : i32
      %add3A_429 = arith.constant 3 : i32
      %add3A_430 = arith.addi %mul3A_428, %add3A_429 : i32
      %ge3A_431 = arith.constant 3 : i32
      %ge3A_432 = arith.cmpi sge, %add3A_430, %ge3A_431 : i32
      %lt3A_433 = arith.constant 128 : i32
      %lt3A_434 = arith.cmpi slt, %add3A_430, %lt3A_433 : i32
      %and3A_435 = arith.andi %ge3A_432, %lt3A_434 : i1
      %convert_element_type3A_436 = arith.extui %and3A_435 : i1 to i32
      %cond3A_437 = arith.constant 0 : i32
      %cond3A_438 = arith.cmpi ne, %convert_element_type3A_436, %cond3A_437 : i32
      scf.if %cond3A_438 {
        %dma_wait3A_532 = arith.constant 0 : i32
        %dma_wait3A_533 = arith.constant 0 : i32
        %dma_wait3A_534 = tpu.memref_slice %arg6[%dma_wait3A_532, %dma_wait3A_533] : memref<10240x128xf32, #tpu.memory_space<vmem_shared>> -> memref<10240x128xf32, #tpu.memory_space<vmem_shared>>
        tpu.wait_indirect_dma semaphore(%arg25 : memref<!tpu.dma_semaphore, #tpu.memory_space<semaphore_mem>>) src(%arg19 : memref<80x128xf32, #tpu.memory_space<vmem>>) dst(%dma_wait3A_534 : memref<10240x128xf32, #tpu.memory_space<vmem_shared>>)
      } else {
      }
      %add3A_439 = arith.constant 3 : i32
      %add3A_440 = arith.addi %add3A_430, %add3A_439 : i32
      %lt3A_441 = arith.constant 125 : i32
      %lt3A_442 = arith.cmpi slt, %add3A_440, %lt3A_441 : i32
      %convert_element_type3A_443 = arith.extui %lt3A_442 : i1 to i32
      %cond3A_444 = arith.constant 0 : i32
      %cond3A_445 = arith.cmpi ne, %convert_element_type3A_443, %cond3A_444 : i32
      scf.if %cond3A_445 {
        %add3A_532 = arith.constant 3 : i32
        %add3A_533 = arith.addi %add3A_430, %add3A_532 : i32
        %mul3A_534 = arith.constant 80 : i32
        %mul3A_535 = arith.muli %add3A_533, %mul3A_534 : i32
        %add3A_536 = arith.addi %mul3A_2, %mul3A_535 : i32
        %multiple_of3A_537 = tpu.assume_multiple %add3A_536, 8 : i32
        %dma_start3A_538 = tpu.memref_slice %arg3[%multiple_of3A_537] : memref<320000xi32, #tpu.memory_space<hbm>> -> memref<80xi32, #tpu.memory_space<hbm>>
        %dma_start3A_539 = tpu.memref_slice %arg3[%multiple_of3A_537] : memref<320000xi32, #tpu.memory_space<hbm>> -> memref<80xi32, #tpu.memory_space<hbm>>
        tpu.enqueue_dma source(%dma_start3A_539 : memref<80xi32, #tpu.memory_space<hbm>>) target(%arg7 : memref<80xi32, #tpu.memory_space<vmem>>) target_semaphore(%arg28 : memref<!tpu.dma_semaphore, #tpu.memory_space<semaphore_mem>>)
        %dma_start3A_540 = tpu.memref_slice %arg4[%multiple_of3A_537] : memref<320000xi32, #tpu.memory_space<hbm>> -> memref<80xi32, #tpu.memory_space<hbm>>
        %dma_start3A_541 = tpu.memref_slice %arg4[%multiple_of3A_537] : memref<320000xi32, #tpu.memory_space<hbm>> -> memref<80xi32, #tpu.memory_space<hbm>>
        tpu.enqueue_dma source(%dma_start3A_541 : memref<80xi32, #tpu.memory_space<hbm>>) target(%arg13 : memref<80xi32, #tpu.memory_space<vmem>>) target_semaphore(%arg28 : memref<!tpu.dma_semaphore, #tpu.memory_space<semaphore_mem>>)
      } else {
      }
      %ge3A_446 = arith.constant 3 : i32
      %ge3A_447 = arith.cmpi sge, %add3A_430, %ge3A_446 : i32
      %lt3A_448 = arith.constant 125 : i32
      %lt3A_449 = arith.cmpi slt, %add3A_430, %lt3A_448 : i32
      %and3A_450 = arith.andi %ge3A_447, %lt3A_449 : i1
      %convert_element_type3A_451 = arith.extui %and3A_450 : i1 to i32
      %cond3A_452 = arith.constant 0 : i32
      %cond3A_453 = arith.cmpi ne, %convert_element_type3A_451, %cond3A_452 : i32
      scf.if %cond3A_453 {
        %dma_wait3A_532 = arith.constant 0 : i32
        %dma_wait3A_533 = tpu.memref_slice %arg3[%dma_wait3A_532] : memref<320000xi32, #tpu.memory_space<hbm>> -> memref<80xi32, #tpu.memory_space<hbm>>
        %dma_wait3A_534 = arith.constant 0 : i32
        %dma_wait3A_535 = tpu.memref_slice %arg3[%dma_wait3A_534] : memref<320000xi32, #tpu.memory_space<hbm>> -> memref<80xi32, #tpu.memory_space<hbm>>
        tpu.wait_dma2 semaphore(%arg31 : memref<!tpu.dma_semaphore, #tpu.memory_space<semaphore_mem>>) src(%dma_wait3A_535 : memref<80xi32, #tpu.memory_space<hbm>>) dst(%arg10 : memref<80xi32, #tpu.memory_space<vmem>>)
        %dma_wait3A_536 = arith.constant 0 : i32
        %dma_wait3A_537 = tpu.memref_slice %arg4[%dma_wait3A_536] : memref<320000xi32, #tpu.memory_space<hbm>> -> memref<80xi32, #tpu.memory_space<hbm>>
        %dma_wait3A_538 = arith.constant 0 : i32
        %dma_wait3A_539 = tpu.memref_slice %arg4[%dma_wait3A_538] : memref<320000xi32, #tpu.memory_space<hbm>> -> memref<80xi32, #tpu.memory_space<hbm>>
        tpu.wait_dma2 semaphore(%arg31 : memref<!tpu.dma_semaphore, #tpu.memory_space<semaphore_mem>>) src(%dma_wait3A_539 : memref<80xi32, #tpu.memory_space<hbm>>) dst(%arg16 : memref<80xi32, #tpu.memory_space<vmem>>)
        %dma_start3A_540 = arith.constant 0 : i32
        %dma_start3A_541 = arith.constant 0 : i32
        %dma_start3A_542 = tpu.memref_slice %arg2[%dma_start3A_540, %dma_start3A_541] : memref<10000x128xf32, #tpu.memory_space<hbm>> -> memref<10000x128xf32, #tpu.memory_space<hbm>>
        tpu.enqueue_indirect_dma source(%dma_start3A_542 : memref<10000x128xf32, #tpu.memory_space<hbm>>) target(%arg19 : memref<80x128xf32, #tpu.memory_space<vmem>>) offsets(%arg10 : memref<80xi32, #tpu.memory_space<vmem>>) semaphore(%arg22 : memref<!tpu.dma_semaphore, #tpu.memory_space<semaphore_mem>>)
      } else {
      }
      %ge3A_454 = arith.constant 1 : i32
      %ge3A_455 = arith.cmpi sge, %add3A_430, %ge3A_454 : i32
      %le3A_456 = arith.constant 125 : i32
      %le3A_457 = arith.cmpi sle, %add3A_430, %le3A_456 : i32
      %and3A_458 = arith.andi %ge3A_455, %le3A_457 : i1
      %convert_element_type3A_459 = arith.extui %and3A_458 : i1 to i32
      %cond3A_460 = arith.constant 0 : i32
      %cond3A_461 = arith.cmpi ne, %convert_element_type3A_459, %cond3A_460 : i32
      scf.if %cond3A_461 {
        %dma_wait3A_532 = arith.constant 0 : i32
        %dma_wait3A_533 = arith.constant 0 : i32
        %dma_wait3A_534 = tpu.memref_slice %arg2[%dma_wait3A_532, %dma_wait3A_533] : memref<10000x128xf32, #tpu.memory_space<hbm>> -> memref<10000x128xf32, #tpu.memory_space<hbm>>
        tpu.wait_indirect_dma semaphore(%arg24 : memref<!tpu.dma_semaphore, #tpu.memory_space<semaphore_mem>>) src(%dma_wait3A_534 : memref<10000x128xf32, #tpu.memory_space<hbm>>) dst(%arg21 : memref<80x128xf32, #tpu.memory_space<vmem>>)
        %dma_start3A_535 = arith.constant 0 : i32
        %dma_start3A_536 = arith.constant 0 : i32
        %dma_start3A_537 = tpu.memref_slice %arg6[%dma_start3A_535, %dma_start3A_536] : memref<10240x128xf32, #tpu.memory_space<vmem_shared>> -> memref<10240x128xf32, #tpu.memory_space<vmem_shared>>
        tpu.enqueue_indirect_dma source(%arg21 : memref<80x128xf32, #tpu.memory_space<vmem>>) target(%dma_start3A_537 : memref<10240x128xf32, #tpu.memory_space<vmem_shared>>) offsets(%arg15 : memref<80xi32, #tpu.memory_space<vmem>>) semaphore(%arg27 : memref<!tpu.dma_semaphore, #tpu.memory_space<semaphore_mem>>) {add = true}
      } else {
      }
      %mul3A_462 = arith.constant 6 : i32
      %mul3A_463 = arith.muli %scan3A_327, %mul3A_462 : i32
      %add3A_464 = arith.constant 4 : i32
      %add3A_465 = arith.addi %mul3A_463, %add3A_464 : i32
      %ge3A_466 = arith.constant 3 : i32
      %ge3A_467 = arith.cmpi sge, %add3A_465, %ge3A_466 : i32
      %lt3A_468 = arith.constant 128 : i32
      %lt3A_469 = arith.cmpi slt, %add3A_465, %lt3A_468 : i32
      %and3A_470 = arith.andi %ge3A_467, %lt3A_469 : i1
      %convert_element_type3A_471 = arith.extui %and3A_470 : i1 to i32
      %cond3A_472 = arith.constant 0 : i32
      %cond3A_473 = arith.cmpi ne, %convert_element_type3A_471, %cond3A_472 : i32
      scf.if %cond3A_473 {
        %dma_wait3A_532 = arith.constant 0 : i32
        %dma_wait3A_533 = arith.constant 0 : i32
        %dma_wait3A_534 = tpu.memref_slice %arg6[%dma_wait3A_532, %dma_wait3A_533] : memref<10240x128xf32, #tpu.memory_space<vmem_shared>> -> memref<10240x128xf32, #tpu.memory_space<vmem_shared>>
        tpu.wait_indirect_dma semaphore(%arg26 : memref<!tpu.dma_semaphore, #tpu.memory_space<semaphore_mem>>) src(%arg20 : memref<80x128xf32, #tpu.memory_space<vmem>>) dst(%dma_wait3A_534 : memref<10240x128xf32, #tpu.memory_space<vmem_shared>>)
      } else {
      }
      %add3A_474 = arith.constant 3 : i32
      %add3A_475 = arith.addi %add3A_465, %add3A_474 : i32
      %lt3A_476 = arith.constant 125 : i32
      %lt3A_477 = arith.cmpi slt, %add3A_475, %lt3A_476 : i32
      %convert_element_type3A_478 = arith.extui %lt3A_477 : i1 to i32
      %cond3A_479 = arith.constant 0 : i32
      %cond3A_480 = arith.cmpi ne, %convert_element_type3A_478, %cond3A_479 : i32
      scf.if %cond3A_480 {
        %add3A_532 = arith.constant 3 : i32
        %add3A_533 = arith.addi %add3A_465, %add3A_532 : i32
        %mul3A_534 = arith.constant 80 : i32
        %mul3A_535 = arith.muli %add3A_533, %mul3A_534 : i32
        %add3A_536 = arith.addi %mul3A_2, %mul3A_535 : i32
        %multiple_of3A_537 = tpu.assume_multiple %add3A_536, 8 : i32
        %dma_start3A_538 = tpu.memref_slice %arg3[%multiple_of3A_537] : memref<320000xi32, #tpu.memory_space<hbm>> -> memref<80xi32, #tpu.memory_space<hbm>>
        %dma_start3A_539 = tpu.memref_slice %arg3[%multiple_of3A_537] : memref<320000xi32, #tpu.memory_space<hbm>> -> memref<80xi32, #tpu.memory_space<hbm>>
        tpu.enqueue_dma source(%dma_start3A_539 : memref<80xi32, #tpu.memory_space<hbm>>) target(%arg8 : memref<80xi32, #tpu.memory_space<vmem>>) target_semaphore(%arg29 : memref<!tpu.dma_semaphore, #tpu.memory_space<semaphore_mem>>)
        %dma_start3A_540 = tpu.memref_slice %arg4[%multiple_of3A_537] : memref<320000xi32, #tpu.memory_space<hbm>> -> memref<80xi32, #tpu.memory_space<hbm>>
        %dma_start3A_541 = tpu.memref_slice %arg4[%multiple_of3A_537] : memref<320000xi32, #tpu.memory_space<hbm>> -> memref<80xi32, #tpu.memory_space<hbm>>
        tpu.enqueue_dma source(%dma_start3A_541 : memref<80xi32, #tpu.memory_space<hbm>>) target(%arg14 : memref<80xi32, #tpu.memory_space<vmem>>) target_semaphore(%arg29 : memref<!tpu.dma_semaphore, #tpu.memory_space<semaphore_mem>>)
      } else {
      }
      %ge3A_481 = arith.constant 3 : i32
      %ge3A_482 = arith.cmpi sge, %add3A_465, %ge3A_481 : i32
      %lt3A_483 = arith.constant 125 : i32
      %lt3A_484 = arith.cmpi slt, %add3A_465, %lt3A_483 : i32
      %and3A_485 = arith.andi %ge3A_482, %lt3A_484 : i1
      %convert_element_type3A_486 = arith.extui %and3A_485 : i1 to i32
      %cond3A_487 = arith.constant 0 : i32
      %cond3A_488 = arith.cmpi ne, %convert_element_type3A_486, %cond3A_487 : i32
      scf.if %cond3A_488 {
        %dma_wait3A_532 = arith.constant 0 : i32
        %dma_wait3A_533 = tpu.memref_slice %arg3[%dma_wait3A_532] : memref<320000xi32, #tpu.memory_space<hbm>> -> memref<80xi32, #tpu.memory_space<hbm>>
        %dma_wait3A_534 = arith.constant 0 : i32
        %dma_wait3A_535 = tpu.memref_slice %arg3[%dma_wait3A_534] : memref<320000xi32, #tpu.memory_space<hbm>> -> memref<80xi32, #tpu.memory_space<hbm>>
        tpu.wait_dma2 semaphore(%arg32 : memref<!tpu.dma_semaphore, #tpu.memory_space<semaphore_mem>>) src(%dma_wait3A_535 : memref<80xi32, #tpu.memory_space<hbm>>) dst(%arg11 : memref<80xi32, #tpu.memory_space<vmem>>)
        %dma_wait3A_536 = arith.constant 0 : i32
        %dma_wait3A_537 = tpu.memref_slice %arg4[%dma_wait3A_536] : memref<320000xi32, #tpu.memory_space<hbm>> -> memref<80xi32, #tpu.memory_space<hbm>>
        %dma_wait3A_538 = arith.constant 0 : i32
        %dma_wait3A_539 = tpu.memref_slice %arg4[%dma_wait3A_538] : memref<320000xi32, #tpu.memory_space<hbm>> -> memref<80xi32, #tpu.memory_space<hbm>>
        tpu.wait_dma2 semaphore(%arg32 : memref<!tpu.dma_semaphore, #tpu.memory_space<semaphore_mem>>) src(%dma_wait3A_539 : memref<80xi32, #tpu.memory_space<hbm>>) dst(%arg17 : memref<80xi32, #tpu.memory_space<vmem>>)
        %dma_start3A_540 = arith.constant 0 : i32
        %dma_start3A_541 = arith.constant 0 : i32
        %dma_start3A_542 = tpu.memref_slice %arg2[%dma_start3A_540, %dma_start3A_541] : memref<10000x128xf32, #tpu.memory_space<hbm>> -> memref<10000x128xf32, #tpu.memory_space<hbm>>
        tpu.enqueue_indirect_dma source(%dma_start3A_542 : memref<10000x128xf32, #tpu.memory_space<hbm>>) target(%arg20 : memref<80x128xf32, #tpu.memory_space<vmem>>) offsets(%arg11 : memref<80xi32, #tpu.memory_space<vmem>>) semaphore(%arg23 : memref<!tpu.dma_semaphore, #tpu.memory_space<semaphore_mem>>)
      } else {
      }
      %ge3A_489 = arith.constant 1 : i32
      %ge3A_490 = arith.cmpi sge, %add3A_465, %ge3A_489 : i32
      %le3A_491 = arith.constant 125 : i32
      %le3A_492 = arith.cmpi sle, %add3A_465, %le3A_491 : i32
      %and3A_493 = arith.andi %ge3A_490, %le3A_492 : i1
      %convert_element_type3A_494 = arith.extui %and3A_493 : i1 to i32
      %cond3A_495 = arith.constant 0 : i32
      %cond3A_496 = arith.cmpi ne, %convert_element_type3A_494, %cond3A_495 : i32
      scf.if %cond3A_496 {
        %dma_wait3A_532 = arith.constant 0 : i32
        %dma_wait3A_533 = arith.constant 0 : i32
        %dma_wait3A_534 = tpu.memref_slice %arg2[%dma_wait3A_532, %dma_wait3A_533] : memref<10000x128xf32, #tpu.memory_space<hbm>> -> memref<10000x128xf32, #tpu.memory_space<hbm>>
        tpu.wait_indirect_dma semaphore(%arg22 : memref<!tpu.dma_semaphore, #tpu.memory_space<semaphore_mem>>) src(%dma_wait3A_534 : memref<10000x128xf32, #tpu.memory_space<hbm>>) dst(%arg19 : memref<80x128xf32, #tpu.memory_space<vmem>>)
        %dma_start3A_535 = arith.constant 0 : i32
        %dma_start3A_536 = arith.constant 0 : i32
        %dma_start3A_537 = tpu.memref_slice %arg6[%dma_start3A_535, %dma_start3A_536] : memref<10240x128xf32, #tpu.memory_space<vmem_shared>> -> memref<10240x128xf32, #tpu.memory_space<vmem_shared>>
        tpu.enqueue_indirect_dma source(%arg19 : memref<80x128xf32, #tpu.memory_space<vmem>>) target(%dma_start3A_537 : memref<10240x128xf32, #tpu.memory_space<vmem_shared>>) offsets(%arg16 : memref<80xi32, #tpu.memory_space<vmem>>) semaphore(%arg25 : memref<!tpu.dma_semaphore, #tpu.memory_space<semaphore_mem>>) {add = true}
      } else {
      }
      %mul3A_497 = arith.constant 6 : i32
      %mul3A_498 = arith.muli %scan3A_327, %mul3A_497 : i32
      %add3A_499 = arith.constant 5 : i32
      %add3A_500 = arith.addi %mul3A_498, %add3A_499 : i32
      %ge3A_501 = arith.constant 3 : i32
      %ge3A_502 = arith.cmpi sge, %add3A_500, %ge3A_501 : i32
      %lt3A_503 = arith.constant 128 : i32
      %lt3A_504 = arith.cmpi slt, %add3A_500, %lt3A_503 : i32
      %and3A_505 = arith.andi %ge3A_502, %lt3A_504 : i1
      %convert_element_type3A_506 = arith.extui %and3A_505 : i1 to i32
      %cond3A_507 = arith.constant 0 : i32
      %cond3A_508 = arith.cmpi ne, %convert_element_type3A_506, %cond3A_507 : i32
      scf.if %cond3A_508 {
        %dma_wait3A_532 = arith.constant 0 : i32
        %dma_wait3A_533 = arith.constant 0 : i32
        %dma_wait3A_534 = tpu.memref_slice %arg6[%dma_wait3A_532, %dma_wait3A_533] : memref<10240x128xf32, #tpu.memory_space<vmem_shared>> -> memref<10240x128xf32, #tpu.memory_space<vmem_shared>>
        tpu.wait_indirect_dma semaphore(%arg27 : memref<!tpu.dma_semaphore, #tpu.memory_space<semaphore_mem>>) src(%arg21 : memref<80x128xf32, #tpu.memory_space<vmem>>) dst(%dma_wait3A_534 : memref<10240x128xf32, #tpu.memory_space<vmem_shared>>)
      } else {
      }
      %add3A_509 = arith.constant 3 : i32
      %add3A_510 = arith.addi %add3A_500, %add3A_509 : i32
      %lt3A_511 = arith.constant 125 : i32
      %lt3A_512 = arith.cmpi slt, %add3A_510, %lt3A_511 : i32
      %convert_element_type3A_513 = arith.extui %lt3A_512 : i1 to i32
      %cond3A_514 = arith.constant 0 : i32
      %cond3A_515 = arith.cmpi ne, %convert_element_type3A_513, %cond3A_514 : i32
      scf.if %cond3A_515 {
        %add3A_532 = arith.constant 3 : i32
        %add3A_533 = arith.addi %add3A_500, %add3A_532 : i32
        %mul3A_534 = arith.constant 80 : i32
        %mul3A_535 = arith.muli %add3A_533, %mul3A_534 : i32
        %add3A_536 = arith.addi %mul3A_2, %mul3A_535 : i32
        %multiple_of3A_537 = tpu.assume_multiple %add3A_536, 8 : i32
        %dma_start3A_538 = tpu.memref_slice %arg3[%multiple_of3A_537] : memref<320000xi32, #tpu.memory_space<hbm>> -> memref<80xi32, #tpu.memory_space<hbm>>
        %dma_start3A_539 = tpu.memref_slice %arg3[%multiple_of3A_537] : memref<320000xi32, #tpu.memory_space<hbm>> -> memref<80xi32, #tpu.memory_space<hbm>>
        tpu.enqueue_dma source(%dma_start3A_539 : memref<80xi32, #tpu.memory_space<hbm>>) target(%arg9 : memref<80xi32, #tpu.memory_space<vmem>>) target_semaphore(%arg30 : memref<!tpu.dma_semaphore, #tpu.memory_space<semaphore_mem>>)
        %dma_start3A_540 = tpu.memref_slice %arg4[%multiple_of3A_537] : memref<320000xi32, #tpu.memory_space<hbm>> -> memref<80xi32, #tpu.memory_space<hbm>>
        %dma_start3A_541 = tpu.memref_slice %arg4[%multiple_of3A_537] : memref<320000xi32, #tpu.memory_space<hbm>> -> memref<80xi32, #tpu.memory_space<hbm>>
        tpu.enqueue_dma source(%dma_start3A_541 : memref<80xi32, #tpu.memory_space<hbm>>) target(%arg15 : memref<80xi32, #tpu.memory_space<vmem>>) target_semaphore(%arg30 : memref<!tpu.dma_semaphore, #tpu.memory_space<semaphore_mem>>)
      } else {
      }
      %ge3A_516 = arith.constant 3 : i32
      %ge3A_517 = arith.cmpi sge, %add3A_500, %ge3A_516 : i32
      %lt3A_518 = arith.constant 125 : i32
      %lt3A_519 = arith.cmpi slt, %add3A_500, %lt3A_518 : i32
      %and3A_520 = arith.andi %ge3A_517, %lt3A_519 : i1
      %convert_element_type3A_521 = arith.extui %and3A_520 : i1 to i32
      %cond3A_522 = arith.constant 0 : i32
      %cond3A_523 = arith.cmpi ne, %convert_element_type3A_521, %cond3A_522 : i32
      scf.if %cond3A_523 {
        %dma_wait3A_532 = arith.constant 0 : i32
        %dma_wait3A_533 = tpu.memref_slice %arg3[%dma_wait3A_532] : memref<320000xi32, #tpu.memory_space<hbm>> -> memref<80xi32, #tpu.memory_space<hbm>>
        %dma_wait3A_534 = arith.constant 0 : i32
        %dma_wait3A_535 = tpu.memref_slice %arg3[%dma_wait3A_534] : memref<320000xi32, #tpu.memory_space<hbm>> -> memref<80xi32, #tpu.memory_space<hbm>>
        tpu.wait_dma2 semaphore(%arg33 : memref<!tpu.dma_semaphore, #tpu.memory_space<semaphore_mem>>) src(%dma_wait3A_535 : memref<80xi32, #tpu.memory_space<hbm>>) dst(%arg12 : memref<80xi32, #tpu.memory_space<vmem>>)
        %dma_wait3A_536 = arith.constant 0 : i32
        %dma_wait3A_537 = tpu.memref_slice %arg4[%dma_wait3A_536] : memref<320000xi32, #tpu.memory_space<hbm>> -> memref<80xi32, #tpu.memory_space<hbm>>
        %dma_wait3A_538 = arith.constant 0 : i32
        %dma_wait3A_539 = tpu.memref_slice %arg4[%dma_wait3A_538] : memref<320000xi32, #tpu.memory_space<hbm>> -> memref<80xi32, #tpu.memory_space<hbm>>
        tpu.wait_dma2 semaphore(%arg33 : memref<!tpu.dma_semaphore, #tpu.memory_space<semaphore_mem>>) src(%dma_wait3A_539 : memref<80xi32, #tpu.memory_space<hbm>>) dst(%arg18 : memref<80xi32, #tpu.memory_space<vmem>>)
        %dma_start3A_540 = arith.constant 0 : i32
        %dma_start3A_541 = arith.constant 0 : i32
        %dma_start3A_542 = tpu.memref_slice %arg2[%dma_start3A_540, %dma_start3A_541] : memref<10000x128xf32, #tpu.memory_space<hbm>> -> memref<10000x128xf32, #tpu.memory_space<hbm>>
        tpu.enqueue_indirect_dma source(%dma_start3A_542 : memref<10000x128xf32, #tpu.memory_space<hbm>>) target(%arg21 : memref<80x128xf32, #tpu.memory_space<vmem>>) offsets(%arg12 : memref<80xi32, #tpu.memory_space<vmem>>) semaphore(%arg24 : memref<!tpu.dma_semaphore, #tpu.memory_space<semaphore_mem>>)
      } else {
      }
      %ge3A_524 = arith.constant 1 : i32
      %ge3A_525 = arith.cmpi sge, %add3A_500, %ge3A_524 : i32
      %le3A_526 = arith.constant 125 : i32
      %le3A_527 = arith.cmpi sle, %add3A_500, %le3A_526 : i32
      %and3A_528 = arith.andi %ge3A_525, %le3A_527 : i1
      %convert_element_type3A_529 = arith.extui %and3A_528 : i1 to i32
      %cond3A_530 = arith.constant 0 : i32
      %cond3A_531 = arith.cmpi ne, %convert_element_type3A_529, %cond3A_530 : i32
      scf.if %cond3A_531 {
        %dma_wait3A_532 = arith.constant 0 : i32
        %dma_wait3A_533 = arith.constant 0 : i32
        %dma_wait3A_534 = tpu.memref_slice %arg2[%dma_wait3A_532, %dma_wait3A_533] : memref<10000x128xf32, #tpu.memory_space<hbm>> -> memref<10000x128xf32, #tpu.memory_space<hbm>>
        tpu.wait_indirect_dma semaphore(%arg23 : memref<!tpu.dma_semaphore, #tpu.memory_space<semaphore_mem>>) src(%dma_wait3A_534 : memref<10000x128xf32, #tpu.memory_space<hbm>>) dst(%arg20 : memref<80x128xf32, #tpu.memory_space<vmem>>)
        %dma_start3A_535 = arith.constant 0 : i32
        %dma_start3A_536 = arith.constant 0 : i32
        %dma_start3A_537 = tpu.memref_slice %arg6[%dma_start3A_535, %dma_start3A_536] : memref<10240x128xf32, #tpu.memory_space<vmem_shared>> -> memref<10240x128xf32, #tpu.memory_space<vmem_shared>>
        tpu.enqueue_indirect_dma source(%arg20 : memref<80x128xf32, #tpu.memory_space<vmem>>) target(%dma_start3A_537 : memref<10240x128xf32, #tpu.memory_space<vmem_shared>>) offsets(%arg17 : memref<80xi32, #tpu.memory_space<vmem>>) semaphore(%arg26 : memref<!tpu.dma_semaphore, #tpu.memory_space<semaphore_mem>>) {add = true}
      } else {
      }
    }
    %scan3A_321 = arith.constant 22 : i32
    %barrier3A_322 = arith.constant 0 : index
    tpu.barrier barrier_id(%barrier3A_322)
    %mul3A_323 = arith.constant 640 : i32
    %mul3A_324 = arith.muli %arg1, %mul3A_323 : i32
    %mul3A_325 = arith.constant 640 : i32
    %mul3A_326 = arith.muli %arg1, %mul3A_325 : i32
    "tpu.region"() ({
      %run_scoped3A = tpu.sem_alloc : memref<!tpu.dma_semaphore, #tpu.memory_space<semaphore_mem>>
      %dma_start3A_327 = arith.constant 0 : i32
      %dma_start3A_328 = tpu.memref_slice %arg5[%arg0, %mul3A_326, %dma_start3A_327] : memref<2x10240x128xf32, #tpu.memory_space<hbm>> -> memref<1x640x128xf32, #tpu.memory_space<hbm>>
      %dma_start3A_329 = tpu.memref_squeeze %dma_start3A_328 : memref<1x640x128xf32, #tpu.memory_space<hbm>> -> memref<640x128xf32, #tpu.memory_space<hbm>>
      %dma_start3A_330 = arith.constant 0 : i32
      %dma_start3A_331 = tpu.memref_slice %arg6[%mul3A_324, %dma_start3A_330] : memref<10240x128xf32, #tpu.memory_space<vmem_shared>> -> memref<640x128xf32, #tpu.memory_space<vmem_shared>>
      tpu.enqueue_dma source(%dma_start3A_331 : memref<640x128xf32, #tpu.memory_space<vmem_shared>>) target(%dma_start3A_329 : memref<640x128xf32, #tpu.memory_space<hbm>>) target_semaphore(%run_scoped3A : memref<!tpu.dma_semaphore, #tpu.memory_space<semaphore_mem>>)
      %dma_wait3A_332 = arith.constant 0 : i32
      %dma_wait3A_333 = tpu.memref_slice %arg5[%arg0, %mul3A_326, %dma_wait3A_332] : memref<2x10240x128xf32, #tpu.memory_space<hbm>> -> memref<1x640x128xf32, #tpu.memory_space<hbm>>
      %dma_wait3A_334 = tpu.memref_squeeze %dma_wait3A_333 : memref<1x640x128xf32, #tpu.memory_space<hbm>> -> memref<640x128xf32, #tpu.memory_space<hbm>>
      %dma_wait3A_335 = arith.constant 0 : i32
      %dma_wait3A_336 = tpu.memref_slice %arg6[%mul3A_324, %dma_wait3A_335] : memref<10240x128xf32, #tpu.memory_space<vmem_shared>> -> memref<640x128xf32, #tpu.memory_space<vmem_shared>>
      tpu.wait_dma2 semaphore(%run_scoped3A : memref<!tpu.dma_semaphore, #tpu.memory_space<semaphore_mem>>) src(%dma_wait3A_336 : memref<640x128xf32, #tpu.memory_space<vmem_shared>>) dst(%dma_wait3A_334 : memref<640x128xf32, #tpu.memory_space<hbm>>)
      tpu.yield
    }) : () -> ()
    return
  }
}

module attributes {stable_mosaic.version = 14 : i64} {
  func.func @_pre_body(%arg0: i32, %arg1: memref<1000x128xf32, #tpu.memory_space<vmem>>, %arg2: memref<128x128xf32, #tpu.memory_space<vmem>>, %arg3: memref<1x128xf32, #tpu.memory_space<vmem>>, %arg4: memref<1x1x1000xi32, #tpu.memory_space<vmem>>, %arg5: memref<1000x128xf32, #tpu.memory_space<vmem>>, %arg6: memref<1x64xf32, #tpu.memory_space<vmem>>, %arg7: memref<1x64xf32, #tpu.memory_space<vmem>>) attributes {dimension_semantics = [#tpu.dimension_semantics<arbitrary>], iteration_bounds = array<i64: 10>, scalar_prefetch = 0 : i64, scratch_operands = 1 : i64, tpu.core_type = #tpu.core_type<tc>, window_params = [{transform_indices = @transform_0, window_bounds = array<i64: 1000, 128>}, {pipeline_mode = #tpu.pipeline_mode<synchronous>, transform_indices = @transform_1, window_bounds = array<i64: 128, 128>}, {pipeline_mode = #tpu.pipeline_mode<synchronous>, transform_indices = @transform_2, window_bounds = array<i64: 1, 128>}, {transform_indices = @transform_3, window_bounds = array<i64: 1, 1, 1000>}, {transform_indices = @transform_4, window_bounds = array<i64: 1000, 128>}, {pipeline_mode = #tpu.pipeline_mode<synchronous>, transform_indices = @transform_5, window_bounds = array<i64: 1, 64>}]} {
    %eq3A = arith.constant 0 : i32
    %eq3A_0 = arith.cmpi eq, %arg0, %eq3A : i32
    %convert_element_type3A = arith.extui %eq3A_0 : i1 to i32
    %cond3A = arith.constant 0 : i32
    %cond3A_1 = arith.cmpi ne, %convert_element_type3A, %cond3A : i32
    scf.if %cond3A_1 {
      %broadcast_in_dim3A_38 = arith.constant 0.000000e+00 : f32
      %broadcast_in_dim3A_39 = vector.broadcast %broadcast_in_dim3A_38 : f32 to vector<1x64xf32>
      %swap3A_40 = arith.constant 0 : index
      %swap3A_41 = arith.constant 0 : index
      %swap3A_42 = vector.load %arg7[%swap3A_40, %swap3A_41] : memref<1x64xf32, #tpu.memory_space<vmem>>, vector<1x64xf32>
      tpu.vector_store %arg7[%swap3A_40, %swap3A_41], %broadcast_in_dim3A_39 {strides = array<i32>} : memref<1x64xf32, #tpu.memory_space<vmem>>, vector<1x64xf32>,
    } else {
    }
    %get3A = arith.constant 0 : index
    %get3A_2 = arith.constant 0 : index
    %get3A_3 = vector.load %arg1[%get3A, %get3A_2] : memref<1000x128xf32, #tpu.memory_space<vmem>>, vector<1000x128xf32>
    %get3A_4 = arith.constant 0 : index
    %get3A_5 = arith.constant 0 : index
    %get3A_6 = vector.load %arg2[%get3A_4, %get3A_5] : memref<128x128xf32, #tpu.memory_space<vmem>>, vector<128x128xf32>
    %dot_general3A = arith.constant dense<0.000000e+00> : vector<1000x128xf32>
    %dot_general3A_7 = tpu.matmul %get3A_3, %get3A_6, %dot_general3A {dimension_numbers = #tpu.dot_dimension_numbers<[1], [1], [0], [0], [0, 0, 1, 0], [], []>, transpose_lhs_hint = false} : vector<1000x128xf32>, vector<128x128xf32>, vector<1000x128xf32> -> vector<1000x128xf32>
    %get3A_8 = arith.constant 0 : index
    %get3A_9 = arith.constant 0 : index
    %get3A_10 = vector.load %arg3[%get3A_8, %get3A_9] : memref<1x128xf32, #tpu.memory_space<vmem>>, vector<1x128xf32>
    %add3A = vector.broadcast %get3A_10 : vector<1x128xf32> to vector<1000x128xf32>
    %add3A_11 = arith.addf %dot_general3A_7, %add3A : vector<1000x128xf32>
    %swap3A = arith.constant 0 : index
    %swap3A_12 = arith.constant 0 : index
    %swap3A_13 = vector.load %arg5[%swap3A, %swap3A_12] : memref<1000x128xf32, #tpu.memory_space<vmem>>, vector<1000x128xf32>
    tpu.vector_store %arg5[%swap3A, %swap3A_12], %add3A_11 {strides = array<i32>} : memref<1000x128xf32, #tpu.memory_space<vmem>>, vector<1000x128xf32>,
    %get3A_14 = arith.constant 0 : index
    %get3A_15 = arith.constant 0 : index
    %get3A_16 = arith.constant 0 : index
    %get3A_17 = vector.load %arg4[%get3A_14, %get3A_15, %get3A_16] : memref<1x1x1000xi32, #tpu.memory_space<vmem>>, vector<1x1x1000xi32>
    %get3A_18 = vector.shape_cast %get3A_17 : vector<1x1x1000xi32> to vector<1000xi32>
    %broadcast_in_dim3A = vector.shape_cast %get3A_18 : vector<1000xi32> to vector<1000x1xi32>
    %iota3A = tpu.iota {dimensions = array<i32: 1>} : vector<1x64xi32>
    %eq3A_19 = vector.broadcast %broadcast_in_dim3A : vector<1000x1xi32> to vector<1000x64xi32>
    %eq3A_20 = vector.broadcast %iota3A : vector<1x64xi32> to vector<1000x64xi32>
    %eq3A_21 = arith.cmpi eq, %eq3A_19, %eq3A_20 : vector<1000x64xi32>
    %convert_element_type3A_22 = arith.extui %eq3A_21 : vector<1000x64xi1> to vector<1000x64xi32>
    %convert_element_type3A_23 = arith.sitofp %convert_element_type3A_22 : vector<1000x64xi32> to vector<1000x64xf32>
    %get3A_24 = arith.constant 0 : index
    %get3A_25 = arith.constant 0 : index
    %get3A_26 = vector.load %arg7[%get3A_24, %get3A_25] : memref<1x64xf32, #tpu.memory_space<vmem>>, vector<1x64xf32>
    %reduce_sum3A = arith.constant dense<0.000000e+00> : vector<64xf32>
    %reduce_sum3A_27 = vector.multi_reduction <add>, %convert_element_type3A_23, %reduce_sum3A [0] : vector<1000x64xf32> to vector<64xf32>
    %broadcast_in_dim3A_28 = vector.shape_cast %reduce_sum3A_27 : vector<64xf32> to vector<1x64xf32>
    %add3A_29 = arith.addf %get3A_26, %broadcast_in_dim3A_28 : vector<1x64xf32>
    %swap3A_30 = arith.constant 0 : index
    %swap3A_31 = arith.constant 0 : index
    %swap3A_32 = vector.load %arg7[%swap3A_30, %swap3A_31] : memref<1x64xf32, #tpu.memory_space<vmem>>, vector<1x64xf32>
    tpu.vector_store %arg7[%swap3A_30, %swap3A_31], %add3A_29 {strides = array<i32>} : memref<1x64xf32, #tpu.memory_space<vmem>>, vector<1x64xf32>,
    %eq3A_33 = arith.constant 9 : i32
    %eq3A_34 = arith.cmpi eq, %arg0, %eq3A_33 : i32
    %convert_element_type3A_35 = arith.extui %eq3A_34 : i1 to i32
    %cond3A_36 = arith.constant 0 : i32
    %cond3A_37 = arith.cmpi ne, %convert_element_type3A_35, %cond3A_36 : i32
    scf.if %cond3A_37 {
      %get3A_38 = arith.constant 0 : index
      %get3A_39 = arith.constant 0 : index
      %get3A_40 = vector.load %arg7[%get3A_38, %get3A_39] : memref<1x64xf32, #tpu.memory_space<vmem>>, vector<1x64xf32>
      %swap3A_41 = arith.constant 0 : index
      %swap3A_42 = arith.constant 0 : index
      %swap3A_43 = vector.load %arg6[%swap3A_41, %swap3A_42] : memref<1x64xf32, #tpu.memory_space<vmem>>, vector<1x64xf32>
      tpu.vector_store %arg6[%swap3A_41, %swap3A_42], %get3A_40 {strides = array<i32>} : memref<1x64xf32, #tpu.memory_space<vmem>>, vector<1x64xf32>,
    } else {
    }
    return
  }
  func.func @transform_0(%arg0: i32) -> (i32, i32) {
    %c0_i32 = arith.constant 0 : i32
    %c0_i32_0 = arith.constant 0 : i32
    return %arg0, %c0_i32 : i32, i32
  }
  func.func @transform_1(%arg0: i32) -> (i32, i32) {
    %c0_i32 = arith.constant 0 : i32
    %c0_i32_0 = arith.constant 0 : i32
    %c0_i32_1 = arith.constant 0 : i32
    return %c0_i32, %c0_i32_0 : i32, i32
  }
  func.func @transform_2(%arg0: i32) -> (i32, i32) {
    %c0_i32 = arith.constant 0 : i32
    %c0_i32_0 = arith.constant 0 : i32
    %c0_i32_1 = arith.constant 0 : i32
    return %c0_i32, %c0_i32_0 : i32, i32
  }
  func.func @transform_3(%arg0: i32) -> (i32, i32, i32) {
    %c0_i32 = arith.constant 0 : i32
    %c0_i32_0 = arith.constant 0 : i32
    %c0_i32_1 = arith.constant 0 : i32
    return %arg0, %c0_i32, %c0_i32_0 : i32, i32, i32
  }
  func.func @transform_4(%arg0: i32) -> (i32, i32) {
    %c0_i32 = arith.constant 0 : i32
    %c0_i32_0 = arith.constant 0 : i32
    return %arg0, %c0_i32 : i32, i32
  }
  func.func @transform_5(%arg0: i32) -> (i32, i32) {
    %c0_i32 = arith.constant 0 : i32
    %c0_i32_0 = arith.constant 0 : i32
    %c0_i32_1 = arith.constant 0 : i32
    return %c0_i32, %c0_i32_0 : i32, i32
  }
}

module attributes {stable_mosaic.version = 14 : i64} {
  func.func @_lin_body(%arg0: i32, %arg1: memref<2x1000x128xf32, #tpu.memory_space<vmem>>, %arg2: memref<1000x128xf32, #tpu.memory_space<vmem>>, %arg3: memref<128x128xf32, #tpu.memory_space<vmem>>, %arg4: memref<1000x128xf32, #tpu.memory_space<vmem>>) attributes {dimension_semantics = [#tpu.dimension_semantics<arbitrary>], iteration_bounds = array<i64: 10>, scalar_prefetch = 0 : i64, scratch_operands = 0 : i64, tpu.core_type = #tpu.core_type<tc>, window_params = [{transform_indices = @transform_0, window_bounds = array<i64: 2, 1000, 128>}, {transform_indices = @transform_1, window_bounds = array<i64: 1000, 128>}, {pipeline_mode = #tpu.pipeline_mode<synchronous>, transform_indices = @transform_2, window_bounds = array<i64: 128, 128>}, {transform_indices = @transform_3, window_bounds = array<i64: 1000, 128>}]} {
    %get3A = arith.constant 0 : index
    %get3A_0 = arith.constant 0 : index
    %get3A_1 = arith.constant 0 : index
    %get3A_2 = vector.load %arg1[%get3A, %get3A_0, %get3A_1] : memref<2x1000x128xf32, #tpu.memory_space<vmem>>, vector<1x1000x128xf32>
    %get3A_3 = vector.shape_cast %get3A_2 : vector<1x1000x128xf32> to vector<1000x128xf32>
    %get3A_4 = arith.constant 1 : index
    %get3A_5 = arith.constant 0 : index
    %get3A_6 = arith.constant 0 : index
    %get3A_7 = vector.load %arg1[%get3A_4, %get3A_5, %get3A_6] : memref<2x1000x128xf32, #tpu.memory_space<vmem>>, vector<1x1000x128xf32>
    %get3A_8 = vector.shape_cast %get3A_7 : vector<1x1000x128xf32> to vector<1000x128xf32>
    %add3A = arith.addf %get3A_3, %get3A_8 : vector<1000x128xf32>
    %get3A_9 = arith.constant 0 : index
    %get3A_10 = arith.constant 0 : index
    %get3A_11 = vector.load %arg3[%get3A_9, %get3A_10] : memref<128x128xf32, #tpu.memory_space<vmem>>, vector<128x128xf32>
    %dot_general3A = arith.constant dense<0.000000e+00> : vector<1000x128xf32>
    %dot_general3A_12 = tpu.matmul %add3A, %get3A_11, %dot_general3A {dimension_numbers = #tpu.dot_dimension_numbers<[1], [1], [0], [0], [0, 0, 1, 0], [], []>, transpose_lhs_hint = false} : vector<1000x128xf32>, vector<128x128xf32>, vector<1000x128xf32> -> vector<1000x128xf32>
    %get3A_13 = arith.constant 0 : index
    %get3A_14 = arith.constant 0 : index
    %get3A_15 = vector.load %arg2[%get3A_13, %get3A_14] : memref<1000x128xf32, #tpu.memory_space<vmem>>, vector<1000x128xf32>
    %add3A_16 = arith.addf %dot_general3A_12, %get3A_15 : vector<1000x128xf32>
    %max3A = arith.constant 0.000000e+00 : f32
    %max3A_17 = vector.broadcast %max3A : f32 to vector<1000x128xf32>
    %max3A_18 = arith.maximumf %add3A_16, %max3A_17 : vector<1000x128xf32>
    %swap3A = arith.constant 0 : index
    %swap3A_19 = arith.constant 0 : index
    %swap3A_20 = vector.load %arg4[%swap3A, %swap3A_19] : memref<1000x128xf32, #tpu.memory_space<vmem>>, vector<1000x128xf32>
    tpu.vector_store %arg4[%swap3A, %swap3A_19], %max3A_18 {strides = array<i32>} : memref<1000x128xf32, #tpu.memory_space<vmem>>, vector<1000x128xf32>,
    return
  }
  func.func @transform_0(%arg0: i32) -> (i32, i32, i32) {
    %c0_i32 = arith.constant 0 : i32
    %c0_i32_0 = arith.constant 0 : i32
    %c0_i32_1 = arith.constant 0 : i32
    return %c0_i32, %arg0, %c0_i32_0 : i32, i32, i32
  }
  func.func @transform_1(%arg0: i32) -> (i32, i32) {
    %c0_i32 = arith.constant 0 : i32
    %c0_i32_0 = arith.constant 0 : i32
    return %arg0, %c0_i32 : i32, i32
  }
  func.func @transform_2(%arg0: i32) -> (i32, i32) {
    %c0_i32 = arith.constant 0 : i32
    %c0_i32_0 = arith.constant 0 : i32
    %c0_i32_1 = arith.constant 0 : i32
    return %c0_i32, %c0_i32_0 : i32, i32
  }
  func.func @transform_3(%arg0: i32) -> (i32, i32) {
    %c0_i32 = arith.constant 0 : i32
    %c0_i32_0 = arith.constant 0 : i32
    return %arg0, %c0_i32 : i32, i32
  }
}

module attributes {stable_mosaic.version = 14 : i64} {
  func.func @_final_body(%arg0: i32, %arg1: memref<2x1000x128xf32, #tpu.memory_space<vmem>>, %arg2: memref<1000x128xf32, #tpu.memory_space<vmem>>, %arg3: memref<1x1x1000xi32, #tpu.memory_space<vmem>>, %arg4: memref<128x128xf32, #tpu.memory_space<vmem>>, %arg5: memref<128x128xf32, #tpu.memory_space<vmem>>, %arg6: memref<1x128xf32, #tpu.memory_space<vmem>>, %arg7: memref<64x128xf32, #tpu.memory_space<vmem>>, %arg8: memref<1x64xf32, #tpu.memory_space<vmem>>, %arg9: memref<1x64xf32, #tpu.memory_space<vmem>>, %arg10: memref<64x64xf32, #tpu.memory_space<vmem>>, %arg11: memref<64x128xf32, #tpu.memory_space<vmem>>) attributes {dimension_semantics = [#tpu.dimension_semantics<arbitrary>], iteration_bounds = array<i64: 10>, scalar_prefetch = 0 : i64, scratch_operands = 1 : i64, tpu.core_type = #tpu.core_type<tc>, window_params = [{transform_indices = @transform_0, window_bounds = array<i64: 2, 1000, 128>}, {transform_indices = @transform_1, window_bounds = array<i64: 1000, 128>}, {transform_indices = @transform_2, window_bounds = array<i64: 1, 1, 1000>}, {pipeline_mode = #tpu.pipeline_mode<synchronous>, transform_indices = @transform_3, window_bounds = array<i64: 128, 128>}, {pipeline_mode = #tpu.pipeline_mode<synchronous>, transform_indices = @transform_4, window_bounds = array<i64: 128, 128>}, {pipeline_mode = #tpu.pipeline_mode<synchronous>, transform_indices = @transform_5, window_bounds = array<i64: 1, 128>}, {pipeline_mode = #tpu.pipeline_mode<synchronous>, transform_indices = @transform_6, window_bounds = array<i64: 64, 128>}, {pipeline_mode = #tpu.pipeline_mode<synchronous>, transform_indices = @transform_7, window_bounds = array<i64: 1, 64>}, {pipeline_mode = #tpu.pipeline_mode<synchronous>, transform_indices = @transform_8, window_bounds = array<i64: 1, 64>}, {pipeline_mode = #tpu.pipeline_mode<synchronous>, transform_indices = @transform_9, window_bounds = array<i64: 64, 64>}]} {
    %eq3A = arith.constant 0 : i32
    %eq3A_0 = arith.cmpi eq, %arg0, %eq3A : i32
    %convert_element_type3A = arith.extui %eq3A_0 : i1 to i32
    %cond3A = arith.constant 0 : i32
    %cond3A_1 = arith.cmpi ne, %convert_element_type3A, %cond3A : i32
    scf.if %cond3A_1 {
      %broadcast_in_dim3A_54 = arith.constant 0.000000e+00 : f32
      %broadcast_in_dim3A_55 = vector.broadcast %broadcast_in_dim3A_54 : f32 to vector<64x128xf32>
      %swap3A_56 = arith.constant 0 : index
      %swap3A_57 = arith.constant 0 : index
      %swap3A_58 = vector.load %arg11[%swap3A_56, %swap3A_57] : memref<64x128xf32, #tpu.memory_space<vmem>>, vector<64x128xf32>
      tpu.vector_store %arg11[%swap3A_56, %swap3A_57], %broadcast_in_dim3A_55 {strides = array<i32>} : memref<64x128xf32, #tpu.memory_space<vmem>>, vector<64x128xf32>,
    } else {
    }
    %get3A = arith.constant 0 : index
    %get3A_2 = arith.constant 0 : index
    %get3A_3 = arith.constant 0 : index
    %get3A_4 = vector.load %arg1[%get3A, %get3A_2, %get3A_3] : memref<2x1000x128xf32, #tpu.memory_space<vmem>>, vector<1x1000x128xf32>
    %get3A_5 = vector.shape_cast %get3A_4 : vector<1x1000x128xf32> to vector<1000x128xf32>
    %get3A_6 = arith.constant 1 : index
    %get3A_7 = arith.constant 0 : index
    %get3A_8 = arith.constant 0 : index
    %get3A_9 = vector.load %arg1[%get3A_6, %get3A_7, %get3A_8] : memref<2x1000x128xf32, #tpu.memory_space<vmem>>, vector<1x1000x128xf32>
    %get3A_10 = vector.shape_cast %get3A_9 : vector<1x1000x128xf32> to vector<1000x128xf32>
    %add3A = arith.addf %get3A_5, %get3A_10 : vector<1000x128xf32>
    %get3A_11 = arith.constant 0 : index
    %get3A_12 = arith.constant 0 : index
    %get3A_13 = vector.load %arg4[%get3A_11, %get3A_12] : memref<128x128xf32, #tpu.memory_space<vmem>>, vector<128x128xf32>
    %dot_general3A = arith.constant dense<0.000000e+00> : vector<1000x128xf32>
    %dot_general3A_14 = tpu.matmul %add3A, %get3A_13, %dot_general3A {dimension_numbers = #tpu.dot_dimension_numbers<[1], [1], [0], [0], [0, 0, 1, 0], [], []>, transpose_lhs_hint = false} : vector<1000x128xf32>, vector<128x128xf32>, vector<1000x128xf32> -> vector<1000x128xf32>
    %get3A_15 = arith.constant 0 : index
    %get3A_16 = arith.constant 0 : index
    %get3A_17 = vector.load %arg2[%get3A_15, %get3A_16] : memref<1000x128xf32, #tpu.memory_space<vmem>>, vector<1000x128xf32>
    %get3A_18 = arith.constant 0 : index
    %get3A_19 = arith.constant 0 : index
    %get3A_20 = vector.load %arg5[%get3A_18, %get3A_19] : memref<128x128xf32, #tpu.memory_space<vmem>>, vector<128x128xf32>
    %dot_general3A_21 = arith.constant dense<0.000000e+00> : vector<1000x128xf32>
    %dot_general3A_22 = tpu.matmul %get3A_17, %get3A_20, %dot_general3A_21 {dimension_numbers = #tpu.dot_dimension_numbers<[1], [1], [0], [0], [0, 0, 1, 0], [], []>, transpose_lhs_hint = false} : vector<1000x128xf32>, vector<128x128xf32>, vector<1000x128xf32> -> vector<1000x128xf32>
    %add3A_23 = arith.addf %dot_general3A_14, %dot_general3A_22 : vector<1000x128xf32>
    %get3A_24 = arith.constant 0 : index
    %get3A_25 = arith.constant 0 : index
    %get3A_26 = vector.load %arg6[%get3A_24, %get3A_25] : memref<1x128xf32, #tpu.memory_space<vmem>>, vector<1x128xf32>
    %add3A_27 = vector.broadcast %get3A_26 : vector<1x128xf32> to vector<1000x128xf32>
    %add3A_28 = arith.addf %add3A_23, %add3A_27 : vector<1000x128xf32>
    %max3A = arith.constant 0.000000e+00 : f32
    %max3A_29 = vector.broadcast %max3A : f32 to vector<1000x128xf32>
    %max3A_30 = arith.maximumf %add3A_28, %max3A_29 : vector<1000x128xf32>
    %get3A_31 = arith.constant 0 : index
    %get3A_32 = arith.constant 0 : index
    %get3A_33 = arith.constant 0 : index
    %get3A_34 = vector.load %arg3[%get3A_31, %get3A_32, %get3A_33] : memref<1x1x1000xi32, #tpu.memory_space<vmem>>, vector<1x1x1000xi32>
    %get3A_35 = vector.shape_cast %get3A_34 : vector<1x1x1000xi32> to vector<1000xi32>
    %broadcast_in_dim3A = vector.shape_cast %get3A_35 : vector<1000xi32> to vector<1000x1xi32>
    %iota3A = tpu.iota {dimensions = array<i32: 1>} : vector<1x64xi32>
    %eq3A_36 = vector.broadcast %broadcast_in_dim3A : vector<1000x1xi32> to vector<1000x64xi32>
    %eq3A_37 = vector.broadcast %iota3A : vector<1x64xi32> to vector<1000x64xi32>
    %eq3A_38 = arith.cmpi eq, %eq3A_36, %eq3A_37 : vector<1000x64xi32>
    %convert_element_type3A_39 = arith.extui %eq3A_38 : vector<1000x64xi1> to vector<1000x64xi32>
    %convert_element_type3A_40 = arith.sitofp %convert_element_type3A_39 : vector<1000x64xi32> to vector<1000x64xf32>
    %get3A_41 = arith.constant 0 : index
    %get3A_42 = arith.constant 0 : index
    %get3A_43 = vector.load %arg11[%get3A_41, %get3A_42] : memref<64x128xf32, #tpu.memory_space<vmem>>, vector<64x128xf32>
    %dot_general3A_44 = arith.constant dense<0.000000e+00> : vector<64x128xf32>
    %dot_general3A_45 = tpu.matmul %convert_element_type3A_40, %max3A_30, %dot_general3A_44 {dimension_numbers = #tpu.dot_dimension_numbers<[0], [0], [1], [1], [0, 1, 1, 1], [], []>, transpose_lhs_hint = false} : vector<1000x64xf32>, vector<1000x128xf32>, vector<64x128xf32> -> vector<64x128xf32>
    %add3A_46 = arith.addf %get3A_43, %dot_general3A_45 : vector<64x128xf32>
    %swap3A = arith.constant 0 : index
    %swap3A_47 = arith.constant 0 : index
    %swap3A_48 = vector.load %arg11[%swap3A, %swap3A_47] : memref<64x128xf32, #tpu.memory_space<vmem>>, vector<64x128xf32>
    tpu.vector_store %arg11[%swap3A, %swap3A_47], %add3A_46 {strides = array<i32>} : memref<64x128xf32, #tpu.memory_space<vmem>>, vector<64x128xf32>,
    %eq3A_49 = arith.constant 9 : i32
    %eq3A_50 = arith.cmpi eq, %arg0, %eq3A_49 : i32
    %convert_element_type3A_51 = arith.extui %eq3A_50 : i1 to i32
    %cond3A_52 = arith.constant 0 : i32
    %cond3A_53 = arith.cmpi ne, %convert_element_type3A_51, %cond3A_52 : i32
    scf.if %cond3A_53 {
      %get3A_54 = arith.constant 0 : index
      %get3A_55 = arith.constant 0 : index
      %get3A_56 = vector.load %arg9[%get3A_54, %get3A_55] : memref<1x64xf32, #tpu.memory_space<vmem>>, vector<1x64xf32>
      %reshape3A = vector.shape_cast %get3A_56 : vector<1x64xf32> to vector<64x1xf32>
      %jit3A = arith.constant 1.000000e+00 : f32
      %max3A_57 = vector.broadcast %jit3A : f32 to vector<64x1xf32>
      %max3A_58 = arith.maximumf %max3A_57, %reshape3A : vector<64x1xf32>
      %get3A_59 = arith.constant 0 : index
      %get3A_60 = arith.constant 0 : index
      %get3A_61 = vector.load %arg11[%get3A_59, %get3A_60] : memref<64x128xf32, #tpu.memory_space<vmem>>, vector<64x128xf32>
      %div3A = vector.broadcast %max3A_58 : vector<64x1xf32> to vector<64x128xf32>
      %div3A_62 = arith.divf %get3A_61, %div3A : vector<64x128xf32>
      %get3A_63 = arith.constant 0 : index
      %get3A_64 = arith.constant 0 : index
      %get3A_65 = vector.load %arg7[%get3A_63, %get3A_64] : memref<64x128xf32, #tpu.memory_space<vmem>>, vector<64x128xf32>
      %dot_general3A_66 = arith.constant dense<0.000000e+00> : vector<64x64xf32>
      %dot_general3A_67 = tpu.matmul %div3A_62, %get3A_65, %dot_general3A_66 {dimension_numbers = #tpu.dot_dimension_numbers<[1], [1], [0], [0], [0, 0, 1, 0], [], []>, transpose_lhs_hint = false} : vector<64x128xf32>, vector<64x128xf32>, vector<64x64xf32> -> vector<64x64xf32>
      %get3A_68 = arith.constant 0 : index
      %get3A_69 = arith.constant 0 : index
      %get3A_70 = vector.load %arg8[%get3A_68, %get3A_69] : memref<1x64xf32, #tpu.memory_space<vmem>>, vector<1x64xf32>
      %add3A_71 = vector.broadcast %get3A_70 : vector<1x64xf32> to vector<64x64xf32>
      %add3A_72 = arith.addf %dot_general3A_67, %add3A_71 : vector<64x64xf32>
      %swap3A_73 = arith.constant 0 : index
      %swap3A_74 = arith.constant 0 : index
      %swap3A_75 = vector.load %arg10[%swap3A_73, %swap3A_74] : memref<64x64xf32, #tpu.memory_space<vmem>>, vector<64x64xf32>
      tpu.vector_store %arg10[%swap3A_73, %swap3A_74], %add3A_72 {strides = array<i32>} : memref<64x64xf32, #tpu.memory_space<vmem>>, vector<64x64xf32>,
    } else {
    }
    return
  }
  func.func @transform_0(%arg0: i32) -> (i32, i32, i32) {
    %c0_i32 = arith.constant 0 : i32
    %c0_i32_0 = arith.constant 0 : i32
    %c0_i32_1 = arith.constant 0 : i32
    return %c0_i32, %arg0, %c0_i32_0 : i32, i32, i32
  }
  func.func @transform_1(%arg0: i32) -> (i32, i32) {
    %c0_i32 = arith.constant 0 : i32
    %c0_i32_0 = arith.constant 0 : i32
    return %arg0, %c0_i32 : i32, i32
  }
  func.func @transform_2(%arg0: i32) -> (i32, i32, i32) {
    %c0_i32 = arith.constant 0 : i32
    %c0_i32_0 = arith.constant 0 : i32
    %c0_i32_1 = arith.constant 0 : i32
    return %arg0, %c0_i32, %c0_i32_0 : i32, i32, i32
  }
  func.func @transform_3(%arg0: i32) -> (i32, i32) {
    %c0_i32 = arith.constant 0 : i32
    %c0_i32_0 = arith.constant 0 : i32
    %c0_i32_1 = arith.constant 0 : i32
    return %c0_i32, %c0_i32_0 : i32, i32
  }
  func.func @transform_4(%arg0: i32) -> (i32, i32) {
    %c0_i32 = arith.constant 0 : i32
    %c0_i32_0 = arith.constant 0 : i32
    %c0_i32_1 = arith.constant 0 : i32
    return %c0_i32, %c0_i32_0 : i32, i32
  }
  func.func @transform_5(%arg0: i32) -> (i32, i32) {
    %c0_i32 = arith.constant 0 : i32
    %c0_i32_0 = arith.constant 0 : i32
    %c0_i32_1 = arith.constant 0 : i32
    return %c0_i32, %c0_i32_0 : i32, i32
  }
  func.func @transform_6(%arg0: i32) -> (i32, i32) {
    %c0_i32 = arith.constant 0 : i32
    %c0_i32_0 = arith.constant 0 : i32
    %c0_i32_1 = arith.constant 0 : i32
    return %c0_i32, %c0_i32_0 : i32, i32
  }
  func.func @transform_7(%arg0: i32) -> (i32, i32) {
    %c0_i32 = arith.constant 0 : i32
    %c0_i32_0 = arith.constant 0 : i32
    %c0_i32_1 = arith.constant 0 : i32
    return %c0_i32, %c0_i32_0 : i32, i32
  }
  func.func @transform_8(%arg0: i32) -> (i32, i32) {
    %c0_i32 = arith.constant 0 : i32
    %c0_i32_0 = arith.constant 0 : i32
    %c0_i32_1 = arith.constant 0 : i32
    return %c0_i32, %c0_i32_0 : i32, i32
  }
  func.func @transform_9(%arg0: i32) -> (i32, i32) {
    %c0_i32 = arith.constant 0 : i32
    %c0_i32_0 = arith.constant 0 : i32
    %c0_i32_1 = arith.constant 0 : i32
    return %c0_i32, %c0_i32_0 : i32, i32
  }
}

</mosaic_0001>

<sc_bundles>
// kernel: sc_edge_agg.4.cloned.1.call-start
scs
__scs_entry_jumppad:
0x0: {  	(pc) =	sbr.rel $0x88, $3  }
0x1: {  	(tag) =	ssettag $0x0;
	lr =	simm.s32 $0x1  }
0x2: {  	[smem:$0x3F96] =	sst lr;
	_ =	strace $0xD0000000  }
0x3: {  	_ = 	snop  }
0x4: {  	_ = 	snop  }
0x5: {  	_ = 	snop  }
0x6: {  	_ = 	snop  }
0x7: {  	_ = 	snop  }
__scs_overlays_trampoline_lowered:
0x8: {  	[smem:$0x3FA5] =	sst s0  }
0x9: {  	[smem:$0x3FA6] =	sst s1  }
0xa: {  	[smem:$0x3FA7] =	sst s2  }
0xb: {  	[smem:$0x3FA8] =	sst s3  }
0xc: {  	[smem:$0x3FA9] =	sst s4  }
0xd: {  	[smem:$0x3FAA] =	sst s5  }
0xe: {  	[smem:$0x3FAB] =	sst s6  }
0xf: {  	[smem:$0x3FAC] =	sst s7  }
0x10: {  	[smem:$0x3FAD] =	sst s8  }
0x11: {  	[smem:$0x3FAE] =	sst s9;
	s0 =	simm.s32 @!p0 $0x0  }
0x12: {  	s1 =	sld [smem:$0x3F94];
	s0 =	simm.s32 @p0 $0x1  }
0x13: {  	[smem:$0x3FAF] =	sst s0;
	s0 =	simm.s32 @!p1 $0x0  }
0x14: {  	s2 =	sld [smem:$0x3F93];
	s0 =	simm.s32 @p1 $0x1  }
0x15: {  	[smem:$0x3FB0] =	sst s0;
	s0 =	simm.s32 @!p2 $0x0  }
0x16: {  	s3 =	sld [smem:$0x3FDB];
	s0 =	simm.s32 @p2 $0x1  }
0x17: {  	s4 =	simm.s32 $0x1BF5;
	[smem:$0x3FB2] =	sst s0  }
0x18: {  	s0 =	sld [smem:$0x3F95];
	_ =	swait.ge [sflag:s4], $0x0  }
0x19: {  	s7 =	sld [smem:$0x3F96]  }
0x1a: {  	s8 =	sadd.s32 $0xFFFFE003, lr  }
0x1b: {  	s9 =	sadd.s32 $0xFFFFFEF7, lr;
	s5 =	simm.s32 $0xFFFFFFFF;
	p2 =	slt.u32 s8, $0xFFFFF086  }
0x1c: {  	p1 =	slt.u32 s9, $0xF7A;
	s5 =	simm.s32 @!p2 $0x0  }
0x1d: {  	s5 =	simm.s32 @p1 $0x1;
	p0 =	seq.s32 s7, s2  }
0x1e: {  	s7 =	smul.u32 @!p0 $0xF7A, s2;
	p2 =	seq.s32 @!p0 s5, $0x0  }
0x1f: {  	s9 =	smul.u32 $0xF7A, s1;
	s8 =	simm.s32 @!p0 $0x1BF5;
	p2 =	por !p2, p0  }
0x20: {  	[sflag:s8] =	ssyncset.s32 @!p0 $0xFFFFF086;
	s6 =	sadd.s32 @!p0 s3, s7;
	s7 =	simm.s32 @!p0 $0x108  }
0x21: {  	s3 =	sadd.s32 s3, s9;
	s6 =	sadd.s32 @!p0 $0x88, s6;
	s7 =	simm.s32 @p2 $0x1082  }
0x22: {  	[simem:s7], [sflag:s8] =	dma.local @!p0 [hbm:s6], $0xF7A  }
0x23: {  	s9 =	sor.u32 $0xD0000000, s2;
	s6 =	simm.s32 $0x108;
	_ =	swait.ge @!p0 [sflag:s8], $0x0  }
0x24: {  	s3 =	sadd.s32 $0x88, s3;
	s6 =	simm.s32 @!p1 $0x1082;
	[sflag:s4] =	ssyncset.s32 $0xFFFFF086  }
0x25: {  	[simem:s6], [sflag:s4] =	dma.local [hbm:s3], $0xF7A  }
0x26: {  	[smem:$0x3F96] =	sst s1;
	(tag) =	ssettag s2;
	_ =	strace s9  }
0x27: {  	s1 =	sld [smem:$0x3FA6]  }
0x28: {  	s2 =	sld [smem:$0x3FA7]  }
0x29: {  	s4 =	sld [smem:$0x3FA9]  }
0x2a: {  	p0 =	seq.s32 s5, $0x0;
	s5 =	sld [smem:$0x3FAA]  }
0x2b: {  	s6 =	sld [smem:$0x3FAB]  }
0x2c: {  	s7 =	sld [smem:$0x3FAC]  }
0x2d: {  	s3 =	simm.s32 $0x108;
	s8 =	sld [smem:$0x3FAD]  }
0x2e: {  	s3 =	simm.s32 @!p0 $0x1082;
	s9 =	sld [smem:$0x3FAE]  }
0x2f: {  	lr =	sadd.s32 s0, s3;
	s0 =	sld [smem:$0x3FA5]  }
0x30: {  	s3 =	sld [smem:$0x3FA8]  }
0x31: {  	[smem:$0x3FB1] =	sst s10  }
0x32: {  	s10 =	sld [smem:$0x3FAF];
	_ =	sdelay $0x3  }
0x33: {  	p0 =	seq.s32 s10, $0x1;
	s10 =	sld [smem:$0x3FB1];
	_ =	sdelay $0x3  }
0x34: {  	[smem:$0x3FB1] =	sst s10  }
0x35: {  	s10 =	sld [smem:$0x3FB0];
	_ =	sdelay $0x3  }
0x36: {  	p1 =	seq.s32 s10, $0x1;
	s10 =	sld [smem:$0x3FB1];
	_ =	sdelay $0x3  }
0x37: {  	[smem:$0x3FB1] =	sst s10  }
0x38: {  	s10 =	sld [smem:$0x3FB2]  }
0x39: {  	_ = 	snop;
	(pc) =	sbr.ind lr, $3  }
0x3a: {  	_ = 	snop  }
0x3b: {  	_ = 	snop  }
0x3c: {  	p2 =	seq.s32 s10, $0x1;
	s10 =	sld [smem:$0x3FB1]  }
0x3d: {  	_ =	shalt  }
0x3e: {  	_ =	shalt  }
0x3f: {  	_ =	shalt  }
0x40: {  	_ =	shalt  }
0x41: {  	_ =	shalt  }
0x42: {  	_ =	shalt  }
0x43: {  	_ =	shalt  }
0x44: {  	_ =	shalt  }
0x45: {  	_ =	shalt  }
0x46: {  	_ =	shalt  }
0x47: {  	_ =	shalt  }
0x48: {  	_ =	shalt  }
0x49: {  	_ =	shalt  }
0x4a: {  	_ =	shalt  }
0x4b: {  	_ =	shalt  }
0x4c: {  	_ =	shalt  }
0x4d: {  	_ =	shalt  }
0x4e: {  	_ =	shalt  }
0x4f: {  	_ =	shalt  }
0x50: {  	_ =	shalt  }
0x51: {  	_ =	shalt  }
0x52: {  	_ =	shalt  }
0x53: {  	_ =	shalt  }
0x54: {  	_ =	shalt  }
0x55: {  	_ =	shalt  }
0x56: {  	_ =	shalt  }
0x57: {  	_ =	shalt  }
0x58: {  	_ =	shalt  }
0x59: {  	_ =	shalt  }
0x5a: {  	_ =	shalt  }
0x5b: {  	_ =	shalt  }
0x5c: {  	_ =	shalt  }
0x5d: {  	_ =	shalt  }
0x5e: {  	_ =	shalt  }
0x5f: {  	_ =	shalt  }
0x60: {  	_ =	shalt  }
0x61: {  	_ =	shalt  }
0x62: {  	_ =	shalt  }
0x63: {  	_ =	shalt  }
0x64: {  	_ =	shalt  }
0x65: {  	_ =	shalt  }
0x66: {  	_ =	shalt  }
0x67: {  	_ =	shalt  }
0x68: {  	_ =	shalt  }
0x69: {  	_ =	shalt  }
0x6a: {  	_ =	shalt  }
0x6b: {  	_ =	shalt  }
0x6c: {  	_ =	shalt  }
0x6d: {  	_ =	shalt  }
0x6e: {  	_ =	shalt  }
0x6f: {  	_ =	shalt  }
0x70: {  	_ =	shalt  }
0x71: {  	_ =	shalt  }
0x72: {  	_ =	shalt  }
0x73: {  	_ =	shalt  }
0x74: {  	_ =	shalt  }
0x75: {  	_ =	shalt  }
0x76: {  	_ =	shalt  }
0x77: {  	_ =	shalt  }
0x78: {  	_ =	shalt  }
0x79: {  	_ =	shalt  }
0x7a: {  	_ =	shalt  }
0x7b: {  	_ =	shalt  }
0x7c: {  	_ =	shalt  }
0x7d: {  	_ =	shalt  }
0x7e: {  	_ =	shalt  }
0x7f: {  	_ =	shalt  }
0x80: {  	_ =	shalt  }
0x81: {  	_ =	shalt  }
0x82: {  	_ =	shalt  }
0x83: {  	_ =	shalt  }
0x84: {  	_ =	shalt  }
0x85: {  	_ =	shalt  }
0x86: {  	_ =	shalt  }
0x87: {  	_ =	shalt  }
.Lfunc_end0:
.L_simem_size_0:
called_computation_lowered:
.L_overlay_start_0:
0x88: {  	s2 =	sld [smem:$0x3FD9]  }
0x89: {  	s3 =	sld [smem:$0x3FFE];
	_ =	sdelay $0x1  }
0x8a: {  	s1 =	srdreg.scid  }
0x8b: {  	s0 =	sand.u32 $0x1, s1  }
0x8c: {  	s17 =	sshll.u32 s0, $0xA;
	s2 =	sadd.s32 s3, s2  }
0x8d: {  	s2 =	sadd.s32 s2, s17  }
0x8e: {  	[smem:$0x3FBD] =	sst s2  }
0x8f: {  	_ = 	snop  }
0x90: {  	s2 =	sld [smem:$0x3FC9];
	(tm) =	ssettm $0x1  }
0x91: {  	s18 =	sld [smem:$0x3FFB];
	_ =	sdelay $0x3  }
0x92: {  	_ =	strace s18  }
0x93: {  	s3 =	sld [smem:$0x3FFC];
	_ =	sdelay $0x3  }
0x94: {  	_ =	strace s3  }
0x95: {  	s3 =	sld [smem:$0x3FFD];
	_ =	sdelay $0x3  }
0x96: {  	_ =	strace s3  }
0x97: {  	_ =	strace $0x8FFFFFFF  }
0x98: {  	s19 =	sld [smem:$0x3FDB];
	_ =	sdelay $0x1  }
0x99: {  	s4 =	simm.s32 $_scs_section_size  }
0x9a: {  	s5 =	simm.s32 $_size__tile_overlayer_lowered;
	s6 =	simm.s32 $_tile_overlayer_lowered  }
0x9b: {  	s22 =	simm.s32 $0x1BFF;
	s21 =	sshll.u32 s6, $0x1;
	s3 =	sadd.s32 s4, s19  }
0x9c: {  	s7 =	simm.s32 $0x0;
	s20 =	sshll.u32 s5, $0x1;
	s5 =	sadd.s32 s21, s3  }
0x9d: {  	[timem:s7], [sflag:s22] =	dma.local [hbm:s5], s20  }
0x9e: {  	_ =	swait.ge [sflag:s22], s20  }
0x9f: {  	s4 =	ssub.s32 $0x0, s20;
	[sflag:s22] =	ssyncset.done $0x0  }
0xa0: {  	[sflag:s22] =	ssyncadd.s32 s4;
	_ =	sdelay $0x1  }
0xa1: {  	s23 =	simm.s32 $0x1B8B  }
0xa2: {  	_ =	swait.ge [sflag:s23], $0x1  }
0xa3: {  	[sflag:s23] =	ssyncset.done $0x0  }
0xa4: {  	s25 =	simm.s32 $0x1B8E;
	s24 =	sld [smem:$0x3FFE];
	[sflag:s23] =	ssyncadd.s32 $0xFFFFFFFF  }
0xa5: {  	s26 =	simm.s32 $execute0_lowered;
	[smem:$0x3FD2] =	sst s25  }
0xa6: {  	s5 =	sshll.u32 s26, $0x1;
	_ =	strace $0x80000046;
	[dreg:$0x1] =	wrdreg $0xFFFFFFFF  }
0xa7: {  	s28 =	simm.s32 $_size_execute0_lowered;
	s3 =	sadd.s32 s3, s5;
	[dreg:$0x0] =	wrdreg $0x0  }
0xa8: {  	s5 =	sshll.u32 s28, $0x1;
	[dreg:$0x2] =	wrdreg s3  }
0xa9: {  	[dreg:$0x3] =	wrdreg s5  }
0xaa: {  	[dreg:$0x4] =	wrdreg $0xC0  }
0xab: {  	_ =	task [dreg:s7], $0x5FFFF  }
0xac: {  	[dreg:$0x1] =	wrdreg $0xFFFFFFFF  }
0xad: {  	[dreg:$0x0] =	wrdreg $0x60  }
0xae: {  	[dreg:$0x2] =	wrdreg s2  }
0xaf: {  	[dreg:$0x3] =	wrdreg s24  }
0xb0: {  	[dreg:$0x4] =	wrdreg $0x0  }
0xb1: {  	[dreg:$0x5] =	wrdreg $0x9  }
0xb2: {  	_ =	task.clear_ibuf [dreg:s7], $0x6FFFF;
	_ =	strace $0x90000046  }
0xb3: {  	s29 =	simm.s32 $0x9;
	_ =	strace $0x80000048  }
0xb4: {  	_ =	swait.ge [sflag:s29], $0x1  }
0xb5: {  	[sflag:s29] =	ssyncadd.s32 $0xFFFFFFFF  }
0xb6: {  	_ =	strace $0x90000048  }
0xb7: {  	_ =	sfence  }
0xb8: {  	s30 =	sld [smem:$0x0];
	_ =	sdelay $0x2  }
0xb9: {  	s31 =	sshll.u32 s1, $0xD;
	s1 =	sshrl.u32 s1, $0x2  }
0xba: {  	s3 =	sand.u32 $0x4000, s31;
	s1 =	sadd.s32 s1, s30  }
0xbb: {  	s0 =	sor.u32 s3, s0;
	s1 =	sshll.u32 s1, $0x11  }
0xbc: {  	s0 =	sor.u32 s1, s0  }
0xbd: {  	s0 =	sadd.s32 $0x8F2B, s0  }
0xbe: {  	[sflag:s0] =	ssyncadd.remote.s32 $0x1  }
0xbf: {  	_ =	sfence.sel $0xFFFF  }
0xc0: {  	[dreg:$0x0] =	wrdreg $0xFFFFFFFF;
	(pc) =	sbr.abs _section_cstart, $3  }
0xc1: {  	[dreg:$0x1] =	wrdreg $0xFFFFFFFF  }
0xc2: {  	_ =	task.clear_ibuf [dreg:s7], $0x2FFFF;
	_ =	strace $0x9FFFFFFF  }
0xc3: {  	(tm) =	ssettm $0x7FFFFFFF  }
tec
execute0_lowered:
.L_overlay_start_1:
0x0: {  	(tag) =	ssettag $0x1  }
0x1: {  	s0 =	rddreg [dreg:$0x0]  }
0x2: {  	s1 =	rddreg [dreg:$0x1]  }
0x3: {  	s2 =	srdreg.scid;
	s3 =	rddreg [dreg:$0x2]  }
0x4: {  	s9 =	stileid.u32;
	s4 =	simm.s32 $0x0;
	p0 =	por $0x1, $0x1  }
0x5: {  	p1 =	por $0x0, $0x0;
	s28 =	simm.s32 $0x14480;
	s30 =	simm.s32 $0x3  }
0x6: {  	s29 =	simm.s32 $0xB;
	s2 =	sand.u32 $0x1, s2;
	s6 =	smul.u32 $0x14000, s9  }
0x7: {  	[smem:$0x7FF] =	sst s4;
	s10 =	sadd.s32 $0xC200, s1;
	s8 =	smul.u32 $0x50000, s9  }
0x8: {  	s11 =	sadd.s32 $0x2400, s1;
	s5 =	smul.u32 $0x140000, s2;
	s7 =	sshll.u32 s2, $0x4  }
0x9: {  	_ =	strace $0x80000047;
	s22 =	ssub.s32 $0x2, s2;
	[dreg:$0x5] =	wrdreg s11  }
0xa: {  	s2 =	smul.u32 $0x27100, s2;
	[dreg:$0x4] =	wrdreg s10;
	s21 =	sor.u32 s9, s7  }
0xb: {  	s23 =	sshrl.u32 s22, $0x1;
	s9 =	smul.u32 $0x2710, s9;
	s13 =	sshrl.u32 s8, $0x2  }
0xc: {  	s5 =	sadd.s32 s6, s5;
	s6 =	smul.u32 $0x2710, s21;
	s16 =	sadd.s32 s13, s3  }
0xd: {  	s5 =	sshrl.u32 s5, $0x3;
	s8 =	sadd.s32 $0x1400, s16;
	[dreg:$0xc] =	wrdreg s16  }
0xe: {  	s2 =	sadd.s32 s9, s2;
	s9 =	sadd.s32 $0x2800, s16;
	[dreg:$0x17] =	wrdreg s8  }
0xf: {  	s13 =	sadd.s32 $0x7800, s16;
	s1 =	sadd.s32 s5, s1;
	[dreg:$0x18] =	wrdreg s9  }
0x10: {  	s6 =	sshrl.u32 s6, $0x3;
	s21 =	sadd.s32 $0x1E0, s2;
	[dreg:$0x1c] =	wrdreg s13  }
0x11: {  	s5 =	ssub.s32 s22, s23;
	s24 =	sadd.s32 s10, s6;
	[dreg:$0x11] =	wrdreg s21  }
0x12: {  	s14 =	sadd.s32 $0x280, s2;
	s25 =	sadd.s32 s11, s6;
	[dreg:$0x6] =	wrdreg s24  }
0x13: {  	s17 =	sadd.s32 $0x230, s2;
	s1 =	sadd.s32 $0x16000, s1;
	[dreg:$0x7] =	wrdreg s25  }
0x14: {  	s22 =	sadd.s32 $0x140, s2;
	s5 =	smax.u32 s5, $0x1;
	[dreg:$0xd] =	wrdreg s1  }
0x15: {  	s15 =	sshrl.u32 s14, $0x3;
	s14 =	sadd.s32 $0x8C00, s16;
	[dreg:$0xe] =	wrdreg s5  }
0x16: {  	s18 =	sshrl.u32 s17, $0x3;
	s17 =	sadd.s32 $0xB400, s16;
	[dreg:$0x1d] =	wrdreg s14  }
0x17: {  	s26 =	sadd.s32 $0xA, s6;
	s21 =	sadd.s32 $0x10400, s16;
	[dreg:$0x1f] =	wrdreg s17  }
0x18: {  	s23 =	sshrl.u32 s22, $0x3;
	s22 =	sadd.s32 $0x11800, s16;
	[smem:$0x7FB] =	sst s21  }
0x19: {  	s31 =	simm.s32 $0x6;
	s12 =	sadd.s32 s10, s26;
	[smem:$0x7FC] =	sst s22  }
0x1a: {  	s20 =	sadd.s32 $0x190, s2;
	s7 =	sadd.s32 s11, s26;
	[dreg:$0x8] =	wrdreg s12  }
0x1b: {  	s2 =	sadd.s32 $0xF0, s2;
	s19 =	sadd.s32 s18, s11;
	[dreg:$0x9] =	wrdreg s7  }
0x1c: {  	s24 =	sadd.s32 s15, s11;
	s5 =	sadd.s32 s18, s10;
	[dreg:$0xf] =	wrdreg s19  }
0x1d: {  	s25 =	sadd.s32 s15, s10;
	s15 =	sadd.s32 $0xA000, s16;
	[dreg:$0x10] =	wrdreg s5  }
0x1e: {  	s6 =	sadd.s32 $0x14, s6;
	s18 =	sadd.s32 $0xC800, s16;
	[dreg:$0x1e] =	wrdreg s15  }
0x1f: {  	s1 =	sshrl.u32 s20, $0x3;
	s20 =	sadd.s32 $0xF000, s16;
	[smem:$0x7F8] =	sst s18  }
0x20: {  	s8 =	simm.s32 $0x50;
	s12 =	sadd.s32 s10, s6;
	[smem:$0x7FA] =	sst s20  }
0x21: {  	s9 =	simm.s32 $0x14600;
	s6 =	sadd.s32 s11, s6;
	[dreg:$0xa] =	wrdreg s12  }
0x22: {  	s26 =	sadd.s32 s1, s11;
	s1 =	sadd.s32 s1, s10;
	[dreg:$0xb] =	wrdreg s6  }
0x23: {  	s2 =	sshrl.u32 s2, $0x3;
	s5 =	sadd.s32 s23, s11;
	[dreg:$0x12] =	wrdreg s1  }
0x24: {  	s13 =	simm.s32 $0x0;
	s7 =	sadd.s32 s2, s10;
	[dreg:$0x13] =	wrdreg s5  }
0x25: {  	s14 =	simm.s32 $0x19600;
	s19 =	sadd.s32 $0xDC00, s16;
	[dreg:$0x16] =	wrdreg s7  }
0x26: {  	s20 =	simm.s32 $0xD;
	s1 =	sadd.s32 s23, s10;
	[smem:$0x7F9] =	sst s19  }
0x27: {  	s18 =	simm.s32 $0x2;
	s6 =	sadd.s32 s2, s11;
	[dreg:$0x14] =	wrdreg s1  }
0x28: {  	s15 =	simm.s32 $0xA;
	s10 =	sadd.s32 $0x3C00, s16;
	[dreg:$0x15] =	wrdreg s6  }
.Ltmp0:
0x29: {  	s11 =	sadd.s32 $0x5000, s16;
	[dreg:$0x19] =	wrdreg s10;
	(pc) =	sbr.rel .LBB2_1-.Ltmp0, $4  }
0x2a: {  	s12 =	sadd.s32 $0x6400, s16;
	s23 =	sadd.s32 $0x12C00, s16;
	[dreg:$0x1a] =	wrdreg s11  }
0x2b: {  	s7 =	simm.s32 $0x7;
	s5 =	simm.s32 $0x14500;
	[dreg:$0x1b] =	wrdreg s12  }
0x2c: {  	s19 =	simm.s32 $0x4;
	[smem:$0x7FD] =	sst s23;
	s11 =	simm.s32 $0x16E00  }
0x2d: {  	v0 =	vimm.f32 $0.0e+00;
	s12 =	simm.s32 $0x9;
	s1 =	simm.s32 $0x14200;
	s6 =	simm.s32 $0x1  }
.LBB2_21:
0x2e: {  	s2 =	simm.s32 $0x5  }
0x2f: {  	_ =	swait.ge [sflag:s2], $0x2800  }
0x30: {  	[sflag:s2] =	ssyncset.done $0x0  }
0x31: {  	[sflag:s2] =	ssyncadd.s32 $0xFFFFD800  }
.LBB2_19:
0x32: {  	s2 =	stileid.u32;
	[bflag:$0x0] =	sbarrier.arrive $0xFFFF  }
0x33: {  	s10 =	simm.s32 $0xE;
	s2 =	sshll.u32 s2, $0x6;
	s16 =	rddreg [dreg:$0xc]  }
0x34: {  	s17 =	rddreg [dreg:$0xd];
	s2 =	sor.u32 $0x1C0E, s2;
	s13 =	sshrl.u32 s16, $0x3  }
0x35: {  	[hbm:s17], [sflag:s2] =	dma.local [spmem:s13], $0x2800  }
0x36: {  	_ =	swait.ge [sflag:s10], $0x2800  }
0x37: {  	s22 =	sld [smem:$0x7F7];
	_ =	sdelay $0x2  }
0x38: {  	s23 =	rddreg [dreg:$0xe];
	s13 =	sadd.s32 $0x1, s22  }
0x39: {  	p2 =	sne.s32 s13, s23  }
.Ltmp1:
0x3a: {  	_ = 	snop;
	(pc) =	sbr.rel @!p2 .LBB2_20-.Ltmp1, $3  }
0x3b: {  	_ =	sdelay $0x1  }
0x3c: {  	[sflag:s10] =	ssyncset.done $0x0  }
0x3d: {  	[sflag:s10] =	ssyncadd.s32 $0xFFFFD800  }
.LBB2_1:
0x3e: {  	[smem:$0x7F7] =	sst s13  }
0x3f: {  	s2 =	rddreg [dreg:$0x6];
	s10 =	simm.s32 $0x14000  }
0x40: {  	[tilespmem:s10], [sflag:$0x7] =	stream.linear.gather [hbm4b:s2+s4], $0x50, $0x38;
	[tilespmem:$0x1D200] =	vst v63  }
0x41: {  	s17 =	rddreg [dreg:$0x7];
	s21 =	simm.s32 $0x14300  }
0x42: {  	[tilespmem:s21], [sflag:$0x7] =	stream.linear.gather [hbm4b:s17+s4], $0x50, $0x38;
	[tilespmem:$0x1D200] =	vst v63  }
0x43: {  	s22 =	rddreg [dreg:$0x8];
	s13 =	simm.s32 $0x14080  }
0x44: {  	[tilespmem:s13], [sflag:$0x8] =	stream.linear.gather [hbm4b:s22+s4], $0x50, $0x38;
	[tilespmem:$0x1D200] =	vst v63  }
0x45: {  	s23 =	rddreg [dreg:$0x9];
	s17 =	simm.s32 $0x14380  }
0x46: {  	[tilespmem:s17], [sflag:$0x8] =	stream.linear.gather [hbm4b:s23+s4], $0x50, $0x38;
	[tilespmem:$0x1D200] =	vst v63  }
0x47: {  	s21 =	rddreg [dreg:$0xa];
	s17 =	simm.s32 $0x14100  }
0x48: {  	[tilespmem:s17], [sflag:$0x9] =	stream.linear.gather [hbm4b:s21+s4], $0x50, $0x38;
	[tilespmem:$0x1D200] =	vst v63  }
0x49: {  	s22 =	rddreg [dreg:$0xb];
	s21 =	simm.s32 $0x14400  }
0x4a: {  	[tilespmem:s21], [sflag:$0x9] =	stream.linear.gather [hbm4b:s22+s4], $0x50, $0x38;
	[tilespmem:$0x1D200] =	vst v63  }
0x4b: {  	_ =	swait.ge [sflag:s7], $0x50  }
0x4c: {  	[sflag:s7] =	ssyncset.done $0x0  }
0x4d: {  	[sflag:s7] =	ssyncadd.s32 $0xFFFFFFB0  }
0x4e: {  	_ =	swait.ge [sflag:s7], $0x50  }
0x4f: {  	[sflag:s7] =	ssyncset.done $0x0  }
0x50: {  	s23 =	simm.s32 $0x8;
	[sflag:s7] =	ssyncadd.s32 $0xFFFFFFB0  }
0x51: {  	[tilespmem:s9], [sflag:$0x1] =	stream.indirect.gather [hbm4b:s0+s8], $0x80, s10, s8, $0xb8;
	[tilespmem:$0x1D200] =	vst v63  }
0x52: {  	_ =	swait.ge [sflag:s23], $0x50  }
0x53: {  	[sflag:s23] =	ssyncset.done $0x0  }
0x54: {  	[sflag:s23] =	ssyncadd.s32 $0xFFFFFFB0  }
0x55: {  	_ =	swait.ge [sflag:s23], $0x50  }
0x56: {  	[sflag:s23] =	ssyncset.done $0x0  }
0x57: {  	[sflag:s23] =	ssyncadd.s32 $0xFFFFFFB0  }
0x58: {  	[tilespmem:s11], [sflag:$0x2] =	stream.indirect.gather [hbm4b:s0+s8], $0x80, s13, s8, $0xb8;
	[tilespmem:$0x1D200] =	vst v63  }
0x59: {  	_ =	swait.ge [sflag:s12], $0x50  }
0x5a: {  	[sflag:s12] =	ssyncset.done $0x0  }
0x5b: {  	[sflag:s12] =	ssyncadd.s32 $0xFFFFFFB0  }
0x5c: {  	_ =	swait.ge [sflag:s12], $0x50  }
0x5d: {  	[sflag:s12] =	ssyncset.done $0x0  }
0x5e: {  	s2 =	simm.s32 $0x0;
	s13 =	simm.s32 $0x200;
	[sflag:s12] =	ssyncadd.s32 $0xFFFFFFB0  }
0x5f: {  	[tilespmem:s14], [sflag:$0x3] =	stream.indirect.gather [hbm4b:s0+s8], $0x80, s17, s8, $0xb8;
	[tilespmem:$0x1D200] =	vst v63  }
.LBB2_2:
0x60: {  	p2 =	sne.s32 s13, $0x4E00;
	[tilespmem:s2+$0x1BE70] =	vst v0  }
0x61: {  	[tilespmem:s2+$0x1BE00] =	vst v0  }
0x62: {  	[tilespmem:s2+$0x1BE10] =	vst v0  }
.Ltmp2:
0x63: {  	[tilespmem:s2+$0x1BE20] =	vst v0;
	(pc) =	sbr.rel @p2 .LBB2_2-.Ltmp2, $4  }
0x64: {  	[tilespmem:s2+$0x1BE30] =	vst v0  }
0x65: {  	[tilespmem:s2+$0x1BE40] =	vst v0  }
0x66: {  	[tilespmem:s2+$0x1BE50] =	vst v0  }
0x67: {  	[tilespmem:s2+$0x1BE60] =	vst v0;
	s2 =	sshra.s32 s13, $0x2;
	s13 =	sadd.s32 $0x200, s13  }
0x68: {  	[tilespmem:s2+$0x1BE70] =	vst v0  }
0x69: {  	[tilespmem:s2+$0x1BE00] =	vst v0  }
0x6a: {  	[tilespmem:s2+$0x1BE10] =	vst v0  }
0x6b: {  	[tilespmem:s2+$0x1BE20] =	vst v0  }
0x6c: {  	[tilespmem:s2+$0x1BE30] =	vst v0  }
0x6d: {  	[tilespmem:s2+$0x1BE40] =	vst v0  }
0x6e: {  	[tilespmem:s2+$0x1BE50] =	vst v0  }
0x6f: {  	[tilespmem:s2+$0x1BE60] =	vst v0;
	s10 =	simm.s32 $0x1BE00;
	s21 =	rddreg [dreg:$0x17]  }
0x70: {  	[spmem:s16] =	stream.linear.scatter [tilespmem:s10], [sflag:$0xD], $0x1400, $0x38;
	[tilespmem:$0x1D200] =	vst v63  }
0x71: {  	s22 =	rddreg [dreg:$0x18]  }
0x72: {  	[spmem:s21] =	stream.linear.scatter [tilespmem:s10], [sflag:$0xD], $0x1400, $0x38;
	[tilespmem:$0x1D200] =	vst v63  }
0x73: {  	s23 =	rddreg [dreg:$0x19]  }
0x74: {  	[spmem:s22] =	stream.linear.scatter [tilespmem:s10], [sflag:$0xD], $0x1400, $0x38;
	[tilespmem:$0x1D200] =	vst v63  }
0x75: {  	s13 =	rddreg [dreg:$0x1a]  }
0x76: {  	[spmem:s23] =	stream.linear.scatter [tilespmem:s10], [sflag:$0xD], $0x1400, $0x38;
	[tilespmem:$0x1D200] =	vst v63  }
0x77: {  	s17 =	rddreg [dreg:$0x1c]  }
0x78: {  	[spmem:s13] =	stream.linear.scatter [tilespmem:s10], [sflag:$0xD], $0x1400, $0x38;
	[tilespmem:$0x1D200] =	vst v63  }
0x79: {  	s16 =	rddreg [dreg:$0x1b]  }
0x7a: {  	[spmem:s16] =	stream.linear.scatter [tilespmem:s10], [sflag:$0xD], $0x1400, $0x38;
	[tilespmem:$0x1D200] =	vst v63  }
0x7b: {  	s21 =	rddreg [dreg:$0x1d]  }
0x7c: {  	[spmem:s17] =	stream.linear.scatter [tilespmem:s10], [sflag:$0xD], $0x1400, $0x38;
	[tilespmem:$0x1D200] =	vst v63  }
0x7d: {  	s22 =	rddreg [dreg:$0x1e]  }
0x7e: {  	[spmem:s21] =	stream.linear.scatter [tilespmem:s10], [sflag:$0xD], $0x1400, $0x38;
	[tilespmem:$0x1D200] =	vst v63  }
0x7f: {  	s23 =	rddreg [dreg:$0x1f]  }
0x80: {  	[spmem:s22] =	stream.linear.scatter [tilespmem:s10], [sflag:$0xD], $0x1400, $0x38;
	[tilespmem:$0x1D200] =	vst v63  }
0x81: {  	s13 =	sld [smem:$0x7F8]  }
0x82: {  	[spmem:s23] =	stream.linear.scatter [tilespmem:s10], [sflag:$0xD], $0x1400, $0x38;
	[tilespmem:$0x1D200] =	vst v63  }
0x83: {  	s16 =	sld [smem:$0x7F9]  }
0x84: {  	[spmem:s13] =	stream.linear.scatter [tilespmem:s10], [sflag:$0xD], $0x1400, $0x38;
	[tilespmem:$0x1D200] =	vst v63  }
0x85: {  	s17 =	sld [smem:$0x7FA]  }
0x86: {  	[spmem:s16] =	stream.linear.scatter [tilespmem:s10], [sflag:$0xD], $0x1400, $0x38;
	[tilespmem:$0x1D200] =	vst v63  }
0x87: {  	s21 =	sld [smem:$0x7FB]  }
0x88: {  	[spmem:s17] =	stream.linear.scatter [tilespmem:s10], [sflag:$0xD], $0x1400, $0x38;
	[tilespmem:$0x1D200] =	vst v63  }
0x89: {  	s22 =	sld [smem:$0x7FC]  }
0x8a: {  	[spmem:s21] =	stream.linear.scatter [tilespmem:s10], [sflag:$0xD], $0x1400, $0x38;
	[tilespmem:$0x1D200] =	vst v63  }
0x8b: {  	s23 =	sld [smem:$0x7FD]  }
0x8c: {  	[spmem:s22] =	stream.linear.scatter [tilespmem:s10], [sflag:$0xD], $0x1400, $0x38;
	[tilespmem:$0x1D200] =	vst v63  }
0x8d: {  	_ = 	snop  }
0x8e: {  	[spmem:s23] =	stream.linear.scatter [tilespmem:s10], [sflag:$0xD], $0x1400, $0x38;
	[tilespmem:$0x1D200] =	vst v63  }
0x8f: {  	_ =	swait.ge [sflag:s20], $0x1400  }
0x90: {  	[sflag:s20] =	ssyncset.done $0x0  }
0x91: {  	[sflag:s20] =	ssyncadd.s32 $0xFFFFEC00  }
0x92: {  	_ =	swait.ge [sflag:s20], $0x1400  }
0x93: {  	[sflag:s20] =	ssyncset.done $0x0  }
0x94: {  	[sflag:s20] =	ssyncadd.s32 $0xFFFFEC00  }
0x95: {  	_ =	swait.ge [sflag:s20], $0x1400  }
0x96: {  	[sflag:s20] =	ssyncset.done $0x0  }
0x97: {  	[sflag:s20] =	ssyncadd.s32 $0xFFFFEC00  }
0x98: {  	_ =	swait.ge [sflag:s20], $0x1400  }
0x99: {  	[sflag:s20] =	ssyncset.done $0x0  }
0x9a: {  	[sflag:s20] =	ssyncadd.s32 $0xFFFFEC00  }
0x9b: {  	_ =	swait.ge [sflag:s20], $0x1400  }
0x9c: {  	[sflag:s20] =	ssyncset.done $0x0  }
0x9d: {  	[sflag:s20] =	ssyncadd.s32 $0xFFFFEC00  }
0x9e: {  	_ =	swait.ge [sflag:s20], $0x1400  }
0x9f: {  	[sflag:s20] =	ssyncset.done $0x0  }
0xa0: {  	[sflag:s20] =	ssyncadd.s32 $0xFFFFEC00  }
0xa1: {  	_ =	swait.ge [sflag:s20], $0x1400  }
0xa2: {  	[sflag:s20] =	ssyncset.done $0x0  }
0xa3: {  	[sflag:s20] =	ssyncadd.s32 $0xFFFFEC00  }
0xa4: {  	_ =	swait.ge [sflag:s20], $0x1400  }
0xa5: {  	[sflag:s20] =	ssyncset.done $0x0  }
0xa6: {  	[sflag:s20] =	ssyncadd.s32 $0xFFFFEC00  }
0xa7: {  	_ =	swait.ge [sflag:s20], $0x1400  }
0xa8: {  	[sflag:s20] =	ssyncset.done $0x0  }
0xa9: {  	[sflag:s20] =	ssyncadd.s32 $0xFFFFEC00  }
0xaa: {  	_ =	swait.ge [sflag:s20], $0x1400  }
0xab: {  	[sflag:s20] =	ssyncset.done $0x0  }
0xac: {  	[sflag:s20] =	ssyncadd.s32 $0xFFFFEC00  }
0xad: {  	_ =	swait.ge [sflag:s20], $0x1400  }
0xae: {  	[sflag:s20] =	ssyncset.done $0x0  }
0xaf: {  	[sflag:s20] =	ssyncadd.s32 $0xFFFFEC00  }
0xb0: {  	_ =	swait.ge [sflag:s20], $0x1400  }
0xb1: {  	[sflag:s20] =	ssyncset.done $0x0  }
0xb2: {  	[sflag:s20] =	ssyncadd.s32 $0xFFFFEC00  }
0xb3: {  	_ =	swait.ge [sflag:s20], $0x1400  }
0xb4: {  	[sflag:s20] =	ssyncset.done $0x0  }
0xb5: {  	[sflag:s20] =	ssyncadd.s32 $0xFFFFEC00  }
0xb6: {  	_ =	swait.ge [sflag:s20], $0x1400  }
0xb7: {  	[sflag:s20] =	ssyncset.done $0x0  }
0xb8: {  	[sflag:s20] =	ssyncadd.s32 $0xFFFFEC00  }
0xb9: {  	_ =	swait.ge [sflag:s20], $0x1400  }
0xba: {  	[sflag:s20] =	ssyncset.done $0x0  }
0xbb: {  	[sflag:s20] =	ssyncadd.s32 $0xFFFFEC00  }
.Ltmp3:
0xbc: {  	_ =	swait.ge [sflag:s20], $0x1400;
	(pc) =	sbr.rel .LBB2_4-.Ltmp3, $4  }
0xbd: {  	[sflag:s20] =	ssyncset.done $0x0  }
0xbe: {  	[sflag:s20] =	ssyncadd.s32 $0xFFFFEC00  }
0xbf: {  	s2 =	simm.s32 $0x0;
	[bflag:$0x0] =	sbarrier.arrive $0xFFFF  }
0xc0: {  	s13 =	simm.s32 $0xFFFFFFFC;
	s17 =	simm.s32 $0x0;
	s16 =	rddreg [dreg:$0x11]  }
.LBB2_17:
0xc1: {  	s21 =	rddreg [dreg:$0x10]  }
0xc2: {  	s10 =	simm.s32 $0x14080;
	s22 =	rddreg [dreg:$0xf];
	s21 =	sadd.s32 s2, s21  }
0xc3: {  	[tilespmem:s10], [sflag:$0x8] =	stream.linear.gather [hbm4b:s21+s4], $0x50, $0x38;
	[tilespmem:$0x1D200] =	vst v63  }
0xc4: {  	s23 =	simm.s32 $0x14380;
	p2 =	por $0x1, $0x1;
	s21 =	sadd.s32 s2, s22  }
0xc5: {  	[tilespmem:s23], [sflag:$0x8] =	stream.linear.gather [hbm4b:s21+s4], $0x50, $0x38;
	[tilespmem:$0x1D200] =	vst v63  }
.LBB2_18:
0xc6: {  	_ =	swait.ge [sflag:s29], $0x50  }
0xc7: {  	[sflag:s29] =	ssyncset.done $0x0  }
0xc8: {  	[sflag:s29] =	ssyncadd.s32 $0xFFFFFFB0  }
0xc9: {  	_ =	swait.ge [sflag:s29], $0x50  }
0xca: {  	[sflag:s29] =	ssyncset.done $0x0  }
0xcb: {  	[sflag:s29] =	ssyncadd.s32 $0xFFFFFFB0  }
0xcc: {  	[tilespmem:s11], [sflag:$0x2] =	stream.indirect.gather [hbm4b:s0+s8], $0x80, s1, s8, $0xb8;
	[tilespmem:$0x1D200] =	vst v63  }
0xcd: {  	_ =	swait.ge [sflag:s6], $0x2800  }
0xce: {  	[sflag:s6] =	ssyncset.done $0x0  }
0xcf: {  	[sflag:s6] =	ssyncadd.s32 $0xFFFFD800  }
0xd0: {  	[spmem:s3] =	stream.indirect.scatter.add.f32 [tilespmem:s9], [sflag:$0x4], $0x80, s28, s8, $0xb8;
	[tilespmem:$0x1D200] =	vst v63  }
0xd1: {  	_ =	swait.ge [sflag:s31], $0x2800  }
0xd2: {  	s21 =	sadd.s32 @p2 s2, s25;
	[sflag:s31] =	ssyncset.done $0x0  }
0xd3: {  	s22 =	simm.s32 @p2 $0x0;
	s23 =	simm.s32 @p2 $0x14100;
	[sflag:s31] =	ssyncadd.s32 $0xFFFFD800  }
0xd4: {  	[tilespmem:s23], [sflag:$0x9] =	stream.linear.gather @p2 [hbm4b:s21+s22], $0x50, $0x38;
	[tilespmem:$0x1D200] =	vst v63  }
0xd5: {  	s21 =	sadd.s32 @p2 s2, s24;
	s23 =	simm.s32 @p2 $0x14400  }
0xd6: {  	[tilespmem:s23], [sflag:$0x9] =	stream.linear.gather @p2 [hbm4b:s21+s22], $0x50, $0x38;
	[tilespmem:$0x1D200] =	vst v63  }
0xd7: {  	s21 =	simm.s32 @p2 $0xC  }
0xd8: {  	_ =	swait.ge @p2 [sflag:s21], $0x50  }
0xd9: {  	[sflag:s21] =	ssyncset.done @p2 $0x0  }
0xda: {  	[sflag:s21] =	ssyncadd.s32 @p2 $0xFFFFFFB0  }
0xdb: {  	_ =	swait.ge @p2 [sflag:s21], $0x50  }
0xdc: {  	s17 =	sadd.s32 $0x1, s17;
	s22 =	simm.s32 @p2 $0x14280;
	[sflag:s21] =	ssyncset.done @p2 $0x0  }
0xdd: {  	s23 =	simm.s32 @p2 $0x19600;
	[sflag:s21] =	ssyncadd.s32 @p2 $0xFFFFFFB0;
	s21 =	simm.s32 @p2 $0x50  }
0xde: {  	[tilespmem:s23], [sflag:$0x3] =	stream.indirect.gather @p2 [hbm4b:s0+s21], $0x80, s22, s21, $0xb8;
	[tilespmem:$0x1D200] =	vst v63  }
0xdf: {  	p2 =	sne.s32 s17, $0x16  }
.Ltmp4:
0xe0: {  	_ = 	snop;
	(pc) =	sbr.rel @!p2 .LBB2_19-.Ltmp4, $4  }
0xe1: {  	_ =	swait.ge [sflag:s18], $0x2800  }
0xe2: {  	s16 =	sadd.s32 $0x1E0, s16;
	[sflag:s18] =	ssyncset.done $0x0  }
0xe3: {  	s13 =	sadd.s32 $0x6, s13;
	s2 =	sadd.s32 $0x3C, s2;
	[sflag:s18] =	ssyncadd.s32 $0xFFFFD800  }
0xe4: {  	[spmem:s3] =	stream.indirect.scatter.add.f32 [tilespmem:s11], [sflag:$0x5], $0x80, s5, s8, $0xb8;
	[tilespmem:$0x1D200] =	vst v63  }
.LBB2_4:
0xe5: {  	s21 =	sadd.s32 $0x1, s13;
	p3 =	seq.s32 s2, $0x4EC  }
.Ltmp5:
0xe6: {  	p2 =	sgt.u32 s21, $0x7C;
	(pc) =	sbr.rel @p3 .LBB2_21-.Ltmp5, $4  }
0xe7: {  	s21 =	simm.s32 @!p2 $0x4  }
0xe8: {  	_ =	swait.ge @!p2 [sflag:s21], $0x2800  }
0xe9: {  	[sflag:s21] =	ssyncset.done @!p2 $0x0  }
0xea: {  	[sflag:s21] =	ssyncadd.s32 @!p2 $0xFFFFD800  }
0xeb: {  	p2 =	sgt.u32 s13, $0x79  }
.Ltmp6:
0xec: {  	s10 =	rddreg [dreg:$0x16];
	(pc) =	sbr.rel @p2 .LBB2_7-.Ltmp6, $4  }
0xed: {  	s23 =	simm.s32 $0x14180;
	s22 =	rddreg [dreg:$0x15];
	s21 =	sadd.s32 s2, s10  }
0xee: {  	[tilespmem:s23], [sflag:$0xA] =	stream.linear.gather [hbm4b:s21+s4], $0x50, $0x38;
	[tilespmem:$0x1D200] =	vst v63  }
0xef: {  	s23 =	sadd.s32 s2, s22  }
0xf0: {  	[tilespmem:s28], [sflag:$0xA] =	stream.linear.gather [hbm4b:s23+s4], $0x50, $0x38;
	[tilespmem:$0x1D200] =	vst v63  }
0xf1: {  	_ =	swait.ge [sflag:s7], $0x50  }
0xf2: {  	[sflag:s7] =	ssyncset.done $0x0  }
.Ltmp7:
0xf3: {  	[sflag:s7] =	ssyncadd.s32 $0xFFFFFFB0;
	(pc) =	sbr.rel .LBB2_8-.Ltmp7, $4  }
0xf4: {  	_ =	swait.ge [sflag:s7], $0x50  }
0xf5: {  	[sflag:s7] =	ssyncset.done $0x0  }
0xf6: {  	s10 =	simm.s32 $0x14000;
	[sflag:s7] =	ssyncadd.s32 $0xFFFFFFB0  }
0xf7: {  	[tilespmem:s9], [sflag:$0x1] =	stream.indirect.gather [hbm4b:s0+s8], $0x80, s10, s8, $0xb8;
	[tilespmem:$0x1D200] =	vst v63  }
.LBB2_7:
0xf8: {  	s21 =	sadd.s32 $0x3, s13  }
0xf9: {  	p3 =	sgt.u32 s21, $0x7C  }
.Ltmp8:
0xfa: {  	_ = 	snop;
	(pc) =	sbr.rel @p3 .LBB2_9-.Ltmp8, $2  }
0xfb: {  	_ =	sdelay $0x2  }
0xfc: {  	p2 =	por $0x0, $0x0  }
.LBB2_8:
0xfd: {  	_ =	swait.ge [sflag:s30], $0x2800  }
0xfe: {  	[sflag:s30] =	ssyncset.done $0x0  }
0xff: {  	s10 =	simm.s32 $0x14580;
	p2 =	por $0x1, $0x1;
	[sflag:s30] =	ssyncadd.s32 $0xFFFFD800  }
0x100: {  	[spmem:s3] =	stream.indirect.scatter.add.f32 [tilespmem:s14], [sflag:$0x6], $0x80, s10, s8, $0xb8;
	[tilespmem:$0x1D200] =	vst v63  }
.LBB2_9:
0x101: {  	p3 =	seq.s32 s17, $0x0  }
0x102: {  	s21 =	simm.s32 @!p3 $0x5  }
0x103: {  	_ =	swait.ge @!p3 [sflag:s21], $0x2800  }
0x104: {  	[sflag:s21] =	ssyncset.done @!p3 $0x0;
	s10 =	rddreg [dreg:$0x14]  }
0x105: {  	[sflag:s21] =	ssyncadd.s32 @!p3 $0xFFFFD800;
	s10 =	sadd.s32 s2, s10  }
0x106: {  	[tilespmem:s1], [sflag:$0xB] =	stream.linear.gather [hbm4b:s10+s4], $0x50, $0x38;
	[tilespmem:$0x1D200] =	vst v63  }
0x107: {  	s22 =	rddreg [dreg:$0x13];
	s10 =	sadd.s32 $0xFFFFFFFF, s17  }
0x108: {  	s23 =	sadd.s32 s2, s22;
	p3 =	sgt.u32 s10, $0x13  }
0x109: {  	[tilespmem:s5], [sflag:$0xB] =	stream.linear.gather [hbm4b:s23+s4], $0x50, $0x38;
	[tilespmem:$0x1D200] =	vst v63  }
0x10a: {  	s21 =	simm.s32 @!p3 $0x8  }
0x10b: {  	_ =	swait.ge @!p3 [sflag:s21], $0x50  }
0x10c: {  	[sflag:s21] =	ssyncset.done @!p3 $0x0  }
0x10d: {  	[sflag:s21] =	ssyncadd.s32 @!p3 $0xFFFFFFB0  }
0x10e: {  	_ =	swait.ge @!p3 [sflag:s21], $0x50  }
0x10f: {  	s22 =	simm.s32 @!p3 $0x14080;
	[sflag:s21] =	ssyncset.done @!p3 $0x0  }
0x110: {  	s23 =	simm.s32 @!p3 $0x16E00;
	[sflag:s21] =	ssyncadd.s32 @!p3 $0xFFFFFFB0;
	s21 =	simm.s32 @!p3 $0x50  }
0x111: {  	[tilespmem:s23], [sflag:$0x2] =	stream.indirect.gather @!p3 [hbm4b:s0+s21], $0x80, s22, s21, $0xb8;
	[tilespmem:$0x1D200] =	vst v63  }
0x112: {  	_ =	swait.ge [sflag:s6], $0x2800  }
0x113: {  	[sflag:s6] =	ssyncset.done $0x0  }
0x114: {  	s22 =	simm.s32 $0x14300;
	s21 =	simm.s32 @p2 $0x6;
	[sflag:s6] =	ssyncadd.s32 $0xFFFFD800  }
0x115: {  	[spmem:s3] =	stream.indirect.scatter.add.f32 [tilespmem:s9], [sflag:$0x4], $0x80, s22, s8, $0xb8;
	[tilespmem:$0x1D200] =	vst v63  }
0x116: {  	_ =	swait.ge @p2 [sflag:s21], $0x2800  }
0x117: {  	[sflag:s21] =	ssyncset.done @p2 $0x0  }
0x118: {  	s10 =	rddreg [dreg:$0x12];
	[sflag:s21] =	ssyncadd.s32 @p2 $0xFFFFD800;
	p2 =	sgt.u32 s17, $0x13  }
0x119: {  	s21 =	sadd.s32 @!p2 s2, s10;
	s22 =	simm.s32 @!p2 $0x0;
	s23 =	simm.s32 @!p2 $0x14280  }
0x11a: {  	[tilespmem:s23], [sflag:$0xC] =	stream.linear.gather @!p2 [hbm4b:s21+s22], $0x50, $0x38;
	[tilespmem:$0x1D200] =	vst v63  }
0x11b: {  	s21 =	sadd.s32 @!p2 s2, s26;
	s23 =	simm.s32 @!p2 $0x14580  }
0x11c: {  	[tilespmem:s23], [sflag:$0xC] =	stream.linear.gather @!p2 [hbm4b:s21+s22], $0x50, $0x38;
	[tilespmem:$0x1D200] =	vst v63  }
0x11d: {  	s23 =	sadd.s32 $0x2, s13  }
0x11e: {  	p2 =	sgt.u32 s23, $0x79  }
.Ltmp9:
0x11f: {  	_ = 	snop;
	(pc) =	sbr.rel @p2 .LBB2_12-.Ltmp9, $1  }
0x120: {  	_ =	sdelay $0x3  }
0x121: {  	_ =	swait.ge [sflag:s12], $0x50  }
0x122: {  	p2 =	slt.u32 s17, $0x15;
	[sflag:s12] =	ssyncset.done $0x0  }
.Ltmp10:
0x123: {  	[sflag:s12] =	ssyncadd.s32 $0xFFFFFFB0;
	(pc) =	sbr.rel @p2 .LBB2_13-.Ltmp10, $4  }
0x124: {  	_ =	swait.ge [sflag:s12], $0x50  }
0x125: {  	[sflag:s12] =	ssyncset.done $0x0  }
0x126: {  	s10 =	simm.s32 $0x14100;
	[sflag:s12] =	ssyncadd.s32 $0xFFFFFFB0  }
0x127: {  	[tilespmem:s14], [sflag:$0x3] =	stream.indirect.gather [hbm4b:s0+s8], $0x80, s10, s8, $0xb8;
	[tilespmem:$0x1D200] =	vst v63  }
.LBB2_11:
.Ltmp11:
0x128: {  	(pc) =	sbr.rel .LBB2_14-.Ltmp11, $4  }
0x129: {  	_ = 	snop  }
0x12a: {  	_ =	swait.ge [sflag:s19], $0x2800  }
0x12b: {  	[sflag:s19] =	ssyncset.done $0x0  }
0x12c: {  	p3 =	por $0x0, $0x0;
	p2 =	por $0x0, $0x0;
	[sflag:s19] =	ssyncadd.s32 $0xFFFFD800  }
.LBB2_12:
0x12d: {  	p2 =	sgt.u32 s17, $0x14  }
.Ltmp12:
0x12e: {  	_ = 	snop;
	(pc) =	sbr.rel @p2 .LBB2_11-.Ltmp12, $1  }
0x12f: {  	_ =	sdelay $0x3  }
.LBB2_13:
0x130: {  	_ =	swait.ge [sflag:s18], $0x2800;
	p4 =	slt.u32 s17, $0x14  }
0x131: {  	s10 =	simm.s32 $0x14380;
	[sflag:s18] =	ssyncset.done $0x0;
	s21 =	sshrl.u32 @p4 s16, $0x3  }
0x132: {  	s23 =	simm.s32 @p4 $0x0;
	p2 =	por @p4 $0x1, $0x1;
	p3 =	por @p4 $0x1, $0x1  }
0x133: {  	[sflag:s18] =	ssyncadd.s32 $0xFFFFD800;
	p3 =	por @!p4 p1, p1;
	p2 =	por @!p4 p0, p0  }
0x134: {  	[spmem:s3] =	stream.indirect.scatter.add.f32 [tilespmem:s11], [sflag:$0x5], $0x80, s10, s8, $0xb8;
	[tilespmem:$0x1D200] =	vst v63  }
0x135: {  	s10 =	smov.u32 s26;
	s26 =	smov.u32 s25;
	_ =	swait.ge [sflag:s19], $0x2800  }
0x136: {  	s25 =	smov.u32 s24;
	[sflag:s19] =	ssyncset.done $0x0;
	s22 =	rddreg [dreg:$0x4]  }
0x137: {  	s24 =	simm.s32 @p4 $0x14000;
	[sflag:s19] =	ssyncadd.s32 $0xFFFFD800;
	s22 =	sadd.s32 @p4 s22, s21  }
0x138: {  	[tilespmem:s24], [sflag:$0x7] =	stream.linear.gather @p4 [hbm4b:s22+s23], $0x50, $0x38;
	[tilespmem:$0x1D200] =	vst v63  }
0x139: {  	s24 =	smov.u32 s25;
	s25 =	smov.u32 s26;
	s22 =	rddreg [dreg:$0x5]  }
0x13a: {  	s26 =	smov.u32 s10;
	s21 =	sadd.s32 @p4 s22, s21;
	s22 =	simm.s32 @p4 $0x14300  }
0x13b: {  	[tilespmem:s22], [sflag:$0x7] =	stream.linear.gather @p4 [hbm4b:s21+s23], $0x50, $0x38;
	[tilespmem:$0x1D200] =	vst v63  }
.LBB2_14:
0x13c: {  	_ =	swait.ge [sflag:s15], $0x50  }
0x13d: {  	[sflag:s15] =	ssyncset.done $0x0  }
0x13e: {  	[sflag:s15] =	ssyncadd.s32 $0xFFFFFFB0  }
0x13f: {  	_ =	swait.ge [sflag:s15], $0x50  }
0x140: {  	[sflag:s15] =	ssyncset.done $0x0  }
0x141: {  	s10 =	simm.s32 $0x14180;
	[sflag:s15] =	ssyncadd.s32 $0xFFFFFFB0  }
0x142: {  	[tilespmem:s9], [sflag:$0x1] =	stream.indirect.gather [hbm4b:s0+s8], $0x80, s10, s8, $0xb8;
	[tilespmem:$0x1D200] =	vst v63  }
.Ltmp13:
0x143: {  	_ = 	snop;
	(pc) =	sbr.rel @!p2 .LBB2_16-.Ltmp13, $4  }
0x144: {  	_ =	swait.ge [sflag:s30], $0x2800  }
0x145: {  	[sflag:s30] =	ssyncset.done $0x0  }
0x146: {  	s23 =	simm.s32 $0x14400;
	[sflag:s30] =	ssyncadd.s32 $0xFFFFD800  }
0x147: {  	[spmem:s3] =	stream.indirect.scatter.add.f32 [tilespmem:s14], [sflag:$0x6], $0x80, s23, s8, $0xb8;
	[tilespmem:$0x1D200] =	vst v63  }
.Ltmp14:
0x148: {  	(pc) =	sbr.rel @p3 .LBB2_17-.Ltmp14, $4  }
.Ltmp15:
0x149: {  	s10 =	simm.s32 $0x5;
	(pc) =	sbr.rel @!p3 .LBB2_18-.Ltmp15, $4  }
0x14a: {  	_ =	swait.ge [sflag:s10], $0x2800  }
0x14b: {  	[sflag:s10] =	ssyncset.done $0x0  }
0x14c: {  	p2 =	por $0x0, $0x0;
	[sflag:s10] =	ssyncadd.s32 $0xFFFFD800  }
0x14d: {  	_ = 	snop  }
.LBB2_16:
.Ltmp16:
0x14e: {  	(pc) =	sbr.rel @!p3 .LBB2_18-.Ltmp16, $4  }
.Ltmp17:
0x14f: {  	(pc) =	sbr.rel @p3 .LBB2_17-.Ltmp17, $4  }
0x150: {  	_ = 	snop  }
0x151: {  	_ = 	snop  }
0x152: {  	p2 =	por $0x0, $0x0  }
0x153: {  	_ = 	snop  }
.LBB2_20:
0x154: {  	_ =	sfence.sel $0x180000  }
0x155: {  	[bflag:$0x0] =	sbarrier.arrive $0xFFFF  }
0x156: {  	_ =	strace $0x90000047  }
0x157: {  	s0 =	stileid.u32;
	[bflag:$0x2] =	sbarrier.arrive $0xFFFF  }
0x158: {  	p0 =	sne.s32 s0, $0x0;
	s0 =	rddreg [dreg:$0x3]  }
0x159: {  	s0 =	sadd.s32 @!p0 $0x100000, s0  }
0x15a: {  	[sflag:s0] =	ssyncadd.tile.s32 @!p0 $0x1;
	_ =	shalt  }
.Lfunc_end2:
_tile_overlayer_lowered:
.L_overlay_start_2:
0x15b: {  	(tag) =	ssettag $0x2  }
0x15c: {  	s0 =	rddreg [dreg:$0x0];
	s2 =	stileid.u32  }
0x15d: {  	s1 =	rddreg [dreg:$0x1];
	p0 =	sne.s32 s2, $0x0  }
0x15e: {  	s3 =	rddreg [dreg:$0x2];
	[bflag:$0x3] =	sbarrier.arrive $0xFFFF;
	s2 =	simm.s32 @!p0 $0x1C0E  }
0x15f: {  	[timem:s3], [sflag:s2] =	dma.local @!p0 [hbm:s0], s1  }
0x160: {  	s0 =	simm.s32 @!p0 $0xE  }
0x161: {  	_ =	swait.ge @!p0 [sflag:s0], s1  }
0x162: {  	s1 =	ssub.s32 @!p0 $0x0, s1;
	[sflag:s0] =	ssyncset.done @!p0 $0x0  }
0x163: {  	[sflag:s0] =	ssyncadd.s32 @!p0 s1  }
0x164: {  	[bflag:$0x3] =	sbarrier.arrive $0xFFFF  }
0x165: {  	_ =	shalt  }

// kernel: sc_edge_agg.7.cloned.1.call-start
scs
__scs_entry_jumppad:
0x0: {  	(pc) =	sbr.rel $0x88, $3  }
0x1: {  	(tag) =	ssettag $0x0;
	lr =	simm.s32 $0x1  }
0x2: {  	[smem:$0x3F96] =	sst lr;
	_ =	strace $0xD0000000  }
0x3: {  	_ = 	snop  }
0x4: {  	_ = 	snop  }
0x5: {  	_ = 	snop  }
0x6: {  	_ = 	snop  }
0x7: {  	_ = 	snop  }
__scs_overlays_trampoline_lowered:
0x8: {  	[smem:$0x3FA5] =	sst s0  }
0x9: {  	[smem:$0x3FA6] =	sst s1  }
0xa: {  	[smem:$0x3FA7] =	sst s2  }
0xb: {  	[smem:$0x3FA8] =	sst s3  }
0xc: {  	[smem:$0x3FA9] =	sst s4  }
0xd: {  	[smem:$0x3FAA] =	sst s5  }
0xe: {  	[smem:$0x3FAB] =	sst s6  }
0xf: {  	[smem:$0x3FAC] =	sst s7  }
0x10: {  	[smem:$0x3FAD] =	sst s8  }
0x11: {  	[smem:$0x3FAE] =	sst s9;
	s0 =	simm.s32 @!p0 $0x0  }
0x12: {  	s1 =	sld [smem:$0x3F94];
	s0 =	simm.s32 @p0 $0x1  }
0x13: {  	[smem:$0x3FAF] =	sst s0;
	s0 =	simm.s32 @!p1 $0x0  }
0x14: {  	s2 =	sld [smem:$0x3F93];
	s0 =	simm.s32 @p1 $0x1  }
0x15: {  	[smem:$0x3FB0] =	sst s0;
	s0 =	simm.s32 @!p2 $0x0  }
0x16: {  	s3 =	sld [smem:$0x3FDB];
	s0 =	simm.s32 @p2 $0x1  }
0x17: {  	s4 =	simm.s32 $0x1BF5;
	[smem:$0x3FB2] =	sst s0  }
0x18: {  	s0 =	sld [smem:$0x3F95];
	_ =	swait.ge [sflag:s4], $0x0  }
0x19: {  	s7 =	sld [smem:$0x3F96]  }
0x1a: {  	s8 =	sadd.s32 $0xFFFFE003, lr  }
0x1b: {  	s9 =	sadd.s32 $0xFFFFFEF7, lr;
	s5 =	simm.s32 $0xFFFFFFFF;
	p2 =	slt.u32 s8, $0xFFFFF086  }
0x1c: {  	p1 =	slt.u32 s9, $0xF7A;
	s5 =	simm.s32 @!p2 $0x0  }
0x1d: {  	s5 =	simm.s32 @p1 $0x1;
	p0 =	seq.s32 s7, s2  }
0x1e: {  	s7 =	smul.u32 @!p0 $0xF7A, s2;
	p2 =	seq.s32 @!p0 s5, $0x0  }
0x1f: {  	s9 =	smul.u32 $0xF7A, s1;
	s8 =	simm.s32 @!p0 $0x1BF5;
	p2 =	por !p2, p0  }
0x20: {  	[sflag:s8] =	ssyncset.s32 @!p0 $0xFFFFF086;
	s6 =	sadd.s32 @!p0 s3, s7;
	s7 =	simm.s32 @!p0 $0x108  }
0x21: {  	s3 =	sadd.s32 s3, s9;
	s6 =	sadd.s32 @!p0 $0x88, s6;
	s7 =	simm.s32 @p2 $0x1082  }
0x22: {  	[simem:s7], [sflag:s8] =	dma.local @!p0 [hbm:s6], $0xF7A  }
0x23: {  	s9 =	sor.u32 $0xD0000000, s2;
	s6 =	simm.s32 $0x108;
	_ =	swait.ge @!p0 [sflag:s8], $0x0  }
0x24: {  	s3 =	sadd.s32 $0x88, s3;
	s6 =	simm.s32 @!p1 $0x1082;
	[sflag:s4] =	ssyncset.s32 $0xFFFFF086  }
0x25: {  	[simem:s6], [sflag:s4] =	dma.local [hbm:s3], $0xF7A  }
0x26: {  	[smem:$0x3F96] =	sst s1;
	(tag) =	ssettag s2;
	_ =	strace s9  }
0x27: {  	s1 =	sld [smem:$0x3FA6]  }
0x28: {  	s2 =	sld [smem:$0x3FA7]  }
0x29: {  	s4 =	sld [smem:$0x3FA9]  }
0x2a: {  	p0 =	seq.s32 s5, $0x0;
	s5 =	sld [smem:$0x3FAA]  }
0x2b: {  	s6 =	sld [smem:$0x3FAB]  }
0x2c: {  	s7 =	sld [smem:$0x3FAC]  }
0x2d: {  	s3 =	simm.s32 $0x108;
	s8 =	sld [smem:$0x3FAD]  }
0x2e: {  	s3 =	simm.s32 @!p0 $0x1082;
	s9 =	sld [smem:$0x3FAE]  }
0x2f: {  	lr =	sadd.s32 s0, s3;
	s0 =	sld [smem:$0x3FA5]  }
0x30: {  	s3 =	sld [smem:$0x3FA8]  }
0x31: {  	[smem:$0x3FB1] =	sst s10  }
0x32: {  	s10 =	sld [smem:$0x3FAF];
	_ =	sdelay $0x3  }
0x33: {  	p0 =	seq.s32 s10, $0x1;
	s10 =	sld [smem:$0x3FB1];
	_ =	sdelay $0x3  }
0x34: {  	[smem:$0x3FB1] =	sst s10  }
0x35: {  	s10 =	sld [smem:$0x3FB0];
	_ =	sdelay $0x3  }
0x36: {  	p1 =	seq.s32 s10, $0x1;
	s10 =	sld [smem:$0x3FB1];
	_ =	sdelay $0x3  }
0x37: {  	[smem:$0x3FB1] =	sst s10  }
0x38: {  	s10 =	sld [smem:$0x3FB2]  }
0x39: {  	_ = 	snop;
	(pc) =	sbr.ind lr, $3  }
0x3a: {  	_ = 	snop  }
0x3b: {  	_ = 	snop  }
0x3c: {  	p2 =	seq.s32 s10, $0x1;
	s10 =	sld [smem:$0x3FB1]  }
0x3d: {  	_ =	shalt  }
0x3e: {  	_ =	shalt  }
0x3f: {  	_ =	shalt  }
0x40: {  	_ =	shalt  }
0x41: {  	_ =	shalt  }
0x42: {  	_ =	shalt  }
0x43: {  	_ =	shalt  }
0x44: {  	_ =	shalt  }
0x45: {  	_ =	shalt  }
0x46: {  	_ =	shalt  }
0x47: {  	_ =	shalt  }
0x48: {  	_ =	shalt  }
0x49: {  	_ =	shalt  }
0x4a: {  	_ =	shalt  }
0x4b: {  	_ =	shalt  }
0x4c: {  	_ =	shalt  }
0x4d: {  	_ =	shalt  }
0x4e: {  	_ =	shalt  }
0x4f: {  	_ =	shalt  }
0x50: {  	_ =	shalt  }
0x51: {  	_ =	shalt  }
0x52: {  	_ =	shalt  }
0x53: {  	_ =	shalt  }
0x54: {  	_ =	shalt  }
0x55: {  	_ =	shalt  }
0x56: {  	_ =	shalt  }
0x57: {  	_ =	shalt  }
0x58: {  	_ =	shalt  }
0x59: {  	_ =	shalt  }
0x5a: {  	_ =	shalt  }
0x5b: {  	_ =	shalt  }
0x5c: {  	_ =	shalt  }
0x5d: {  	_ =	shalt  }
0x5e: {  	_ =	shalt  }
0x5f: {  	_ =	shalt  }
0x60: {  	_ =	shalt  }
0x61: {  	_ =	shalt  }
0x62: {  	_ =	shalt  }
0x63: {  	_ =	shalt  }
0x64: {  	_ =	shalt  }
0x65: {  	_ =	shalt  }
0x66: {  	_ =	shalt  }
0x67: {  	_ =	shalt  }
0x68: {  	_ =	shalt  }
0x69: {  	_ =	shalt  }
0x6a: {  	_ =	shalt  }
0x6b: {  	_ =	shalt  }
0x6c: {  	_ =	shalt  }
0x6d: {  	_ =	shalt  }
0x6e: {  	_ =	shalt  }
0x6f: {  	_ =	shalt  }
0x70: {  	_ =	shalt  }
0x71: {  	_ =	shalt  }
0x72: {  	_ =	shalt  }
0x73: {  	_ =	shalt  }
0x74: {  	_ =	shalt  }
0x75: {  	_ =	shalt  }
0x76: {  	_ =	shalt  }
0x77: {  	_ =	shalt  }
0x78: {  	_ =	shalt  }
0x79: {  	_ =	shalt  }
0x7a: {  	_ =	shalt  }
0x7b: {  	_ =	shalt  }
0x7c: {  	_ =	shalt  }
0x7d: {  	_ =	shalt  }
0x7e: {  	_ =	shalt  }
0x7f: {  	_ =	shalt  }
0x80: {  	_ =	shalt  }
0x81: {  	_ =	shalt  }
0x82: {  	_ =	shalt  }
0x83: {  	_ =	shalt  }
0x84: {  	_ =	shalt  }
0x85: {  	_ =	shalt  }
0x86: {  	_ =	shalt  }
0x87: {  	_ =	shalt  }
.Lfunc_end0:
.L_simem_size_0:
called_computation.1_lowered:
.L_overlay_start_0:
0x88: {  	s2 =	sld [smem:$0x3FD9]  }
0x89: {  	s3 =	sld [smem:$0x3FFE];
	_ =	sdelay $0x1  }
0x8a: {  	s1 =	srdreg.scid  }
0x8b: {  	s0 =	sand.u32 $0x1, s1  }
0x8c: {  	s16 =	sshll.u32 s0, $0xA;
	s2 =	sadd.s32 s3, s2  }
0x8d: {  	s2 =	sadd.s32 s2, s16  }
0x8e: {  	[smem:$0x3FBD] =	sst s2  }
0x8f: {  	_ = 	snop  }
0x90: {  	(tm) =	ssettm $0x1  }
0x91: {  	s17 =	sld [smem:$0x3FFB];
	_ =	sdelay $0x3  }
0x92: {  	_ =	strace s17  }
0x93: {  	s2 =	sld [smem:$0x3FFC];
	_ =	sdelay $0x3  }
0x94: {  	_ =	strace s2  }
0x95: {  	s2 =	sld [smem:$0x3FFD];
	_ =	sdelay $0x3  }
0x96: {  	_ =	strace s2  }
0x97: {  	_ =	strace $0x8FFFFFFF  }
0x98: {  	s18 =	sld [smem:$0x3FDB];
	_ =	sdelay $0x1  }
0x99: {  	s19 =	simm.s32 $_scs_section_size  }
0x9a: {  	s4 =	simm.s32 $_size__tile_overlayer_lowered;
	s5 =	simm.s32 $_tile_overlayer_lowered  }
0x9b: {  	s22 =	simm.s32 $0x1BFF;
	s21 =	sshll.u32 s5, $0x1;
	s2 =	sadd.s32 s19, s18  }
0x9c: {  	s6 =	simm.s32 $0x0;
	s20 =	sshll.u32 s4, $0x1;
	s4 =	sadd.s32 s21, s2  }
0x9d: {  	[timem:s6], [sflag:s22] =	dma.local [hbm:s4], s20  }
0x9e: {  	_ =	swait.ge [sflag:s22], s20  }
0x9f: {  	s3 =	ssub.s32 $0x0, s20;
	[sflag:s22] =	ssyncset.done $0x0  }
0xa0: {  	[sflag:s22] =	ssyncadd.s32 s3;
	_ =	sdelay $0x1  }
0xa1: {  	s23 =	simm.s32 $0x1B8B  }
0xa2: {  	_ =	swait.ge [sflag:s23], $0x1  }
0xa3: {  	[sflag:s23] =	ssyncset.done $0x0  }
0xa4: {  	s25 =	simm.s32 $0x1B8E;
	s24 =	sld [smem:$0x3FFE];
	[sflag:s23] =	ssyncadd.s32 $0xFFFFFFFF  }
0xa5: {  	s26 =	simm.s32 $execute0_lowered;
	[smem:$0x3FD2] =	sst s25  }
0xa6: {  	s4 =	sshll.u32 s26, $0x1;
	_ =	strace $0x80000049;
	[dreg:$0x1] =	wrdreg $0xFFFFFFFF  }
0xa7: {  	s28 =	simm.s32 $_size_execute0_lowered;
	s2 =	sadd.s32 s2, s4;
	[dreg:$0x0] =	wrdreg $0x0  }
0xa8: {  	s4 =	sshll.u32 s28, $0x1;
	[dreg:$0x2] =	wrdreg s2  }
0xa9: {  	[dreg:$0x3] =	wrdreg s4  }
0xaa: {  	[dreg:$0x4] =	wrdreg $0xC0  }
0xab: {  	_ =	task [dreg:s6], $0x5FFFF  }
0xac: {  	[dreg:$0x1] =	wrdreg $0xFFFFFFFF  }
0xad: {  	[dreg:$0x0] =	wrdreg $0x60  }
0xae: {  	[dreg:$0x2] =	wrdreg s24  }
0xaf: {  	[dreg:$0x3] =	wrdreg $0x0  }
0xb0: {  	[dreg:$0x4] =	wrdreg $0x9  }
0xb1: {  	_ =	task.clear_ibuf [dreg:s6], $0x5FFFF;
	_ =	strace $0x90000049  }
0xb2: {  	s29 =	simm.s32 $0x9;
	_ =	strace $0x8000004B  }
0xb3: {  	_ =	swait.ge [sflag:s29], $0x1  }
0xb4: {  	[sflag:s29] =	ssyncadd.s32 $0xFFFFFFFF  }
0xb5: {  	_ =	strace $0x9000004B  }
0xb6: {  	_ =	sfence  }
0xb7: {  	s30 =	sld [smem:$0x0];
	_ =	sdelay $0x2  }
0xb8: {  	s31 =	sshll.u32 s1, $0xD;
	s1 =	sshrl.u32 s1, $0x2  }
0xb9: {  	s3 =	sand.u32 $0x4000, s31;
	s1 =	sadd.s32 s1, s30  }
0xba: {  	s0 =	sor.u32 s3, s0;
	s1 =	sshll.u32 s1, $0x11  }
0xbb: {  	s0 =	sor.u32 s1, s0  }
0xbc: {  	s0 =	sadd.s32 $0x8F2B, s0  }
0xbd: {  	[sflag:s0] =	ssyncadd.remote.s32 $0x1  }
0xbe: {  	_ =	sfence.sel $0xFFFF  }
0xbf: {  	[dreg:$0x0] =	wrdreg $0xFFFFFFFF;
	(pc) =	sbr.abs _section_cstart, $3  }
0xc0: {  	[dreg:$0x1] =	wrdreg $0xFFFFFFFF  }
0xc1: {  	_ =	task.clear_ibuf [dreg:s6], $0x2FFFF;
	_ =	strace $0x9FFFFFFF  }
0xc2: {  	(tm) =	ssettm $0x7FFFFFFF  }
0xc3: {  	_ =	shalt  }
tec
execute0_lowered:
.L_overlay_start_1:
0x0: {  	(tag) =	ssettag $0x1  }
0x1: {  	s0 =	rddreg [dreg:$0x0]  }
0x2: {  	s1 =	rddreg [dreg:$0x1];
	s2 =	srdreg.scid;
	s3 =	simm.s32 $0x0  }
0x3: {  	s9 =	stileid.u32;
	p0 =	por $0x1, $0x1;
	p1 =	por $0x0, $0x0  }
0x4: {  	s28 =	simm.s32 $0x14480;
	s30 =	simm.s32 $0x3;
	s29 =	simm.s32 $0xB  }
0x5: {  	s2 =	sand.u32 $0x1, s2;
	[smem:$0x7FF] =	sst s3;
	s6 =	smul.u32 $0x14000, s9  }
0x6: {  	s4 =	sadd.s32 $0x16000, s0;
	s10 =	sadd.s32 $0xC200, s0;
	s8 =	smul.u32 $0x50000, s9  }
0x7: {  	s11 =	sadd.s32 $0x2400, s0;
	s5 =	smul.u32 $0x140000, s2;
	_ =	strace $0x8000004A  }
0x8: {  	s7 =	sshll.u32 s2, $0x4;
	s22 =	ssub.s32 $0x2, s2;
	[dreg:$0x4] =	wrdreg s11  }
0x9: {  	s2 =	smul.u32 $0x27100, s2;
	[dreg:$0x3] =	wrdreg s10;
	s21 =	sor.u32 s9, s7  }
0xa: {  	s23 =	sshrl.u32 s22, $0x1;
	s9 =	smul.u32 $0x2710, s9;
	s13 =	sshrl.u32 s8, $0x2  }
0xb: {  	s5 =	sadd.s32 s6, s5;
	s6 =	smul.u32 $0x2710, s21;
	s16 =	sadd.s32 s13, s1  }
0xc: {  	s5 =	sshrl.u32 s5, $0x3;
	s8 =	sadd.s32 $0x1400, s16;
	[dreg:$0xb] =	wrdreg s16  }
0xd: {  	s2 =	sadd.s32 s9, s2;
	s9 =	sadd.s32 $0x2800, s16;
	[dreg:$0x16] =	wrdreg s8  }
0xe: {  	s13 =	sadd.s32 $0x7800, s16;
	s0 =	sadd.s32 s5, s0;
	[dreg:$0x17] =	wrdreg s9  }
0xf: {  	s6 =	sshrl.u32 s6, $0x3;
	s21 =	sadd.s32 $0x1E0, s2;
	[dreg:$0x1b] =	wrdreg s13  }
0x10: {  	s5 =	ssub.s32 s22, s23;
	s24 =	sadd.s32 s10, s6;
	[dreg:$0x10] =	wrdreg s21  }
0x11: {  	s14 =	sadd.s32 $0x280, s2;
	s25 =	sadd.s32 s11, s6;
	[dreg:$0x5] =	wrdreg s24  }
0x12: {  	s17 =	sadd.s32 $0x230, s2;
	s0 =	sadd.s32 $0x3D200, s0;
	[dreg:$0x6] =	wrdreg s25  }
0x13: {  	s22 =	sadd.s32 $0x140, s2;
	s5 =	smax.u32 s5, $0x1;
	[dreg:$0xc] =	wrdreg s0  }
0x14: {  	s15 =	sshrl.u32 s14, $0x3;
	s14 =	sadd.s32 $0x8C00, s16;
	[dreg:$0xd] =	wrdreg s5  }
0x15: {  	s18 =	sshrl.u32 s17, $0x3;
	s17 =	sadd.s32 $0xB400, s16;
	[dreg:$0x1c] =	wrdreg s14  }
0x16: {  	s26 =	sadd.s32 $0xA, s6;
	s21 =	sadd.s32 $0x10400, s16;
	[dreg:$0x1e] =	wrdreg s17  }
0x17: {  	s23 =	sshrl.u32 s22, $0x3;
	s22 =	sadd.s32 $0x11800, s16;
	[smem:$0x7FB] =	sst s21  }
0x18: {  	s31 =	simm.s32 $0x6;
	s12 =	sadd.s32 s10, s26;
	[smem:$0x7FC] =	sst s22  }
0x19: {  	s20 =	sadd.s32 $0x190, s2;
	s7 =	sadd.s32 s11, s26;
	[dreg:$0x7] =	wrdreg s12  }
0x1a: {  	s2 =	sadd.s32 $0xF0, s2;
	s19 =	sadd.s32 s18, s11;
	[dreg:$0x8] =	wrdreg s7  }
0x1b: {  	s24 =	sadd.s32 s15, s11;
	s5 =	sadd.s32 s18, s10;
	[dreg:$0xe] =	wrdreg s19  }
0x1c: {  	s25 =	sadd.s32 s15, s10;
	s15 =	sadd.s32 $0xA000, s16;
	[dreg:$0xf] =	wrdreg s5  }
0x1d: {  	s6 =	sadd.s32 $0x14, s6;
	s18 =	sadd.s32 $0xC800, s16;
	[dreg:$0x1d] =	wrdreg s15  }
0x1e: {  	s0 =	sshrl.u32 s20, $0x3;
	s20 =	sadd.s32 $0xF000, s16;
	[dreg:$0x1f] =	wrdreg s18  }
0x1f: {  	s8 =	simm.s32 $0x50;
	s12 =	sadd.s32 s10, s6;
	[smem:$0x7FA] =	sst s20  }
0x20: {  	s9 =	simm.s32 $0x14600;
	s6 =	sadd.s32 s11, s6;
	[dreg:$0x9] =	wrdreg s12  }
0x21: {  	s26 =	sadd.s32 s0, s11;
	s0 =	sadd.s32 s0, s10;
	[dreg:$0xa] =	wrdreg s6  }
0x22: {  	s2 =	sshrl.u32 s2, $0x3;
	s5 =	sadd.s32 s23, s11;
	[dreg:$0x11] =	wrdreg s0  }
0x23: {  	s13 =	simm.s32 $0x0;
	s7 =	sadd.s32 s2, s10;
	[dreg:$0x12] =	wrdreg s5  }
0x24: {  	s14 =	simm.s32 $0x19600;
	s19 =	sadd.s32 $0xDC00, s16;
	[dreg:$0x15] =	wrdreg s7  }
0x25: {  	s20 =	simm.s32 $0xD;
	s0 =	sadd.s32 s23, s10;
	[smem:$0x7F9] =	sst s19  }
0x26: {  	s18 =	simm.s32 $0x2;
	s6 =	sadd.s32 s2, s11;
	[dreg:$0x13] =	wrdreg s0  }
0x27: {  	s15 =	simm.s32 $0xA;
	s10 =	sadd.s32 $0x3C00, s16;
	[dreg:$0x14] =	wrdreg s6  }
.Ltmp0:
0x28: {  	s11 =	sadd.s32 $0x5000, s16;
	[dreg:$0x18] =	wrdreg s10;
	(pc) =	sbr.rel .LBB2_1-.Ltmp0, $4  }
0x29: {  	s12 =	sadd.s32 $0x6400, s16;
	s23 =	sadd.s32 $0x12C00, s16;
	[dreg:$0x19] =	wrdreg s11  }
0x2a: {  	s7 =	simm.s32 $0x7;
	s5 =	simm.s32 $0x14500;
	[dreg:$0x1a] =	wrdreg s12  }
0x2b: {  	s19 =	simm.s32 $0x4;
	[smem:$0x7FD] =	sst s23;
	s11 =	simm.s32 $0x16E00  }
0x2c: {  	v0 =	vimm.f32 $0.0e+00;
	s12 =	simm.s32 $0x9;
	s0 =	simm.s32 $0x14200;
	s6 =	simm.s32 $0x1  }
.LBB2_21:
0x2d: {  	s2 =	simm.s32 $0x5  }
0x2e: {  	_ =	swait.ge [sflag:s2], $0x2800  }
0x2f: {  	[sflag:s2] =	ssyncset.done $0x0  }
0x30: {  	[sflag:s2] =	ssyncadd.s32 $0xFFFFD800  }
.LBB2_19:
0x31: {  	s2 =	stileid.u32;
	[bflag:$0x0] =	sbarrier.arrive $0xFFFF  }
0x32: {  	s10 =	simm.s32 $0xE;
	s2 =	sshll.u32 s2, $0x6;
	s16 =	rddreg [dreg:$0xb]  }
0x33: {  	s17 =	rddreg [dreg:$0xc];
	s2 =	sor.u32 $0x1C0E, s2;
	s13 =	sshrl.u32 s16, $0x3  }
0x34: {  	[hbm:s17], [sflag:s2] =	dma.local [spmem:s13], $0x2800  }
0x35: {  	_ =	swait.ge [sflag:s10], $0x2800  }
0x36: {  	s22 =	sld [smem:$0x7F8];
	_ =	sdelay $0x2  }
0x37: {  	s23 =	rddreg [dreg:$0xd];
	s13 =	sadd.s32 $0x1, s22  }
0x38: {  	p2 =	sne.s32 s13, s23  }
.Ltmp1:
0x39: {  	_ = 	snop;
	(pc) =	sbr.rel @!p2 .LBB2_20-.Ltmp1, $3  }
0x3a: {  	_ =	sdelay $0x1  }
0x3b: {  	[sflag:s10] =	ssyncset.done $0x0  }
0x3c: {  	[sflag:s10] =	ssyncadd.s32 $0xFFFFD800  }
.LBB2_1:
0x3d: {  	[smem:$0x7F8] =	sst s13  }
0x3e: {  	s2 =	rddreg [dreg:$0x5];
	s10 =	simm.s32 $0x14000  }
0x3f: {  	[tilespmem:s10], [sflag:$0x7] =	stream.linear.gather [hbm4b:s2+s3], $0x50, $0x38;
	[tilespmem:$0x1D200] =	vst v63  }
0x40: {  	s17 =	rddreg [dreg:$0x6];
	s21 =	simm.s32 $0x14300  }
0x41: {  	[tilespmem:s21], [sflag:$0x7] =	stream.linear.gather [hbm4b:s17+s3], $0x50, $0x38;
	[tilespmem:$0x1D200] =	vst v63  }
0x42: {  	s22 =	rddreg [dreg:$0x7];
	s13 =	simm.s32 $0x14080  }
0x43: {  	[tilespmem:s13], [sflag:$0x8] =	stream.linear.gather [hbm4b:s22+s3], $0x50, $0x38;
	[tilespmem:$0x1D200] =	vst v63  }
0x44: {  	s23 =	rddreg [dreg:$0x8];
	s17 =	simm.s32 $0x14380  }
0x45: {  	[tilespmem:s17], [sflag:$0x8] =	stream.linear.gather [hbm4b:s23+s3], $0x50, $0x38;
	[tilespmem:$0x1D200] =	vst v63  }
0x46: {  	s21 =	rddreg [dreg:$0x9];
	s17 =	simm.s32 $0x14100  }
0x47: {  	[tilespmem:s17], [sflag:$0x9] =	stream.linear.gather [hbm4b:s21+s3], $0x50, $0x38;
	[tilespmem:$0x1D200] =	vst v63  }
0x48: {  	s22 =	rddreg [dreg:$0xa];
	s21 =	simm.s32 $0x14400  }
0x49: {  	[tilespmem:s21], [sflag:$0x9] =	stream.linear.gather [hbm4b:s22+s3], $0x50, $0x38;
	[tilespmem:$0x1D200] =	vst v63  }
0x4a: {  	_ =	swait.ge [sflag:s7], $0x50  }
0x4b: {  	[sflag:s7] =	ssyncset.done $0x0  }
0x4c: {  	[sflag:s7] =	ssyncadd.s32 $0xFFFFFFB0  }
0x4d: {  	_ =	swait.ge [sflag:s7], $0x50  }
0x4e: {  	[sflag:s7] =	ssyncset.done $0x0  }
0x4f: {  	s23 =	simm.s32 $0x8;
	[sflag:s7] =	ssyncadd.s32 $0xFFFFFFB0  }
0x50: {  	[tilespmem:s9], [sflag:$0x1] =	stream.indirect.gather [hbm4b:s4+s8], $0x80, s10, s8, $0xb8;
	[tilespmem:$0x1D200] =	vst v63  }
0x51: {  	_ =	swait.ge [sflag:s23], $0x50  }
0x52: {  	[sflag:s23] =	ssyncset.done $0x0  }
0x53: {  	[sflag:s23] =	ssyncadd.s32 $0xFFFFFFB0  }
0x54: {  	_ =	swait.ge [sflag:s23], $0x50  }
0x55: {  	[sflag:s23] =	ssyncset.done $0x0  }
0x56: {  	[sflag:s23] =	ssyncadd.s32 $0xFFFFFFB0  }
0x57: {  	[tilespmem:s11], [sflag:$0x2] =	stream.indirect.gather [hbm4b:s4+s8], $0x80, s13, s8, $0xb8;
	[tilespmem:$0x1D200] =	vst v63  }
0x58: {  	_ =	swait.ge [sflag:s12], $0x50  }
0x59: {  	[sflag:s12] =	ssyncset.done $0x0  }
0x5a: {  	[sflag:s12] =	ssyncadd.s32 $0xFFFFFFB0  }
0x5b: {  	_ =	swait.ge [sflag:s12], $0x50  }
0x5c: {  	[sflag:s12] =	ssyncset.done $0x0  }
0x5d: {  	s2 =	simm.s32 $0x0;
	s13 =	simm.s32 $0x200;
	[sflag:s12] =	ssyncadd.s32 $0xFFFFFFB0  }
0x5e: {  	[tilespmem:s14], [sflag:$0x3] =	stream.indirect.gather [hbm4b:s4+s8], $0x80, s17, s8, $0xb8;
	[tilespmem:$0x1D200] =	vst v63  }
.LBB2_2:
0x5f: {  	p2 =	sne.s32 s13, $0x4E00;
	[tilespmem:s2+$0x1BE70] =	vst v0  }
0x60: {  	[tilespmem:s2+$0x1BE00] =	vst v0  }
0x61: {  	[tilespmem:s2+$0x1BE10] =	vst v0  }
.Ltmp2:
0x62: {  	[tilespmem:s2+$0x1BE20] =	vst v0;
	(pc) =	sbr.rel @p2 .LBB2_2-.Ltmp2, $4  }
0x63: {  	[tilespmem:s2+$0x1BE30] =	vst v0  }
0x64: {  	[tilespmem:s2+$0x1BE40] =	vst v0  }
0x65: {  	[tilespmem:s2+$0x1BE50] =	vst v0  }
0x66: {  	[tilespmem:s2+$0x1BE60] =	vst v0;
	s2 =	sshra.s32 s13, $0x2;
	s13 =	sadd.s32 $0x200, s13  }
0x67: {  	[tilespmem:s2+$0x1BE70] =	vst v0  }
0x68: {  	[tilespmem:s2+$0x1BE00] =	vst v0  }
0x69: {  	[tilespmem:s2+$0x1BE10] =	vst v0  }
0x6a: {  	[tilespmem:s2+$0x1BE20] =	vst v0  }
0x6b: {  	[tilespmem:s2+$0x1BE30] =	vst v0  }
0x6c: {  	[tilespmem:s2+$0x1BE40] =	vst v0  }
0x6d: {  	[tilespmem:s2+$0x1BE50] =	vst v0  }
0x6e: {  	[tilespmem:s2+$0x1BE60] =	vst v0;
	s10 =	simm.s32 $0x1BE00;
	s21 =	rddreg [dreg:$0x16]  }
0x6f: {  	[spmem:s16] =	stream.linear.scatter [tilespmem:s10], [sflag:$0xD], $0x1400, $0x38;
	[tilespmem:$0x1D200] =	vst v63  }
0x70: {  	s22 =	rddreg [dreg:$0x17]  }
0x71: {  	[spmem:s21] =	stream.linear.scatter [tilespmem:s10], [sflag:$0xD], $0x1400, $0x38;
	[tilespmem:$0x1D200] =	vst v63  }
0x72: {  	s23 =	rddreg [dreg:$0x18]  }
0x73: {  	[spmem:s22] =	stream.linear.scatter [tilespmem:s10], [sflag:$0xD], $0x1400, $0x38;
	[tilespmem:$0x1D200] =	vst v63  }
0x74: {  	s13 =	rddreg [dreg:$0x19]  }
0x75: {  	[spmem:s23] =	stream.linear.scatter [tilespmem:s10], [sflag:$0xD], $0x1400, $0x38;
	[tilespmem:$0x1D200] =	vst v63  }
0x76: {  	s17 =	rddreg [dreg:$0x1b]  }
0x77: {  	[spmem:s13] =	stream.linear.scatter [tilespmem:s10], [sflag:$0xD], $0x1400, $0x38;
	[tilespmem:$0x1D200] =	vst v63  }
0x78: {  	s16 =	rddreg [dreg:$0x1a]  }
0x79: {  	[spmem:s16] =	stream.linear.scatter [tilespmem:s10], [sflag:$0xD], $0x1400, $0x38;
	[tilespmem:$0x1D200] =	vst v63  }
0x7a: {  	s21 =	rddreg [dreg:$0x1c]  }
0x7b: {  	[spmem:s17] =	stream.linear.scatter [tilespmem:s10], [sflag:$0xD], $0x1400, $0x38;
	[tilespmem:$0x1D200] =	vst v63  }
0x7c: {  	s22 =	rddreg [dreg:$0x1d]  }
0x7d: {  	[spmem:s21] =	stream.linear.scatter [tilespmem:s10], [sflag:$0xD], $0x1400, $0x38;
	[tilespmem:$0x1D200] =	vst v63  }
0x7e: {  	s23 =	rddreg [dreg:$0x1e]  }
0x7f: {  	[spmem:s22] =	stream.linear.scatter [tilespmem:s10], [sflag:$0xD], $0x1400, $0x38;
	[tilespmem:$0x1D200] =	vst v63  }
0x80: {  	s13 =	rddreg [dreg:$0x1f]  }
0x81: {  	[spmem:s23] =	stream.linear.scatter [tilespmem:s10], [sflag:$0xD], $0x1400, $0x38;
	[tilespmem:$0x1D200] =	vst v63  }
0x82: {  	s16 =	sld [smem:$0x7F9]  }
0x83: {  	[spmem:s13] =	stream.linear.scatter [tilespmem:s10], [sflag:$0xD], $0x1400, $0x38;
	[tilespmem:$0x1D200] =	vst v63  }
0x84: {  	s17 =	sld [smem:$0x7FA]  }
0x85: {  	[spmem:s16] =	stream.linear.scatter [tilespmem:s10], [sflag:$0xD], $0x1400, $0x38;
	[tilespmem:$0x1D200] =	vst v63  }
0x86: {  	s21 =	sld [smem:$0x7FB]  }
0x87: {  	[spmem:s17] =	stream.linear.scatter [tilespmem:s10], [sflag:$0xD], $0x1400, $0x38;
	[tilespmem:$0x1D200] =	vst v63  }
0x88: {  	s22 =	sld [smem:$0x7FC]  }
0x89: {  	[spmem:s21] =	stream.linear.scatter [tilespmem:s10], [sflag:$0xD], $0x1400, $0x38;
	[tilespmem:$0x1D200] =	vst v63  }
0x8a: {  	s23 =	sld [smem:$0x7FD]  }
0x8b: {  	[spmem:s22] =	stream.linear.scatter [tilespmem:s10], [sflag:$0xD], $0x1400, $0x38;
	[tilespmem:$0x1D200] =	vst v63  }
0x8c: {  	_ = 	snop  }
0x8d: {  	[spmem:s23] =	stream.linear.scatter [tilespmem:s10], [sflag:$0xD], $0x1400, $0x38;
	[tilespmem:$0x1D200] =	vst v63  }
0x8e: {  	_ =	swait.ge [sflag:s20], $0x1400  }
0x8f: {  	[sflag:s20] =	ssyncset.done $0x0  }
0x90: {  	[sflag:s20] =	ssyncadd.s32 $0xFFFFEC00  }
0x91: {  	_ =	swait.ge [sflag:s20], $0x1400  }
0x92: {  	[sflag:s20] =	ssyncset.done $0x0  }
0x93: {  	[sflag:s20] =	ssyncadd.s32 $0xFFFFEC00  }
0x94: {  	_ =	swait.ge [sflag:s20], $0x1400  }
0x95: {  	[sflag:s20] =	ssyncset.done $0x0  }
0x96: {  	[sflag:s20] =	ssyncadd.s32 $0xFFFFEC00  }
0x97: {  	_ =	swait.ge [sflag:s20], $0x1400  }
0x98: {  	[sflag:s20] =	ssyncset.done $0x0  }
0x99: {  	[sflag:s20] =	ssyncadd.s32 $0xFFFFEC00  }
0x9a: {  	_ =	swait.ge [sflag:s20], $0x1400  }
0x9b: {  	[sflag:s20] =	ssyncset.done $0x0  }
0x9c: {  	[sflag:s20] =	ssyncadd.s32 $0xFFFFEC00  }
0x9d: {  	_ =	swait.ge [sflag:s20], $0x1400  }
0x9e: {  	[sflag:s20] =	ssyncset.done $0x0  }
0x9f: {  	[sflag:s20] =	ssyncadd.s32 $0xFFFFEC00  }
0xa0: {  	_ =	swait.ge [sflag:s20], $0x1400  }
0xa1: {  	[sflag:s20] =	ssyncset.done $0x0  }
0xa2: {  	[sflag:s20] =	ssyncadd.s32 $0xFFFFEC00  }
0xa3: {  	_ =	swait.ge [sflag:s20], $0x1400  }
0xa4: {  	[sflag:s20] =	ssyncset.done $0x0  }
0xa5: {  	[sflag:s20] =	ssyncadd.s32 $0xFFFFEC00  }
0xa6: {  	_ =	swait.ge [sflag:s20], $0x1400  }
0xa7: {  	[sflag:s20] =	ssyncset.done $0x0  }
0xa8: {  	[sflag:s20] =	ssyncadd.s32 $0xFFFFEC00  }
0xa9: {  	_ =	swait.ge [sflag:s20], $0x1400  }
0xaa: {  	[sflag:s20] =	ssyncset.done $0x0  }
0xab: {  	[sflag:s20] =	ssyncadd.s32 $0xFFFFEC00  }
0xac: {  	_ =	swait.ge [sflag:s20], $0x1400  }
0xad: {  	[sflag:s20] =	ssyncset.done $0x0  }
0xae: {  	[sflag:s20] =	ssyncadd.s32 $0xFFFFEC00  }
0xaf: {  	_ =	swait.ge [sflag:s20], $0x1400  }
0xb0: {  	[sflag:s20] =	ssyncset.done $0x0  }
0xb1: {  	[sflag:s20] =	ssyncadd.s32 $0xFFFFEC00  }
0xb2: {  	_ =	swait.ge [sflag:s20], $0x1400  }
0xb3: {  	[sflag:s20] =	ssyncset.done $0x0  }
0xb4: {  	[sflag:s20] =	ssyncadd.s32 $0xFFFFEC00  }
0xb5: {  	_ =	swait.ge [sflag:s20], $0x1400  }
0xb6: {  	[sflag:s20] =	ssyncset.done $0x0  }
0xb7: {  	[sflag:s20] =	ssyncadd.s32 $0xFFFFEC00  }
0xb8: {  	_ =	swait.ge [sflag:s20], $0x1400  }
0xb9: {  	[sflag:s20] =	ssyncset.done $0x0  }
0xba: {  	[sflag:s20] =	ssyncadd.s32 $0xFFFFEC00  }
.Ltmp3:
0xbb: {  	_ =	swait.ge [sflag:s20], $0x1400;
	(pc) =	sbr.rel .LBB2_4-.Ltmp3, $4  }
0xbc: {  	[sflag:s20] =	ssyncset.done $0x0  }
0xbd: {  	[sflag:s20] =	ssyncadd.s32 $0xFFFFEC00  }
0xbe: {  	s2 =	simm.s32 $0x0;
	[bflag:$0x0] =	sbarrier.arrive $0xFFFF  }
0xbf: {  	s13 =	simm.s32 $0xFFFFFFFC;
	s17 =	simm.s32 $0x0;
	s16 =	rddreg [dreg:$0x10]  }
.LBB2_17:
0xc0: {  	s21 =	rddreg [dreg:$0xf]  }
0xc1: {  	s10 =	simm.s32 $0x14080;
	s22 =	rddreg [dreg:$0xe];
	s21 =	sadd.s32 s2, s21  }
0xc2: {  	[tilespmem:s10], [sflag:$0x8] =	stream.linear.gather [hbm4b:s21+s3], $0x50, $0x38;
	[tilespmem:$0x1D200] =	vst v63  }
0xc3: {  	s23 =	simm.s32 $0x14380;
	p2 =	por $0x1, $0x1;
	s21 =	sadd.s32 s2, s22  }
0xc4: {  	[tilespmem:s23], [sflag:$0x8] =	stream.linear.gather [hbm4b:s21+s3], $0x50, $0x38;
	[tilespmem:$0x1D200] =	vst v63  }
.LBB2_18:
0xc5: {  	_ =	swait.ge [sflag:s29], $0x50  }
0xc6: {  	[sflag:s29] =	ssyncset.done $0x0  }
0xc7: {  	[sflag:s29] =	ssyncadd.s32 $0xFFFFFFB0  }
0xc8: {  	_ =	swait.ge [sflag:s29], $0x50  }
0xc9: {  	[sflag:s29] =	ssyncset.done $0x0  }
0xca: {  	[sflag:s29] =	ssyncadd.s32 $0xFFFFFFB0  }
0xcb: {  	[tilespmem:s11], [sflag:$0x2] =	stream.indirect.gather [hbm4b:s4+s8], $0x80, s0, s8, $0xb8;
	[tilespmem:$0x1D200] =	vst v63  }
0xcc: {  	_ =	swait.ge [sflag:s6], $0x2800  }
0xcd: {  	[sflag:s6] =	ssyncset.done $0x0  }
0xce: {  	[sflag:s6] =	ssyncadd.s32 $0xFFFFD800  }
0xcf: {  	[spmem:s1] =	stream.indirect.scatter.add.f32 [tilespmem:s9], [sflag:$0x4], $0x80, s28, s8, $0xb8;
	[tilespmem:$0x1D200] =	vst v63  }
0xd0: {  	_ =	swait.ge [sflag:s31], $0x2800  }
0xd1: {  	s21 =	sadd.s32 @p2 s2, s25;
	[sflag:s31] =	ssyncset.done $0x0  }
0xd2: {  	s22 =	simm.s32 @p2 $0x0;
	s23 =	simm.s32 @p2 $0x14100;
	[sflag:s31] =	ssyncadd.s32 $0xFFFFD800  }
0xd3: {  	[tilespmem:s23], [sflag:$0x9] =	stream.linear.gather @p2 [hbm4b:s21+s22], $0x50, $0x38;
	[tilespmem:$0x1D200] =	vst v63  }
0xd4: {  	s21 =	sadd.s32 @p2 s2, s24;
	s23 =	simm.s32 @p2 $0x14400  }
0xd5: {  	[tilespmem:s23], [sflag:$0x9] =	stream.linear.gather @p2 [hbm4b:s21+s22], $0x50, $0x38;
	[tilespmem:$0x1D200] =	vst v63  }
0xd6: {  	s21 =	simm.s32 @p2 $0xC  }
0xd7: {  	_ =	swait.ge @p2 [sflag:s21], $0x50  }
0xd8: {  	[sflag:s21] =	ssyncset.done @p2 $0x0  }
0xd9: {  	[sflag:s21] =	ssyncadd.s32 @p2 $0xFFFFFFB0  }
0xda: {  	_ =	swait.ge @p2 [sflag:s21], $0x50  }
0xdb: {  	s17 =	sadd.s32 $0x1, s17;
	s22 =	simm.s32 @p2 $0x14280;
	[sflag:s21] =	ssyncset.done @p2 $0x0  }
0xdc: {  	s23 =	simm.s32 @p2 $0x19600;
	[sflag:s21] =	ssyncadd.s32 @p2 $0xFFFFFFB0;
	s21 =	simm.s32 @p2 $0x50  }
0xdd: {  	[tilespmem:s23], [sflag:$0x3] =	stream.indirect.gather @p2 [hbm4b:s4+s21], $0x80, s22, s21, $0xb8;
	[tilespmem:$0x1D200] =	vst v63  }
0xde: {  	p2 =	sne.s32 s17, $0x16  }
.Ltmp4:
0xdf: {  	_ = 	snop;
	(pc) =	sbr.rel @!p2 .LBB2_19-.Ltmp4, $4  }
0xe0: {  	_ =	swait.ge [sflag:s18], $0x2800  }
0xe1: {  	s16 =	sadd.s32 $0x1E0, s16;
	[sflag:s18] =	ssyncset.done $0x0  }
0xe2: {  	s13 =	sadd.s32 $0x6, s13;
	s2 =	sadd.s32 $0x3C, s2;
	[sflag:s18] =	ssyncadd.s32 $0xFFFFD800  }
0xe3: {  	[spmem:s1] =	stream.indirect.scatter.add.f32 [tilespmem:s11], [sflag:$0x5], $0x80, s5, s8, $0xb8;
	[tilespmem:$0x1D200] =	vst v63  }
.LBB2_4:
0xe4: {  	s21 =	sadd.s32 $0x1, s13;
	p3 =	seq.s32 s2, $0x4EC  }
.Ltmp5:
0xe5: {  	p2 =	sgt.u32 s21, $0x7C;
	(pc) =	sbr.rel @p3 .LBB2_21-.Ltmp5, $4  }
0xe6: {  	s21 =	simm.s32 @!p2 $0x4  }
0xe7: {  	_ =	swait.ge @!p2 [sflag:s21], $0x2800  }
0xe8: {  	[sflag:s21] =	ssyncset.done @!p2 $0x0  }
0xe9: {  	[sflag:s21] =	ssyncadd.s32 @!p2 $0xFFFFD800  }
0xea: {  	p2 =	sgt.u32 s13, $0x79  }
.Ltmp6:
0xeb: {  	s10 =	rddreg [dreg:$0x15];
	(pc) =	sbr.rel @p2 .LBB2_7-.Ltmp6, $4  }
0xec: {  	s23 =	simm.s32 $0x14180;
	s22 =	rddreg [dreg:$0x14];
	s21 =	sadd.s32 s2, s10  }
0xed: {  	[tilespmem:s23], [sflag:$0xA] =	stream.linear.gather [hbm4b:s21+s3], $0x50, $0x38;
	[tilespmem:$0x1D200] =	vst v63  }
0xee: {  	s23 =	sadd.s32 s2, s22  }
0xef: {  	[tilespmem:s28], [sflag:$0xA] =	stream.linear.gather [hbm4b:s23+s3], $0x50, $0x38;
	[tilespmem:$0x1D200] =	vst v63  }
0xf0: {  	_ =	swait.ge [sflag:s7], $0x50  }
0xf1: {  	[sflag:s7] =	ssyncset.done $0x0  }
.Ltmp7:
0xf2: {  	[sflag:s7] =	ssyncadd.s32 $0xFFFFFFB0;
	(pc) =	sbr.rel .LBB2_8-.Ltmp7, $4  }
0xf3: {  	_ =	swait.ge [sflag:s7], $0x50  }
0xf4: {  	[sflag:s7] =	ssyncset.done $0x0  }
0xf5: {  	s10 =	simm.s32 $0x14000;
	[sflag:s7] =	ssyncadd.s32 $0xFFFFFFB0  }
0xf6: {  	[tilespmem:s9], [sflag:$0x1] =	stream.indirect.gather [hbm4b:s4+s8], $0x80, s10, s8, $0xb8;
	[tilespmem:$0x1D200] =	vst v63  }
.LBB2_7:
0xf7: {  	s21 =	sadd.s32 $0x3, s13  }
0xf8: {  	p3 =	sgt.u32 s21, $0x7C  }
.Ltmp8:
0xf9: {  	_ = 	snop;
	(pc) =	sbr.rel @p3 .LBB2_9-.Ltmp8, $2  }
0xfa: {  	_ =	sdelay $0x2  }
0xfb: {  	p2 =	por $0x0, $0x0  }
.LBB2_8:
0xfc: {  	_ =	swait.ge [sflag:s30], $0x2800  }
0xfd: {  	[sflag:s30] =	ssyncset.done $0x0  }
0xfe: {  	s10 =	simm.s32 $0x14580;
	p2 =	por $0x1, $0x1;
	[sflag:s30] =	ssyncadd.s32 $0xFFFFD800  }
0xff: {  	[spmem:s1] =	stream.indirect.scatter.add.f32 [tilespmem:s14], [sflag:$0x6], $0x80, s10, s8, $0xb8;
	[tilespmem:$0x1D200] =	vst v63  }
.LBB2_9:
0x100: {  	p3 =	seq.s32 s17, $0x0  }
0x101: {  	s21 =	simm.s32 @!p3 $0x5  }
0x102: {  	_ =	swait.ge @!p3 [sflag:s21], $0x2800  }
0x103: {  	[sflag:s21] =	ssyncset.done @!p3 $0x0;
	s10 =	rddreg [dreg:$0x13]  }
0x104: {  	[sflag:s21] =	ssyncadd.s32 @!p3 $0xFFFFD800;
	s10 =	sadd.s32 s2, s10  }
0x105: {  	[tilespmem:s0], [sflag:$0xB] =	stream.linear.gather [hbm4b:s10+s3], $0x50, $0x38;
	[tilespmem:$0x1D200] =	vst v63  }
0x106: {  	s22 =	rddreg [dreg:$0x12];
	s10 =	sadd.s32 $0xFFFFFFFF, s17  }
0x107: {  	s23 =	sadd.s32 s2, s22;
	p3 =	sgt.u32 s10, $0x13  }
0x108: {  	[tilespmem:s5], [sflag:$0xB] =	stream.linear.gather [hbm4b:s23+s3], $0x50, $0x38;
	[tilespmem:$0x1D200] =	vst v63  }
0x109: {  	s21 =	simm.s32 @!p3 $0x8  }
0x10a: {  	_ =	swait.ge @!p3 [sflag:s21], $0x50  }
0x10b: {  	[sflag:s21] =	ssyncset.done @!p3 $0x0  }
0x10c: {  	[sflag:s21] =	ssyncadd.s32 @!p3 $0xFFFFFFB0  }
0x10d: {  	_ =	swait.ge @!p3 [sflag:s21], $0x50  }
0x10e: {  	s22 =	simm.s32 @!p3 $0x14080;
	[sflag:s21] =	ssyncset.done @!p3 $0x0  }
0x10f: {  	s23 =	simm.s32 @!p3 $0x16E00;
	[sflag:s21] =	ssyncadd.s32 @!p3 $0xFFFFFFB0;
	s21 =	simm.s32 @!p3 $0x50  }
0x110: {  	[tilespmem:s23], [sflag:$0x2] =	stream.indirect.gather @!p3 [hbm4b:s4+s21], $0x80, s22, s21, $0xb8;
	[tilespmem:$0x1D200] =	vst v63  }
0x111: {  	_ =	swait.ge [sflag:s6], $0x2800  }
0x112: {  	[sflag:s6] =	ssyncset.done $0x0  }
0x113: {  	s22 =	simm.s32 $0x14300;
	s21 =	simm.s32 @p2 $0x6;
	[sflag:s6] =	ssyncadd.s32 $0xFFFFD800  }
0x114: {  	[spmem:s1] =	stream.indirect.scatter.add.f32 [tilespmem:s9], [sflag:$0x4], $0x80, s22, s8, $0xb8;
	[tilespmem:$0x1D200] =	vst v63  }
0x115: {  	_ =	swait.ge @p2 [sflag:s21], $0x2800  }
0x116: {  	[sflag:s21] =	ssyncset.done @p2 $0x0  }
0x117: {  	s10 =	rddreg [dreg:$0x11];
	[sflag:s21] =	ssyncadd.s32 @p2 $0xFFFFD800;
	p2 =	sgt.u32 s17, $0x13  }
0x118: {  	s21 =	sadd.s32 @!p2 s2, s10;
	s22 =	simm.s32 @!p2 $0x0;
	s23 =	simm.s32 @!p2 $0x14280  }
0x119: {  	[tilespmem:s23], [sflag:$0xC] =	stream.linear.gather @!p2 [hbm4b:s21+s22], $0x50, $0x38;
	[tilespmem:$0x1D200] =	vst v63  }
0x11a: {  	s21 =	sadd.s32 @!p2 s2, s26;
	s23 =	simm.s32 @!p2 $0x14580  }
0x11b: {  	[tilespmem:s23], [sflag:$0xC] =	stream.linear.gather @!p2 [hbm4b:s21+s22], $0x50, $0x38;
	[tilespmem:$0x1D200] =	vst v63  }
0x11c: {  	s23 =	sadd.s32 $0x2, s13  }
0x11d: {  	p2 =	sgt.u32 s23, $0x79  }
.Ltmp9:
0x11e: {  	_ = 	snop;
	(pc) =	sbr.rel @p2 .LBB2_12-.Ltmp9, $1  }
0x11f: {  	_ =	sdelay $0x3  }
0x120: {  	_ =	swait.ge [sflag:s12], $0x50  }
0x121: {  	p2 =	slt.u32 s17, $0x15;
	[sflag:s12] =	ssyncset.done $0x0  }
.Ltmp10:
0x122: {  	[sflag:s12] =	ssyncadd.s32 $0xFFFFFFB0;
	(pc) =	sbr.rel @p2 .LBB2_13-.Ltmp10, $4  }
0x123: {  	_ =	swait.ge [sflag:s12], $0x50  }
0x124: {  	[sflag:s12] =	ssyncset.done $0x0  }
0x125: {  	s10 =	simm.s32 $0x14100;
	[sflag:s12] =	ssyncadd.s32 $0xFFFFFFB0  }
0x126: {  	[tilespmem:s14], [sflag:$0x3] =	stream.indirect.gather [hbm4b:s4+s8], $0x80, s10, s8, $0xb8;
	[tilespmem:$0x1D200] =	vst v63  }
.LBB2_11:
.Ltmp11:
0x127: {  	(pc) =	sbr.rel .LBB2_14-.Ltmp11, $4  }
0x128: {  	_ = 	snop  }
0x129: {  	_ =	swait.ge [sflag:s19], $0x2800  }
0x12a: {  	[sflag:s19] =	ssyncset.done $0x0  }
0x12b: {  	p3 =	por $0x0, $0x0;
	p2 =	por $0x0, $0x0;
	[sflag:s19] =	ssyncadd.s32 $0xFFFFD800  }
.LBB2_12:
0x12c: {  	p2 =	sgt.u32 s17, $0x14  }
.Ltmp12:
0x12d: {  	_ = 	snop;
	(pc) =	sbr.rel @p2 .LBB2_11-.Ltmp12, $1  }
0x12e: {  	_ =	sdelay $0x3  }
.LBB2_13:
0x12f: {  	_ =	swait.ge [sflag:s18], $0x2800;
	p4 =	slt.u32 s17, $0x14  }
0x130: {  	s10 =	simm.s32 $0x14380;
	[sflag:s18] =	ssyncset.done $0x0;
	s21 =	sshrl.u32 @p4 s16, $0x3  }
0x131: {  	s23 =	simm.s32 @p4 $0x0;
	p2 =	por @p4 $0x1, $0x1;
	p3 =	por @p4 $0x1, $0x1  }
0x132: {  	[sflag:s18] =	ssyncadd.s32 $0xFFFFD800;
	p3 =	por @!p4 p1, p1;
	p2 =	por @!p4 p0, p0  }
0x133: {  	[spmem:s1] =	stream.indirect.scatter.add.f32 [tilespmem:s11], [sflag:$0x5], $0x80, s10, s8, $0xb8;
	[tilespmem:$0x1D200] =	vst v63  }
0x134: {  	s10 =	smov.u32 s26;
	s26 =	smov.u32 s25;
	_ =	swait.ge [sflag:s19], $0x2800  }
0x135: {  	s25 =	smov.u32 s24;
	[sflag:s19] =	ssyncset.done $0x0;
	s22 =	rddreg [dreg:$0x3]  }
0x136: {  	s24 =	simm.s32 @p4 $0x14000;
	[sflag:s19] =	ssyncadd.s32 $0xFFFFD800;
	s22 =	sadd.s32 @p4 s22, s21  }
0x137: {  	[tilespmem:s24], [sflag:$0x7] =	stream.linear.gather @p4 [hbm4b:s22+s23], $0x50, $0x38;
	[tilespmem:$0x1D200] =	vst v63  }
0x138: {  	s24 =	smov.u32 s25;
	s25 =	smov.u32 s26;
	s22 =	rddreg [dreg:$0x4]  }
0x139: {  	s26 =	smov.u32 s10;
	s21 =	sadd.s32 @p4 s22, s21;
	s22 =	simm.s32 @p4 $0x14300  }
0x13a: {  	[tilespmem:s22], [sflag:$0x7] =	stream.linear.gather @p4 [hbm4b:s21+s23], $0x50, $0x38;
	[tilespmem:$0x1D200] =	vst v63  }
.LBB2_14:
0x13b: {  	_ =	swait.ge [sflag:s15], $0x50  }
0x13c: {  	[sflag:s15] =	ssyncset.done $0x0  }
0x13d: {  	[sflag:s15] =	ssyncadd.s32 $0xFFFFFFB0  }
0x13e: {  	_ =	swait.ge [sflag:s15], $0x50  }
0x13f: {  	[sflag:s15] =	ssyncset.done $0x0  }
0x140: {  	s10 =	simm.s32 $0x14180;
	[sflag:s15] =	ssyncadd.s32 $0xFFFFFFB0  }
0x141: {  	[tilespmem:s9], [sflag:$0x1] =	stream.indirect.gather [hbm4b:s4+s8], $0x80, s10, s8, $0xb8;
	[tilespmem:$0x1D200] =	vst v63  }
.Ltmp13:
0x142: {  	_ = 	snop;
	(pc) =	sbr.rel @!p2 .LBB2_16-.Ltmp13, $4  }
0x143: {  	_ =	swait.ge [sflag:s30], $0x2800  }
0x144: {  	[sflag:s30] =	ssyncset.done $0x0  }
0x145: {  	s23 =	simm.s32 $0x14400;
	[sflag:s30] =	ssyncadd.s32 $0xFFFFD800  }
0x146: {  	[spmem:s1] =	stream.indirect.scatter.add.f32 [tilespmem:s14], [sflag:$0x6], $0x80, s23, s8, $0xb8;
	[tilespmem:$0x1D200] =	vst v63  }
.Ltmp14:
0x147: {  	(pc) =	sbr.rel @p3 .LBB2_17-.Ltmp14, $4  }
.Ltmp15:
0x148: {  	s10 =	simm.s32 $0x5;
	(pc) =	sbr.rel @!p3 .LBB2_18-.Ltmp15, $4  }
0x149: {  	_ =	swait.ge [sflag:s10], $0x2800  }
0x14a: {  	[sflag:s10] =	ssyncset.done $0x0  }
0x14b: {  	p2 =	por $0x0, $0x0;
	[sflag:s10] =	ssyncadd.s32 $0xFFFFD800  }
0x14c: {  	_ = 	snop  }
.LBB2_16:
.Ltmp16:
0x14d: {  	(pc) =	sbr.rel @!p3 .LBB2_18-.Ltmp16, $4  }
.Ltmp17:
0x14e: {  	(pc) =	sbr.rel @p3 .LBB2_17-.Ltmp17, $4  }
0x14f: {  	_ = 	snop  }
0x150: {  	_ = 	snop  }
0x151: {  	p2 =	por $0x0, $0x0  }
0x152: {  	_ = 	snop  }
.LBB2_20:
0x153: {  	_ =	sfence.sel $0x180000  }
0x154: {  	[bflag:$0x0] =	sbarrier.arrive $0xFFFF  }
0x155: {  	_ =	strace $0x9000004A  }
0x156: {  	s0 =	stileid.u32;
	[bflag:$0x2] =	sbarrier.arrive $0xFFFF  }
0x157: {  	p0 =	sne.s32 s0, $0x0;
	s0 =	rddreg [dreg:$0x2]  }
0x158: {  	s0 =	sadd.s32 @!p0 $0x100000, s0  }
0x159: {  	[sflag:s0] =	ssyncadd.tile.s32 @!p0 $0x1;
	_ =	shalt  }
.Lfunc_end2:
_tile_overlayer_lowered:
.L_overlay_start_2:
0x15a: {  	(tag) =	ssettag $0x2  }
0x15b: {  	s0 =	rddreg [dreg:$0x0];
	s2 =	stileid.u32  }
0x15c: {  	s1 =	rddreg [dreg:$0x1];
	p0 =	sne.s32 s2, $0x0  }
0x15d: {  	s3 =	rddreg [dreg:$0x2];
	[bflag:$0x3] =	sbarrier.arrive $0xFFFF;
	s2 =	simm.s32 @!p0 $0x1C0E  }
0x15e: {  	[timem:s3], [sflag:s2] =	dma.local @!p0 [hbm:s0], s1  }
0x15f: {  	s0 =	simm.s32 @!p0 $0xE  }
0x160: {  	_ =	swait.ge @!p0 [sflag:s0], s1  }
0x161: {  	s1 =	ssub.s32 @!p0 $0x0, s1;
	[sflag:s0] =	ssyncset.done @!p0 $0x0  }
0x162: {  	[sflag:s0] =	ssyncadd.s32 @!p0 s1  }
0x163: {  	[bflag:$0x3] =	sbarrier.arrive $0xFFFF  }
0x164: {  	_ =	shalt  }

</sc_bundles>
